<compile_context>
chip_gen: v7x
topology: tpu7x:2x2x1
jax: 0.10.2.dev20260603
libtpu: 0.0.44.dev20260713+nightly
codegen_flags: <defaults>
</compile_context>

<pallas_src>
import functools

import jax
import jax.numpy as jnp
from jax import lax
from jax.experimental import pallas as pl
from jax.experimental.pallas import tpu as pltpu
from jax.experimental.pallas import tpu_sc as plsc

EMBED_DIM = 64
OUT_W = 2 * EMBED_DIM
CHUNK = 128
K = 4
NBUF = 2
TLANES = 384
NLANE = 16


@functools.lru_cache(maxsize=None)
def _build_transpose(vocab):
    info = plsc.get_sparse_core_info()
    nc, ns = info.num_cores, info.num_subcores
    nw = nc * ns
    main = (vocab // CHUNK) * CHUNK
    tail = vocab - main
    n_chunks = main // TLANES
    assert main % TLANES == 0
    n_rounds = -(-n_chunks // nw)

    mesh = plsc.VectorSubcoreMesh(core_axis_name="c", subcore_axis_name="s")

    @functools.partial(
        pl.kernel,
        out_type=jax.ShapeDtypeStruct((vocab // 2, OUT_W), jnp.float32),
        mesh=mesh,
        scratch_types=[
            [pltpu.VMEM((EMBED_DIM, TLANES), jnp.float32) for _ in range(2)],
            [pltpu.VMEM((TLANES // 2, OUT_W), jnp.float32) for _ in range(2)],
            pltpu.VMEM((tail * EMBED_DIM // OUT_W, OUT_W), jnp.float32)
            if tail else None,
            [pltpu.SemaphoreType.DMA for _ in range(2)],
            [pltpu.SemaphoreType.DMA for _ in range(2)],
        ],
        compiler_params=pltpu.CompilerParams(needs_layout_passes=False),
    )
    def transpose_kernel(embT_hbm, tail_hbm, out_hbm, in_v, out_v, tail_v,
                         isem, osem):
        wid = lax.axis_index("s") * nc + lax.axis_index("c")

        ramp = lax.iota(jnp.int32, NLANE)
        row_pat = lax.shift_right_logical(ramp, 1)
        par_pat = lax.mul(lax.rem(ramp, 2), jnp.int32(EMBED_DIM))

        def chunk_of(t):
            return wid + t * nw

        def fire_in(c, b):
            pltpu.async_copy(embT_hbm.at[:, pl.ds(c * TLANES, TLANES)],
                             in_v[b], isem[b])

        def wait_in(c, b):
            pltpu.make_async_copy(embT_hbm.at[:, pl.ds(c * TLANES, TLANES)],
                                  in_v[b], isem[b]).wait()

        def start_out(c, b):
            pltpu.async_copy(out_v[b],
                             out_hbm.at[pl.ds(c * (TLANES // 2), TLANES // 2)],
                             osem[b])

        def wait_out(c, b):
            pltpu.make_async_copy(out_v[b],
                                  out_hbm.at[pl.ds(c * (TLANES // 2),
                                                   TLANES // 2)],
                                  osem[b]).wait()

        def compute(b):
            @pl.loop(0, EMBED_DIM, step=4)
            def _(j):
                for dj in range(4):
                    f_vec = lax.rem(ramp + (j + dj), jnp.int32(EMBED_DIM))
                    cols = par_pat + f_vec
                    for v0 in range(0, TLANES, NLANE):
                        vals = plsc.load_gather(in_v[b], [f_vec, ramp + v0])
                        plsc.store_scatter(
                            out_v[b], [row_pat + (v0 // 2), cols], vals)

        @pl.when(chunk_of(0) < n_chunks)
        def _():
            fire_in(chunk_of(0), 0)

        @pl.loop(0, n_rounds)
        def _(t):
            b = lax.rem(t, 2)
            c = chunk_of(t)

            @pl.when(c < n_chunks)
            def _():
                for bb in range(2):
                    @pl.when(b == bb)
                    def _():
                        wait_in(c, bb)

                        @pl.when(t >= 2)
                        def _():
                            wait_out(chunk_of(t - 2), bb)

                        @pl.when(chunk_of(t + 1) < n_chunks)
                        def _():
                            fire_in(chunk_of(t + 1), 1 - bb)

                        compute(bb)
                        start_out(c, bb)

        my_n = lax.div(n_chunks - wid + nw - 1, nw)

        @pl.loop(0, 2)
        def _(i):
            t_last = my_n - 2 + i

            @pl.when(t_last >= 0)
            def _():
                for bb in range(2):
                    @pl.when(lax.rem(t_last, 2) == bb)
                    def _():
                        wait_out(chunk_of(t_last), bb)

        if tail:
            @pl.when(wid == 0)
            def _():
                pltpu.sync_copy(tail_hbm, tail_v)
                pltpu.sync_copy(
                    tail_v,
                    out_hbm.at[pl.ds(main // 2, tail * EMBED_DIM // OUT_W)])

    return transpose_kernel, tail


@functools.lru_cache(maxsize=None)
def _build_gather(n_total):
    info = plsc.get_sparse_core_info()
    nc, ns = info.num_cores, info.num_subcores
    nw = nc * ns
    per_w = n_total // nw
    group = K * CHUNK
    assert per_w * nw == n_total and per_w % group == 0
    n_chunks = per_w // CHUNK
    n_groups = per_w // group
    assert n_groups % NBUF == 0

    mesh = plsc.VectorSubcoreMesh(core_axis_name="c", subcore_axis_name="s")

    @functools.partial(
        pl.kernel,
        out_type=jax.ShapeDtypeStruct((n_total, OUT_W), jnp.float32),
        mesh=mesh,
        scratch_types=[
            pltpu.VMEM((n_chunks, CHUNK), jnp.int32),
            [pltpu.VMEM((group, EMBED_DIM), jnp.float32) for _ in range(NBUF)],
            [pltpu.SemaphoreType.DMA for _ in range(NBUF)],
            [pltpu.SemaphoreType.DMA for _ in range(NBUF)],
        ],
        compiler_params=pltpu.CompilerParams(use_tc_tiling_on_sc=False),
    )
    def gather_kernel(idx_hbm, table_hbm, out_hbm, idx_v, rows, gsem, wsem):
        wid = lax.axis_index("s") * nc + lax.axis_index("c")
        base = wid * per_w

        pltpu.sync_copy(idx_hbm.at[wid], idx_v)

        def out_slice(g):
            return out_hbm.at[pl.ds(base + g * group, group),
                              pl.ds(0, EMBED_DIM)]

        def fire(g, b):
            for t in range(K):
                pltpu.async_copy(
                    table_hbm.at[idx_v.at[g * K + t]],
                    rows[b].at[pl.ds(t * CHUNK, CHUNK)],
                    gsem[b])

        def drain_gathers(g, b):
            for t in range(K):
                pltpu.make_async_copy(
                    table_hbm.at[idx_v.at[g * K + t]],
                    rows[b].at[pl.ds(t * CHUNK, CHUNK)],
                    gsem[b]).wait()

        def start_write(g, b):
            pltpu.async_copy(rows[b], out_slice(g), wsem[b])

        def wait_write(g, b):
            pltpu.make_async_copy(rows[b], out_slice(g), wsem[b]).wait()

        fire(0, 0)

        @pl.loop(0, n_groups, step=NBUF)
        def _(g0):
            for b in range(NBUF):
                g = g0 + b
                drain_gathers(g, b)
                nb = (b + 1) % NBUF

                @pl.when(g + 1 < n_groups)
                def _():
                    @pl.when(g + 1 >= NBUF)
                    def _():
                        wait_write(g + 1 - NBUF, nb)
                    fire(g + 1, nb)

                start_write(g, b)

        for b in range(NBUF):
            wait_write(n_groups - NBUF + b, b)

    return gather_kernel, nw, n_chunks


def kernel(indices, embeddings):
    batch, hist = indices.shape
    vocab = embeddings.shape[0]
    n_total = batch * hist

    transpose, tail = _build_transpose(vocab)
    run, nw, n_chunks = _build_gather(n_total)

    main = vocab - tail
    t_rm = transpose(embeddings.T,
                     embeddings[main:].reshape(tail * EMBED_DIM // OUT_W,
                                               OUT_W))
    t_lin = t_rm.reshape(vocab, EMBED_DIM)

    idx3 = indices.reshape(nw, n_chunks, CHUNK)
    out2 = run(idx3, t_lin)
    return out2[:, :EMBED_DIM].reshape(batch, hist, EMBED_DIM)

# --- scband reference (transcript-rebuilt; emitter-appended) ---
"""Pipeline reference for scband-document-reader-model-89532888253211 (READ-ONLY COPY).

The authoritative reference and input builder live on the scoring server;
editing this copy changes nothing except your own understanding.
"""

import jax, jax.numpy as jnp
import numpy as np

VOCAB = 1000000
EMBED_DIM = 64
BATCH = 4096
HIST_LEN = 200


def setup_inputs(seed: int = 0) -> dict:
    key = jax.random.key(seed)
    k1, k2 = jax.random.split(key)
    indices = jax.random.randint(k1, (BATCH, HIST_LEN), 0, VOCAB, dtype=jnp.int64 if jax.config.jax_enable_x64 else jnp.int32).astype(jnp.int32)
    embeddings = jax.random.normal(k2, (VOCAB, EMBED_DIM), dtype=jnp.float32) * 0.02
    return {"indices": indices, "embeddings": embeddings}


def reference(indices, embeddings):
    # DocumentReaderModel embedding lookup: nn.Embedding.from_pretrained(embeddings)(indices)
    return jnp.take(embeddings, indices, axis=0)

if __name__ == "__main__":
    import jax
    _d = setup_inputs()
    print(jax.jit(kernel)(*tuple(_d.values())))

</pallas_src>

<mosaic_0001>
#map = affine_map<(d0, d1) -> (0, 0)>
module attributes {stable_mosaic.version = 14 : i64} {
  func.func @transpose_kernel(%arg0: i32, %arg1: i32, %arg2: memref<64x1000000xf32, #tpu.memory_space<hbm>>, %arg3: memref<32x128xf32, #tpu.memory_space<hbm>>, %arg4: memref<500000x128xf32, #tpu.memory_space<hbm>>, %arg5: memref<64x384xf32, #tpu.memory_space<vmem>>, %arg6: memref<64x384xf32, #tpu.memory_space<vmem>>, %arg7: memref<192x128xf32, #tpu.memory_space<vmem>>, %arg8: memref<192x128xf32, #tpu.memory_space<vmem>>, %arg9: memref<32x128xf32, #tpu.memory_space<vmem>>, %arg10: memref<!tpu.dma_semaphore, #tpu.memory_space<semaphore_mem>>, %arg11: memref<!tpu.dma_semaphore, #tpu.memory_space<semaphore_mem>>, %arg12: memref<!tpu.dma_semaphore, #tpu.memory_space<semaphore_mem>>, %arg13: memref<!tpu.dma_semaphore, #tpu.memory_space<semaphore_mem>>) attributes {dimension_semantics = [#tpu.dimension_semantics<core_parallel>, #tpu.dimension_semantics<subcore_parallel>], iteration_bounds = array<i64: 2, 16>, scalar_prefetch = 0 : i64, scratch_operands = 9 : i64, tpu.core_type = #tpu.core_type<sc_vector_subcore>, window_params = [{transform_indices = #map}, {transform_indices = #map}, {transform_indices = #map}]} {
    %mul3A = arith.constant 2 : i32
    %mul3A_0 = arith.muli %arg1, %mul3A : i32
    %add3A = arith.addi %mul3A_0, %arg0 : i32
    %iota3A = tpu.iota {dimensions = array<i32: 0>} : vector<16xi32>
    %shift_right_logical3A = arith.constant 1 : i32
    %shift_right_logical3A_1 = vector.broadcast %shift_right_logical3A : i32 to vector<16xi32>
    %shift_right_logical3A_2 = arith.shrui %iota3A, %shift_right_logical3A_1 : vector<16xi32>
    %rem3A = arith.constant 2 : i32
    %rem3A_3 = vector.broadcast %rem3A : i32 to vector<16xi32>
    %rem3A_4 = arith.remsi %iota3A, %rem3A_3 : vector<16xi32>
    %mul3A_5 = arith.constant 64 : i32
    %mul3A_6 = vector.broadcast %mul3A_5 : i32 to vector<16xi32>
    %mul3A_7 = arith.muli %rem3A_4, %mul3A_6 : vector<16xi32>
    %add3A_8 = arith.constant 0 : i32
    %add3A_9 = arith.addi %add3A, %add3A_8 : i32
    %lt3A = arith.constant 2604 : i32
    %lt3A_10 = arith.cmpi slt, %add3A_9, %lt3A : i32
    %convert_element_type3A = arith.extui %lt3A_10 : i1 to i32
    %cond3A = arith.constant 0 : i32
    %cond3A_11 = arith.cmpi ne, %convert_element_type3A, %cond3A : i32
    scf.if %cond3A_11 {
      %add3A_31 = arith.constant 0 : i32
      %add3A_32 = arith.addi %add3A, %add3A_31 : i32
      %mul3A_33 = arith.constant 384 : i32
      %mul3A_34 = arith.muli %add3A_32, %mul3A_33 : i32
      %dma_start3A = arith.constant 0 : i32
      %dma_start3A_35 = tpu.memref_slice %arg2[%dma_start3A, %mul3A_34] : memref<64x1000000xf32, #tpu.memory_space<hbm>> -> memref<64x384xf32, #tpu.memory_space<hbm>>
      %dma_start3A_36 = arith.constant 0 : i32
      %dma_start3A_37 = tpu.memref_slice %arg2[%dma_start3A_36, %mul3A_34] : memref<64x1000000xf32, #tpu.memory_space<hbm>> -> memref<64x384xf32, #tpu.memory_space<hbm>>
      tpu.enqueue_dma source(%dma_start3A_37 : memref<64x384xf32, #tpu.memory_space<hbm>>) target(%arg5 : memref<64x384xf32, #tpu.memory_space<vmem>>) target_semaphore(%arg10 : memref<!tpu.dma_semaphore, #tpu.memory_space<semaphore_mem>>)
    } else {
    }
    %scan3A = arith.constant 0 : i32
    %scan3A_12 = arith.constant 82 : i32
    %scan3A_13 = arith.addi %scan3A, %scan3A_12 : i32
    %scan3A_14 = arith.constant 1 : i32
    scf.for %scan3A_31 = %scan3A to %scan3A_13 step %scan3A_14  : i32 {
      %mul3A_32 = arith.constant 1 : i32
      %mul3A_33 = arith.muli %scan3A_31, %mul3A_32 : i32
      %add3A_34 = arith.constant 0 : i32
      %add3A_35 = arith.addi %add3A_34, %mul3A_33 : i32
      %rem3A_36 = arith.constant 2 : i32
      %rem3A_37 = arith.remsi %add3A_35, %rem3A_36 : i32
      %mul3A_38 = arith.constant 32 : i32
      %mul3A_39 = arith.muli %add3A_35, %mul3A_38 : i32
      %add3A_40 = arith.addi %add3A, %mul3A_39 : i32
      %lt3A_41 = arith.constant 2604 : i32
      %lt3A_42 = arith.cmpi slt, %add3A_40, %lt3A_41 : i32
      %convert_element_type3A_43 = arith.extui %lt3A_42 : i1 to i32
      %cond3A_44 = arith.constant 0 : i32
      %cond3A_45 = arith.cmpi ne, %convert_element_type3A_43, %cond3A_44 : i32
      scf.if %cond3A_45 {
        %eq3A_46 = arith.constant 0 : i32
        %eq3A_47 = arith.cmpi eq, %rem3A_37, %eq3A_46 : i32
        %convert_element_type3A_48 = arith.extui %eq3A_47 : i1 to i32
        %cond3A_49 = arith.constant 0 : i32
        %cond3A_50 = arith.cmpi ne, %convert_element_type3A_48, %cond3A_49 : i32
        scf.if %cond3A_50 {
          %mul3A_56 = arith.constant 384 : i32
          %mul3A_57 = arith.muli %add3A_40, %mul3A_56 : i32
          %dma_wait3A = arith.constant 0 : i32
          %dma_wait3A_58 = tpu.memref_slice %arg2[%dma_wait3A, %mul3A_57] : memref<64x1000000xf32, #tpu.memory_space<hbm>> -> memref<64x384xf32, #tpu.memory_space<hbm>>
          %dma_wait3A_59 = arith.constant 0 : i32
          %dma_wait3A_60 = tpu.memref_slice %arg2[%dma_wait3A_59, %mul3A_57] : memref<64x1000000xf32, #tpu.memory_space<hbm>> -> memref<64x384xf32, #tpu.memory_space<hbm>>
          tpu.wait_dma2 semaphore(%arg10 : memref<!tpu.dma_semaphore, #tpu.memory_space<semaphore_mem>>) src(%dma_wait3A_60 : memref<64x384xf32, #tpu.memory_space<hbm>>) dst(%arg5 : memref<64x384xf32, #tpu.memory_space<vmem>>)
          %ge3A = arith.constant 2 : i32
          %ge3A_61 = arith.cmpi sge, %add3A_35, %ge3A : i32
          %convert_element_type3A_62 = arith.extui %ge3A_61 : i1 to i32
          %cond3A_63 = arith.constant 0 : i32
          %cond3A_64 = arith.cmpi ne, %convert_element_type3A_62, %cond3A_63 : i32
          scf.if %cond3A_64 {
            %sub3A_85 = arith.constant 2 : i32
            %sub3A_86 = arith.subi %add3A_35, %sub3A_85 : i32
            %mul3A_87 = arith.constant 32 : i32
            %mul3A_88 = arith.muli %sub3A_86, %mul3A_87 : i32
            %add3A_89 = arith.addi %add3A, %mul3A_88 : i32
            %mul3A_90 = arith.constant 192 : i32
            %mul3A_91 = arith.muli %add3A_89, %mul3A_90 : i32
            %dma_wait3A_92 = arith.constant 0 : i32
            %dma_wait3A_93 = tpu.memref_slice %arg4[%mul3A_91, %dma_wait3A_92] : memref<500000x128xf32, #tpu.memory_space<hbm>> -> memref<192x128xf32, #tpu.memory_space<hbm>>
            %dma_wait3A_94 = arith.constant 0 : i32
            %dma_wait3A_95 = tpu.memref_slice %arg4[%mul3A_91, %dma_wait3A_94] : memref<500000x128xf32, #tpu.memory_space<hbm>> -> memref<192x128xf32, #tpu.memory_space<hbm>>
            tpu.wait_dma2 semaphore(%arg12 : memref<!tpu.dma_semaphore, #tpu.memory_space<semaphore_mem>>) src(%arg7 : memref<192x128xf32, #tpu.memory_space<vmem>>) dst(%dma_wait3A_95 : memref<192x128xf32, #tpu.memory_space<hbm>>)
          } else {
          }
          %add3A_65 = arith.constant 1 : i32
          %add3A_66 = arith.addi %add3A_35, %add3A_65 : i32
          %mul3A_67 = arith.constant 32 : i32
          %mul3A_68 = arith.muli %add3A_66, %mul3A_67 : i32
          %add3A_69 = arith.addi %add3A, %mul3A_68 : i32
          %lt3A_70 = arith.constant 2604 : i32
          %lt3A_71 = arith.cmpi slt, %add3A_69, %lt3A_70 : i32
          %convert_element_type3A_72 = arith.extui %lt3A_71 : i1 to i32
          %cond3A_73 = arith.constant 0 : i32
          %cond3A_74 = arith.cmpi ne, %convert_element_type3A_72, %cond3A_73 : i32
          scf.if %cond3A_74 {
            %add3A_85 = arith.constant 1 : i32
            %add3A_86 = arith.addi %add3A_35, %add3A_85 : i32
            %mul3A_87 = arith.constant 32 : i32
            %mul3A_88 = arith.muli %add3A_86, %mul3A_87 : i32
            %add3A_89 = arith.addi %add3A, %mul3A_88 : i32
            %mul3A_90 = arith.constant 384 : i32
            %mul3A_91 = arith.muli %add3A_89, %mul3A_90 : i32
            %dma_start3A_92 = arith.constant 0 : i32
            %dma_start3A_93 = tpu.memref_slice %arg2[%dma_start3A_92, %mul3A_91] : memref<64x1000000xf32, #tpu.memory_space<hbm>> -> memref<64x384xf32, #tpu.memory_space<hbm>>
            %dma_start3A_94 = arith.constant 0 : i32
            %dma_start3A_95 = tpu.memref_slice %arg2[%dma_start3A_94, %mul3A_91] : memref<64x1000000xf32, #tpu.memory_space<hbm>> -> memref<64x384xf32, #tpu.memory_space<hbm>>
            tpu.enqueue_dma source(%dma_start3A_95 : memref<64x384xf32, #tpu.memory_space<hbm>>) target(%arg6 : memref<64x384xf32, #tpu.memory_space<vmem>>) target_semaphore(%arg11 : memref<!tpu.dma_semaphore, #tpu.memory_space<semaphore_mem>>)
          } else {
          }
          %scan3A_75 = arith.constant 0 : i32
          %scan3A_76 = arith.constant 16 : i32
          %scan3A_77 = arith.addi %scan3A_75, %scan3A_76 : i32
          %scan3A_78 = arith.constant 1 : i32
          scf.for %scan3A_85 = %scan3A_75 to %scan3A_77 step %scan3A_78  : i32 {
            %mul3A_86 = arith.constant 4 : i32
            %mul3A_87 = arith.muli %scan3A_85, %mul3A_86 : i32
            %add3A_88 = arith.constant 0 : i32
            %add3A_89 = arith.addi %add3A_88, %mul3A_87 : i32
            %add3A_90 = arith.constant 0 : i32
            %add3A_91 = arith.addi %add3A_89, %add3A_90 : i32
            %add3A_92 = vector.broadcast %add3A_91 : i32 to vector<16xi32>
            %add3A_93 = arith.addi %iota3A, %add3A_92 : vector<16xi32>
            %rem3A_94 = arith.constant 64 : i32
            %rem3A_95 = vector.broadcast %rem3A_94 : i32 to vector<16xi32>
            %rem3A_96 = arith.remsi %add3A_93, %rem3A_95 : vector<16xi32>
            %add3A_97 = arith.addi %mul3A_7, %rem3A_96 : vector<16xi32>
            %add3A_98 = arith.constant 0 : i32
            %add3A_99 = vector.broadcast %add3A_98 : i32 to vector<16xi32>
            %add3A_100 = arith.addi %iota3A, %add3A_99 : vector<16xi32>
            %gather3A = tpu.vector_load_idx %arg5[%rem3A_96, %add3A_100] : memref<64x384xf32, #tpu.memory_space<vmem>>[vector<16xi32>, vector<16xi32>], vector<16xf32>,
            %add3A_101 = arith.constant 0 : i32
            %add3A_102 = vector.broadcast %add3A_101 : i32 to vector<16xi32>
            %add3A_103 = arith.addi %shift_right_logical3A_2, %add3A_102 : vector<16xi32>
            tpu.vector_store_idx %arg7[%add3A_103, %add3A_97], %gather3A : memref<192x128xf32, #tpu.memory_space<vmem>>[vector<16xi32>, vector<16xi32>], vector<16xf32>,
            %add3A_104 = arith.constant 16 : i32
            %add3A_105 = vector.broadcast %add3A_104 : i32 to vector<16xi32>
            %add3A_106 = arith.addi %iota3A, %add3A_105 : vector<16xi32>
            %gather3A_107 = tpu.vector_load_idx %arg5[%rem3A_96, %add3A_106] : memref<64x384xf32, #tpu.memory_space<vmem>>[vector<16xi32>, vector<16xi32>], vector<16xf32>,
            %add3A_108 = arith.constant 8 : i32
            %add3A_109 = vector.broadcast %add3A_108 : i32 to vector<16xi32>
            %add3A_110 = arith.addi %shift_right_logical3A_2, %add3A_109 : vector<16xi32>
            tpu.vector_store_idx %arg7[%add3A_110, %add3A_97], %gather3A_107 : memref<192x128xf32, #tpu.memory_space<vmem>>[vector<16xi32>, vector<16xi32>], vector<16xf32>,
            %add3A_111 = arith.constant 32 : i32
            %add3A_112 = vector.broadcast %add3A_111 : i32 to vector<16xi32>
            %add3A_113 = arith.addi %iota3A, %add3A_112 : vector<16xi32>
            %gather3A_114 = tpu.vector_load_idx %arg5[%rem3A_96, %add3A_113] : memref<64x384xf32, #tpu.memory_space<vmem>>[vector<16xi32>, vector<16xi32>], vector<16xf32>,
            %add3A_115 = arith.constant 16 : i32
            %add3A_116 = vector.broadcast %add3A_115 : i32 to vector<16xi32>
            %add3A_117 = arith.addi %shift_right_logical3A_2, %add3A_116 : vector<16xi32>
            tpu.vector_store_idx %arg7[%add3A_117, %add3A_97], %gather3A_114 : memref<192x128xf32, #tpu.memory_space<vmem>>[vector<16xi32>, vector<16xi32>], vector<16xf32>,
            %add3A_118 = arith.constant 48 : i32
            %add3A_119 = vector.broadcast %add3A_118 : i32 to vector<16xi32>
            %add3A_120 = arith.addi %iota3A, %add3A_119 : vector<16xi32>
            %gather3A_121 = tpu.vector_load_idx %arg5[%rem3A_96, %add3A_120] : memref<64x384xf32, #tpu.memory_space<vmem>>[vector<16xi32>, vector<16xi32>], vector<16xf32>,
            %add3A_122 = arith.constant 24 : i32
            %add3A_123 = vector.broadcast %add3A_122 : i32 to vector<16xi32>
            %add3A_124 = arith.addi %shift_right_logical3A_2, %add3A_123 : vector<16xi32>
            tpu.vector_store_idx %arg7[%add3A_124, %add3A_97], %gather3A_121 : memref<192x128xf32, #tpu.memory_space<vmem>>[vector<16xi32>, vector<16xi32>], vector<16xf32>,
            %add3A_125 = arith.constant 64 : i32
            %add3A_126 = vector.broadcast %add3A_125 : i32 to vector<16xi32>
            %add3A_127 = arith.addi %iota3A, %add3A_126 : vector<16xi32>
            %gather3A_128 = tpu.vector_load_idx %arg5[%rem3A_96, %add3A_127] : memref<64x384xf32, #tpu.memory_space<vmem>>[vector<16xi32>, vector<16xi32>], vector<16xf32>,
            %add3A_129 = arith.constant 32 : i32
            %add3A_130 = vector.broadcast %add3A_129 : i32 to vector<16xi32>
            %add3A_131 = arith.addi %shift_right_logical3A_2, %add3A_130 : vector<16xi32>
            tpu.vector_store_idx %arg7[%add3A_131, %add3A_97], %gather3A_128 : memref<192x128xf32, #tpu.memory_space<vmem>>[vector<16xi32>, vector<16xi32>], vector<16xf32>,
            %add3A_132 = arith.constant 80 : i32
            %add3A_133 = vector.broadcast %add3A_132 : i32 to vector<16xi32>
            %add3A_134 = arith.addi %iota3A, %add3A_133 : vector<16xi32>
            %gather3A_135 = tpu.vector_load_idx %arg5[%rem3A_96, %add3A_134] : memref<64x384xf32, #tpu.memory_space<vmem>>[vector<16xi32>, vector<16xi32>], vector<16xf32>,
            %add3A_136 = arith.constant 40 : i32
            %add3A_137 = vector.broadcast %add3A_136 : i32 to vector<16xi32>
            %add3A_138 = arith.addi %shift_right_logical3A_2, %add3A_137 : vector<16xi32>
            tpu.vector_store_idx %arg7[%add3A_138, %add3A_97], %gather3A_135 : memref<192x128xf32, #tpu.memory_space<vmem>>[vector<16xi32>, vector<16xi32>], vector<16xf32>,
            %add3A_139 = arith.constant 96 : i32
            %add3A_140 = vector.broadcast %add3A_139 : i32 to vector<16xi32>
            %add3A_141 = arith.addi %iota3A, %add3A_140 : vector<16xi32>
            %gather3A_142 = tpu.vector_load_idx %arg5[%rem3A_96, %add3A_141] : memref<64x384xf32, #tpu.memory_space<vmem>>[vector<16xi32>, vector<16xi32>], vector<16xf32>,
            %add3A_143 = arith.constant 48 : i32
            %add3A_144 = vector.broadcast %add3A_143 : i32 to vector<16xi32>
            %add3A_145 = arith.addi %shift_right_logical3A_2, %add3A_144 : vector<16xi32>
            tpu.vector_store_idx %arg7[%add3A_145, %add3A_97], %gather3A_142 : memref<192x128xf32, #tpu.memory_space<vmem>>[vector<16xi32>, vector<16xi32>], vector<16xf32>,
            %add3A_146 = arith.constant 112 : i32
            %add3A_147 = vector.broadcast %add3A_146 : i32 to vector<16xi32>
            %add3A_148 = arith.addi %iota3A, %add3A_147 : vector<16xi32>
            %gather3A_149 = tpu.vector_load_idx %arg5[%rem3A_96, %add3A_148] : memref<64x384xf32, #tpu.memory_space<vmem>>[vector<16xi32>, vector<16xi32>], vector<16xf32>,
            %add3A_150 = arith.constant 56 : i32
            %add3A_151 = vector.broadcast %add3A_150 : i32 to vector<16xi32>
            %add3A_152 = arith.addi %shift_right_logical3A_2, %add3A_151 : vector<16xi32>
            tpu.vector_store_idx %arg7[%add3A_152, %add3A_97], %gather3A_149 : memref<192x128xf32, #tpu.memory_space<vmem>>[vector<16xi32>, vector<16xi32>], vector<16xf32>,
            %add3A_153 = arith.constant 128 : i32
            %add3A_154 = vector.broadcast %add3A_153 : i32 to vector<16xi32>
            %add3A_155 = arith.addi %iota3A, %add3A_154 : vector<16xi32>
            %gather3A_156 = tpu.vector_load_idx %arg5[%rem3A_96, %add3A_155] : memref<64x384xf32, #tpu.memory_space<vmem>>[vector<16xi32>, vector<16xi32>], vector<16xf32>,
            %add3A_157 = arith.constant 64 : i32
            %add3A_158 = vector.broadcast %add3A_157 : i32 to vector<16xi32>
            %add3A_159 = arith.addi %shift_right_logical3A_2, %add3A_158 : vector<16xi32>
            tpu.vector_store_idx %arg7[%add3A_159, %add3A_97], %gather3A_156 : memref<192x128xf32, #tpu.memory_space<vmem>>[vector<16xi32>, vector<16xi32>], vector<16xf32>,
            %add3A_160 = arith.constant 144 : i32
            %add3A_161 = vector.broadcast %add3A_160 : i32 to vector<16xi32>
            %add3A_162 = arith.addi %iota3A, %add3A_161 : vector<16xi32>
            %gather3A_163 = tpu.vector_load_idx %arg5[%rem3A_96, %add3A_162] : memref<64x384xf32, #tpu.memory_space<vmem>>[vector<16xi32>, vector<16xi32>], vector<16xf32>,
            %add3A_164 = arith.constant 72 : i32
            %add3A_165 = vector.broadcast %add3A_164 : i32 to vector<16xi32>
            %add3A_166 = arith.addi %shift_right_logical3A_2, %add3A_165 : vector<16xi32>
            tpu.vector_store_idx %arg7[%add3A_166, %add3A_97], %gather3A_163 : memref<192x128xf32, #tpu.memory_space<vmem>>[vector<16xi32>, vector<16xi32>], vector<16xf32>,
            %add3A_167 = arith.constant 160 : i32
            %add3A_168 = vector.broadcast %add3A_167 : i32 to vector<16xi32>
            %add3A_169 = arith.addi %iota3A, %add3A_168 : vector<16xi32>
            %gather3A_170 = tpu.vector_load_idx %arg5[%rem3A_96, %add3A_169] : memref<64x384xf32, #tpu.memory_space<vmem>>[vector<16xi32>, vector<16xi32>], vector<16xf32>,
            %add3A_171 = arith.constant 80 : i32
            %add3A_172 = vector.broadcast %add3A_171 : i32 to vector<16xi32>
            %add3A_173 = arith.addi %shift_right_logical3A_2, %add3A_172 : vector<16xi32>
            tpu.vector_store_idx %arg7[%add3A_173, %add3A_97], %gather3A_170 : memref<192x128xf32, #tpu.memory_space<vmem>>[vector<16xi32>, vector<16xi32>], vector<16xf32>,
            %add3A_174 = arith.constant 176 : i32
            %add3A_175 = vector.broadcast %add3A_174 : i32 to vector<16xi32>
            %add3A_176 = arith.addi %iota3A, %add3A_175 : vector<16xi32>
            %gather3A_177 = tpu.vector_load_idx %arg5[%rem3A_96, %add3A_176] : memref<64x384xf32, #tpu.memory_space<vmem>>[vector<16xi32>, vector<16xi32>], vector<16xf32>,
            %add3A_178 = arith.constant 88 : i32
            %add3A_179 = vector.broadcast %add3A_178 : i32 to vector<16xi32>
            %add3A_180 = arith.addi %shift_right_logical3A_2, %add3A_179 : vector<16xi32>
            tpu.vector_store_idx %arg7[%add3A_180, %add3A_97], %gather3A_177 : memref<192x128xf32, #tpu.memory_space<vmem>>[vector<16xi32>, vector<16xi32>], vector<16xf32>,
            %add3A_181 = arith.constant 192 : i32
            %add3A_182 = vector.broadcast %add3A_181 : i32 to vector<16xi32>
            %add3A_183 = arith.addi %iota3A, %add3A_182 : vector<16xi32>
            %gather3A_184 = tpu.vector_load_idx %arg5[%rem3A_96, %add3A_183] : memref<64x384xf32, #tpu.memory_space<vmem>>[vector<16xi32>, vector<16xi32>], vector<16xf32>,
            %add3A_185 = arith.constant 96 : i32
            %add3A_186 = vector.broadcast %add3A_185 : i32 to vector<16xi32>
            %add3A_187 = arith.addi %shift_right_logical3A_2, %add3A_186 : vector<16xi32>
            tpu.vector_store_idx %arg7[%add3A_187, %add3A_97], %gather3A_184 : memref<192x128xf32, #tpu.memory_space<vmem>>[vector<16xi32>, vector<16xi32>], vector<16xf32>,
            %add3A_188 = arith.constant 208 : i32
            %add3A_189 = vector.broadcast %add3A_188 : i32 to vector<16xi32>
            %add3A_190 = arith.addi %iota3A, %add3A_189 : vector<16xi32>
            %gather3A_191 = tpu.vector_load_idx %arg5[%rem3A_96, %add3A_190] : memref<64x384xf32, #tpu.memory_space<vmem>>[vector<16xi32>, vector<16xi32>], vector<16xf32>,
            %add3A_192 = arith.constant 104 : i32
            %add3A_193 = vector.broadcast %add3A_192 : i32 to vector<16xi32>
            %add3A_194 = arith.addi %shift_right_logical3A_2, %add3A_193 : vector<16xi32>
            tpu.vector_store_idx %arg7[%add3A_194, %add3A_97], %gather3A_191 : memref<192x128xf32, #tpu.memory_space<vmem>>[vector<16xi32>, vector<16xi32>], vector<16xf32>,
            %add3A_195 = arith.constant 224 : i32
            %add3A_196 = vector.broadcast %add3A_195 : i32 to vector<16xi32>
            %add3A_197 = arith.addi %iota3A, %add3A_196 : vector<16xi32>
            %gather3A_198 = tpu.vector_load_idx %arg5[%rem3A_96, %add3A_197] : memref<64x384xf32, #tpu.memory_space<vmem>>[vector<16xi32>, vector<16xi32>], vector<16xf32>,
            %add3A_199 = arith.constant 112 : i32
            %add3A_200 = vector.broadcast %add3A_199 : i32 to vector<16xi32>
            %add3A_201 = arith.addi %shift_right_logical3A_2, %add3A_200 : vector<16xi32>
            tpu.vector_store_idx %arg7[%add3A_201, %add3A_97], %gather3A_198 : memref<192x128xf32, #tpu.memory_space<vmem>>[vector<16xi32>, vector<16xi32>], vector<16xf32>,
            %add3A_202 = arith.constant 240 : i32
            %add3A_203 = vector.broadcast %add3A_202 : i32 to vector<16xi32>
            %add3A_204 = arith.addi %iota3A, %add3A_203 : vector<16xi32>
            %gather3A_205 = tpu.vector_load_idx %arg5[%rem3A_96, %add3A_204] : memref<64x384xf32, #tpu.memory_space<vmem>>[vector<16xi32>, vector<16xi32>], vector<16xf32>,
            %add3A_206 = arith.constant 120 : i32
            %add3A_207 = vector.broadcast %add3A_206 : i32 to vector<16xi32>
            %add3A_208 = arith.addi %shift_right_logical3A_2, %add3A_207 : vector<16xi32>
            tpu.vector_store_idx %arg7[%add3A_208, %add3A_97], %gather3A_205 : memref<192x128xf32, #tpu.memory_space<vmem>>[vector<16xi32>, vector<16xi32>], vector<16xf32>,
            %add3A_209 = arith.constant 256 : i32
            %add3A_210 = vector.broadcast %add3A_209 : i32 to vector<16xi32>
            %add3A_211 = arith.addi %iota3A, %add3A_210 : vector<16xi32>
            %gather3A_212 = tpu.vector_load_idx %arg5[%rem3A_96, %add3A_211] : memref<64x384xf32, #tpu.memory_space<vmem>>[vector<16xi32>, vector<16xi32>], vector<16xf32>,
            %add3A_213 = arith.constant 128 : i32
            %add3A_214 = vector.broadcast %add3A_213 : i32 to vector<16xi32>
            %add3A_215 = arith.addi %shift_right_logical3A_2, %add3A_214 : vector<16xi32>
            tpu.vector_store_idx %arg7[%add3A_215, %add3A_97], %gather3A_212 : memref<192x128xf32, #tpu.memory_space<vmem>>[vector<16xi32>, vector<16xi32>], vector<16xf32>,
            %add3A_216 = arith.constant 272 : i32
            %add3A_217 = vector.broadcast %add3A_216 : i32 to vector<16xi32>
            %add3A_218 = arith.addi %iota3A, %add3A_217 : vector<16xi32>
            %gather3A_219 = tpu.vector_load_idx %arg5[%rem3A_96, %add3A_218] : memref<64x384xf32, #tpu.memory_space<vmem>>[vector<16xi32>, vector<16xi32>], vector<16xf32>,
            %add3A_220 = arith.constant 136 : i32
            %add3A_221 = vector.broadcast %add3A_220 : i32 to vector<16xi32>
            %add3A_222 = arith.addi %shift_right_logical3A_2, %add3A_221 : vector<16xi32>
            tpu.vector_store_idx %arg7[%add3A_222, %add3A_97], %gather3A_219 : memref<192x128xf32, #tpu.memory_space<vmem>>[vector<16xi32>, vector<16xi32>], vector<16xf32>,
            %add3A_223 = arith.constant 288 : i32
            %add3A_224 = vector.broadcast %add3A_223 : i32 to vector<16xi32>
            %add3A_225 = arith.addi %iota3A, %add3A_224 : vector<16xi32>
            %gather3A_226 = tpu.vector_load_idx %arg5[%rem3A_96, %add3A_225] : memref<64x384xf32, #tpu.memory_space<vmem>>[vector<16xi32>, vector<16xi32>], vector<16xf32>,
            %add3A_227 = arith.constant 144 : i32
            %add3A_228 = vector.broadcast %add3A_227 : i32 to vector<16xi32>
            %add3A_229 = arith.addi %shift_right_logical3A_2, %add3A_228 : vector<16xi32>
            tpu.vector_store_idx %arg7[%add3A_229, %add3A_97], %gather3A_226 : memref<192x128xf32, #tpu.memory_space<vmem>>[vector<16xi32>, vector<16xi32>], vector<16xf32>,
            %add3A_230 = arith.constant 304 : i32
            %add3A_231 = vector.broadcast %add3A_230 : i32 to vector<16xi32>
            %add3A_232 = arith.addi %iota3A, %add3A_231 : vector<16xi32>
            %gather3A_233 = tpu.vector_load_idx %arg5[%rem3A_96, %add3A_232] : memref<64x384xf32, #tpu.memory_space<vmem>>[vector<16xi32>, vector<16xi32>], vector<16xf32>,
            %add3A_234 = arith.constant 152 : i32
            %add3A_235 = vector.broadcast %add3A_234 : i32 to vector<16xi32>
            %add3A_236 = arith.addi %shift_right_logical3A_2, %add3A_235 : vector<16xi32>
            tpu.vector_store_idx %arg7[%add3A_236, %add3A_97], %gather3A_233 : memref<192x128xf32, #tpu.memory_space<vmem>>[vector<16xi32>, vector<16xi32>], vector<16xf32>,
            %add3A_237 = arith.constant 320 : i32
            %add3A_238 = vector.broadcast %add3A_237 : i32 to vector<16xi32>
            %add3A_239 = arith.addi %iota3A, %add3A_238 : vector<16xi32>
            %gather3A_240 = tpu.vector_load_idx %arg5[%rem3A_96, %add3A_239] : memref<64x384xf32, #tpu.memory_space<vmem>>[vector<16xi32>, vector<16xi32>], vector<16xf32>,
            %add3A_241 = arith.constant 160 : i32
            %add3A_242 = vector.broadcast %add3A_241 : i32 to vector<16xi32>
            %add3A_243 = arith.addi %shift_right_logical3A_2, %add3A_242 : vector<16xi32>
            tpu.vector_store_idx %arg7[%add3A_243, %add3A_97], %gather3A_240 : memref<192x128xf32, #tpu.memory_space<vmem>>[vector<16xi32>, vector<16xi32>], vector<16xf32>,
            %add3A_244 = arith.constant 336 : i32
            %add3A_245 = vector.broadcast %add3A_244 : i32 to vector<16xi32>
            %add3A_246 = arith.addi %iota3A, %add3A_245 : vector<16xi32>
            %gather3A_247 = tpu.vector_load_idx %arg5[%rem3A_96, %add3A_246] : memref<64x384xf32, #tpu.memory_space<vmem>>[vector<16xi32>, vector<16xi32>], vector<16xf32>,
            %add3A_248 = arith.constant 168 : i32
            %add3A_249 = vector.broadcast %add3A_248 : i32 to vector<16xi32>
            %add3A_250 = arith.addi %shift_right_logical3A_2, %add3A_249 : vector<16xi32>
            tpu.vector_store_idx %arg7[%add3A_250, %add3A_97], %gather3A_247 : memref<192x128xf32, #tpu.memory_space<vmem>>[vector<16xi32>, vector<16xi32>], vector<16xf32>,
            %add3A_251 = arith.constant 352 : i32
            %add3A_252 = vector.broadcast %add3A_251 : i32 to vector<16xi32>
            %add3A_253 = arith.addi %iota3A, %add3A_252 : vector<16xi32>
            %gather3A_254 = tpu.vector_load_idx %arg5[%rem3A_96, %add3A_253] : memref<64x384xf32, #tpu.memory_space<vmem>>[vector<16xi32>, vector<16xi32>], vector<16xf32>,
            %add3A_255 = arith.constant 176 : i32
            %add3A_256 = vector.broadcast %add3A_255 : i32 to vector<16xi32>
            %add3A_257 = arith.addi %shift_right_logical3A_2, %add3A_256 : vector<16xi32>
            tpu.vector_store_idx %arg7[%add3A_257, %add3A_97], %gather3A_254 : memref<192x128xf32, #tpu.memory_space<vmem>>[vector<16xi32>, vector<16xi32>], vector<16xf32>,
            %add3A_258 = arith.constant 368 : i32
            %add3A_259 = vector.broadcast %add3A_258 : i32 to vector<16xi32>
            %add3A_260 = arith.addi %iota3A, %add3A_259 : vector<16xi32>
            %gather3A_261 = tpu.vector_load_idx %arg5[%rem3A_96, %add3A_260] : memref<64x384xf32, #tpu.memory_space<vmem>>[vector<16xi32>, vector<16xi32>], vector<16xf32>,
            %add3A_262 = arith.constant 184 : i32
            %add3A_263 = vector.broadcast %add3A_262 : i32 to vector<16xi32>
            %add3A_264 = arith.addi %shift_right_logical3A_2, %add3A_263 : vector<16xi32>
            tpu.vector_store_idx %arg7[%add3A_264, %add3A_97], %gather3A_261 : memref<192x128xf32, #tpu.memory_space<vmem>>[vector<16xi32>, vector<16xi32>], vector<16xf32>,
            %add3A_265 = arith.constant 1 : i32
            %add3A_266 = arith.addi %add3A_89, %add3A_265 : i32
            %add3A_267 = vector.broadcast %add3A_266 : i32 to vector<16xi32>
            %add3A_268 = arith.addi %iota3A, %add3A_267 : vector<16xi32>
            %rem3A_269 = arith.constant 64 : i32
            %rem3A_270 = vector.broadcast %rem3A_269 : i32 to vector<16xi32>
            %rem3A_271 = arith.remsi %add3A_268, %rem3A_270 : vector<16xi32>
            %add3A_272 = arith.addi %mul3A_7, %rem3A_271 : vector<16xi32>
            %add3A_273 = arith.constant 0 : i32
            %add3A_274 = vector.broadcast %add3A_273 : i32 to vector<16xi32>
            %add3A_275 = arith.addi %iota3A, %add3A_274 : vector<16xi32>
            %gather3A_276 = tpu.vector_load_idx %arg5[%rem3A_271, %add3A_275] : memref<64x384xf32, #tpu.memory_space<vmem>>[vector<16xi32>, vector<16xi32>], vector<16xf32>,
            %add3A_277 = arith.constant 0 : i32
            %add3A_278 = vector.broadcast %add3A_277 : i32 to vector<16xi32>
            %add3A_279 = arith.addi %shift_right_logical3A_2, %add3A_278 : vector<16xi32>
            tpu.vector_store_idx %arg7[%add3A_279, %add3A_272], %gather3A_276 : memref<192x128xf32, #tpu.memory_space<vmem>>[vector<16xi32>, vector<16xi32>], vector<16xf32>,
            %add3A_280 = arith.constant 16 : i32
            %add3A_281 = vector.broadcast %add3A_280 : i32 to vector<16xi32>
            %add3A_282 = arith.addi %iota3A, %add3A_281 : vector<16xi32>
            %gather3A_283 = tpu.vector_load_idx %arg5[%rem3A_271, %add3A_282] : memref<64x384xf32, #tpu.memory_space<vmem>>[vector<16xi32>, vector<16xi32>], vector<16xf32>,
            %add3A_284 = arith.constant 8 : i32
            %add3A_285 = vector.broadcast %add3A_284 : i32 to vector<16xi32>
            %add3A_286 = arith.addi %shift_right_logical3A_2, %add3A_285 : vector<16xi32>
            tpu.vector_store_idx %arg7[%add3A_286, %add3A_272], %gather3A_283 : memref<192x128xf32, #tpu.memory_space<vmem>>[vector<16xi32>, vector<16xi32>], vector<16xf32>,
            %add3A_287 = arith.constant 32 : i32
            %add3A_288 = vector.broadcast %add3A_287 : i32 to vector<16xi32>
            %add3A_289 = arith.addi %iota3A, %add3A_288 : vector<16xi32>
            %gather3A_290 = tpu.vector_load_idx %arg5[%rem3A_271, %add3A_289] : memref<64x384xf32, #tpu.memory_space<vmem>>[vector<16xi32>, vector<16xi32>], vector<16xf32>,
            %add3A_291 = arith.constant 16 : i32
            %add3A_292 = vector.broadcast %add3A_291 : i32 to vector<16xi32>
            %add3A_293 = arith.addi %shift_right_logical3A_2, %add3A_292 : vector<16xi32>
            tpu.vector_store_idx %arg7[%add3A_293, %add3A_272], %gather3A_290 : memref<192x128xf32, #tpu.memory_space<vmem>>[vector<16xi32>, vector<16xi32>], vector<16xf32>,
            %add3A_294 = arith.constant 48 : i32
            %add3A_295 = vector.broadcast %add3A_294 : i32 to vector<16xi32>
            %add3A_296 = arith.addi %iota3A, %add3A_295 : vector<16xi32>
            %gather3A_297 = tpu.vector_load_idx %arg5[%rem3A_271, %add3A_296] : memref<64x384xf32, #tpu.memory_space<vmem>>[vector<16xi32>, vector<16xi32>], vector<16xf32>,
            %add3A_298 = arith.constant 24 : i32
            %add3A_299 = vector.broadcast %add3A_298 : i32 to vector<16xi32>
            %add3A_300 = arith.addi %shift_right_logical3A_2, %add3A_299 : vector<16xi32>
            tpu.vector_store_idx %arg7[%add3A_300, %add3A_272], %gather3A_297 : memref<192x128xf32, #tpu.memory_space<vmem>>[vector<16xi32>, vector<16xi32>], vector<16xf32>,
            %add3A_301 = arith.constant 64 : i32
            %add3A_302 = vector.broadcast %add3A_301 : i32 to vector<16xi32>
            %add3A_303 = arith.addi %iota3A, %add3A_302 : vector<16xi32>
            %gather3A_304 = tpu.vector_load_idx %arg5[%rem3A_271, %add3A_303] : memref<64x384xf32, #tpu.memory_space<vmem>>[vector<16xi32>, vector<16xi32>], vector<16xf32>,
            %add3A_305 = arith.constant 32 : i32
            %add3A_306 = vector.broadcast %add3A_305 : i32 to vector<16xi32>
            %add3A_307 = arith.addi %shift_right_logical3A_2, %add3A_306 : vector<16xi32>
            tpu.vector_store_idx %arg7[%add3A_307, %add3A_272], %gather3A_304 : memref<192x128xf32, #tpu.memory_space<vmem>>[vector<16xi32>, vector<16xi32>], vector<16xf32>,
            %add3A_308 = arith.constant 80 : i32
            %add3A_309 = vector.broadcast %add3A_308 : i32 to vector<16xi32>
            %add3A_310 = arith.addi %iota3A, %add3A_309 : vector<16xi32>
            %gather3A_311 = tpu.vector_load_idx %arg5[%rem3A_271, %add3A_310] : memref<64x384xf32, #tpu.memory_space<vmem>>[vector<16xi32>, vector<16xi32>], vector<16xf32>,
            %add3A_312 = arith.constant 40 : i32
            %add3A_313 = vector.broadcast %add3A_312 : i32 to vector<16xi32>
            %add3A_314 = arith.addi %shift_right_logical3A_2, %add3A_313 : vector<16xi32>
            tpu.vector_store_idx %arg7[%add3A_314, %add3A_272], %gather3A_311 : memref<192x128xf32, #tpu.memory_space<vmem>>[vector<16xi32>, vector<16xi32>], vector<16xf32>,
            %add3A_315 = arith.constant 96 : i32
            %add3A_316 = vector.broadcast %add3A_315 : i32 to vector<16xi32>
            %add3A_317 = arith.addi %iota3A, %add3A_316 : vector<16xi32>
            %gather3A_318 = tpu.vector_load_idx %arg5[%rem3A_271, %add3A_317] : memref<64x384xf32, #tpu.memory_space<vmem>>[vector<16xi32>, vector<16xi32>], vector<16xf32>,
            %add3A_319 = arith.constant 48 : i32
            %add3A_320 = vector.broadcast %add3A_319 : i32 to vector<16xi32>
            %add3A_321 = arith.addi %shift_right_logical3A_2, %add3A_320 : vector<16xi32>
            tpu.vector_store_idx %arg7[%add3A_321, %add3A_272], %gather3A_318 : memref<192x128xf32, #tpu.memory_space<vmem>>[vector<16xi32>, vector<16xi32>], vector<16xf32>,
            %add3A_322 = arith.constant 112 : i32
            %add3A_323 = vector.broadcast %add3A_322 : i32 to vector<16xi32>
            %add3A_324 = arith.addi %iota3A, %add3A_323 : vector<16xi32>
            %gather3A_325 = tpu.vector_load_idx %arg5[%rem3A_271, %add3A_324] : memref<64x384xf32, #tpu.memory_space<vmem>>[vector<16xi32>, vector<16xi32>], vector<16xf32>,
            %add3A_326 = arith.constant 56 : i32
            %add3A_327 = vector.broadcast %add3A_326 : i32 to vector<16xi32>
            %add3A_328 = arith.addi %shift_right_logical3A_2, %add3A_327 : vector<16xi32>
            tpu.vector_store_idx %arg7[%add3A_328, %add3A_272], %gather3A_325 : memref<192x128xf32, #tpu.memory_space<vmem>>[vector<16xi32>, vector<16xi32>], vector<16xf32>,
            %add3A_329 = arith.constant 128 : i32
            %add3A_330 = vector.broadcast %add3A_329 : i32 to vector<16xi32>
            %add3A_331 = arith.addi %iota3A, %add3A_330 : vector<16xi32>
            %gather3A_332 = tpu.vector_load_idx %arg5[%rem3A_271, %add3A_331] : memref<64x384xf32, #tpu.memory_space<vmem>>[vector<16xi32>, vector<16xi32>], vector<16xf32>,
            %add3A_333 = arith.constant 64 : i32
            %add3A_334 = vector.broadcast %add3A_333 : i32 to vector<16xi32>
            %add3A_335 = arith.addi %shift_right_logical3A_2, %add3A_334 : vector<16xi32>
            tpu.vector_store_idx %arg7[%add3A_335, %add3A_272], %gather3A_332 : memref<192x128xf32, #tpu.memory_space<vmem>>[vector<16xi32>, vector<16xi32>], vector<16xf32>,
            %add3A_336 = arith.constant 144 : i32
            %add3A_337 = vector.broadcast %add3A_336 : i32 to vector<16xi32>
            %add3A_338 = arith.addi %iota3A, %add3A_337 : vector<16xi32>
            %gather3A_339 = tpu.vector_load_idx %arg5[%rem3A_271, %add3A_338] : memref<64x384xf32, #tpu.memory_space<vmem>>[vector<16xi32>, vector<16xi32>], vector<16xf32>,
            %add3A_340 = arith.constant 72 : i32
            %add3A_341 = vector.broadcast %add3A_340 : i32 to vector<16xi32>
            %add3A_342 = arith.addi %shift_right_logical3A_2, %add3A_341 : vector<16xi32>
            tpu.vector_store_idx %arg7[%add3A_342, %add3A_272], %gather3A_339 : memref<192x128xf32, #tpu.memory_space<vmem>>[vector<16xi32>, vector<16xi32>], vector<16xf32>,
            %add3A_343 = arith.constant 160 : i32
            %add3A_344 = vector.broadcast %add3A_343 : i32 to vector<16xi32>
            %add3A_345 = arith.addi %iota3A, %add3A_344 : vector<16xi32>
            %gather3A_346 = tpu.vector_load_idx %arg5[%rem3A_271, %add3A_345] : memref<64x384xf32, #tpu.memory_space<vmem>>[vector<16xi32>, vector<16xi32>], vector<16xf32>,
            %add3A_347 = arith.constant 80 : i32
            %add3A_348 = vector.broadcast %add3A_347 : i32 to vector<16xi32>
            %add3A_349 = arith.addi %shift_right_logical3A_2, %add3A_348 : vector<16xi32>
            tpu.vector_store_idx %arg7[%add3A_349, %add3A_272], %gather3A_346 : memref<192x128xf32, #tpu.memory_space<vmem>>[vector<16xi32>, vector<16xi32>], vector<16xf32>,
            %add3A_350 = arith.constant 176 : i32
            %add3A_351 = vector.broadcast %add3A_350 : i32 to vector<16xi32>
            %add3A_352 = arith.addi %iota3A, %add3A_351 : vector<16xi32>
            %gather3A_353 = tpu.vector_load_idx %arg5[%rem3A_271, %add3A_352] : memref<64x384xf32, #tpu.memory_space<vmem>>[vector<16xi32>, vector<16xi32>], vector<16xf32>,
            %add3A_354 = arith.constant 88 : i32
            %add3A_355 = vector.broadcast %add3A_354 : i32 to vector<16xi32>
            %add3A_356 = arith.addi %shift_right_logical3A_2, %add3A_355 : vector<16xi32>
            tpu.vector_store_idx %arg7[%add3A_356, %add3A_272], %gather3A_353 : memref<192x128xf32, #tpu.memory_space<vmem>>[vector<16xi32>, vector<16xi32>], vector<16xf32>,
            %add3A_357 = arith.constant 192 : i32
            %add3A_358 = vector.broadcast %add3A_357 : i32 to vector<16xi32>
            %add3A_359 = arith.addi %iota3A, %add3A_358 : vector<16xi32>
            %gather3A_360 = tpu.vector_load_idx %arg5[%rem3A_271, %add3A_359] : memref<64x384xf32, #tpu.memory_space<vmem>>[vector<16xi32>, vector<16xi32>], vector<16xf32>,
            %add3A_361 = arith.constant 96 : i32
            %add3A_362 = vector.broadcast %add3A_361 : i32 to vector<16xi32>
            %add3A_363 = arith.addi %shift_right_logical3A_2, %add3A_362 : vector<16xi32>
            tpu.vector_store_idx %arg7[%add3A_363, %add3A_272], %gather3A_360 : memref<192x128xf32, #tpu.memory_space<vmem>>[vector<16xi32>, vector<16xi32>], vector<16xf32>,
            %add3A_364 = arith.constant 208 : i32
            %add3A_365 = vector.broadcast %add3A_364 : i32 to vector<16xi32>
            %add3A_366 = arith.addi %iota3A, %add3A_365 : vector<16xi32>
            %gather3A_367 = tpu.vector_load_idx %arg5[%rem3A_271, %add3A_366] : memref<64x384xf32, #tpu.memory_space<vmem>>[vector<16xi32>, vector<16xi32>], vector<16xf32>,
            %add3A_368 = arith.constant 104 : i32
            %add3A_369 = vector.broadcast %add3A_368 : i32 to vector<16xi32>
            %add3A_370 = arith.addi %shift_right_logical3A_2, %add3A_369 : vector<16xi32>
            tpu.vector_store_idx %arg7[%add3A_370, %add3A_272], %gather3A_367 : memref<192x128xf32, #tpu.memory_space<vmem>>[vector<16xi32>, vector<16xi32>], vector<16xf32>,
            %add3A_371 = arith.constant 224 : i32
            %add3A_372 = vector.broadcast %add3A_371 : i32 to vector<16xi32>
            %add3A_373 = arith.addi %iota3A, %add3A_372 : vector<16xi32>
            %gather3A_374 = tpu.vector_load_idx %arg5[%rem3A_271, %add3A_373] : memref<64x384xf32, #tpu.memory_space<vmem>>[vector<16xi32>, vector<16xi32>], vector<16xf32>,
            %add3A_375 = arith.constant 112 : i32
            %add3A_376 = vector.broadcast %add3A_375 : i32 to vector<16xi32>
            %add3A_377 = arith.addi %shift_right_logical3A_2, %add3A_376 : vector<16xi32>
            tpu.vector_store_idx %arg7[%add3A_377, %add3A_272], %gather3A_374 : memref<192x128xf32, #tpu.memory_space<vmem>>[vector<16xi32>, vector<16xi32>], vector<16xf32>,
            %add3A_378 = arith.constant 240 : i32
            %add3A_379 = vector.broadcast %add3A_378 : i32 to vector<16xi32>
            %add3A_380 = arith.addi %iota3A, %add3A_379 : vector<16xi32>
            %gather3A_381 = tpu.vector_load_idx %arg5[%rem3A_271, %add3A_380] : memref<64x384xf32, #tpu.memory_space<vmem>>[vector<16xi32>, vector<16xi32>], vector<16xf32>,
            %add3A_382 = arith.constant 120 : i32
            %add3A_383 = vector.broadcast %add3A_382 : i32 to vector<16xi32>
            %add3A_384 = arith.addi %shift_right_logical3A_2, %add3A_383 : vector<16xi32>
            tpu.vector_store_idx %arg7[%add3A_384, %add3A_272], %gather3A_381 : memref<192x128xf32, #tpu.memory_space<vmem>>[vector<16xi32>, vector<16xi32>], vector<16xf32>,
            %add3A_385 = arith.constant 256 : i32
            %add3A_386 = vector.broadcast %add3A_385 : i32 to vector<16xi32>
            %add3A_387 = arith.addi %iota3A, %add3A_386 : vector<16xi32>
            %gather3A_388 = tpu.vector_load_idx %arg5[%rem3A_271, %add3A_387] : memref<64x384xf32, #tpu.memory_space<vmem>>[vector<16xi32>, vector<16xi32>], vector<16xf32>,
            %add3A_389 = arith.constant 128 : i32
            %add3A_390 = vector.broadcast %add3A_389 : i32 to vector<16xi32>
            %add3A_391 = arith.addi %shift_right_logical3A_2, %add3A_390 : vector<16xi32>
            tpu.vector_store_idx %arg7[%add3A_391, %add3A_272], %gather3A_388 : memref<192x128xf32, #tpu.memory_space<vmem>>[vector<16xi32>, vector<16xi32>], vector<16xf32>,
            %add3A_392 = arith.constant 272 : i32
            %add3A_393 = vector.broadcast %add3A_392 : i32 to vector<16xi32>
            %add3A_394 = arith.addi %iota3A, %add3A_393 : vector<16xi32>
            %gather3A_395 = tpu.vector_load_idx %arg5[%rem3A_271, %add3A_394] : memref<64x384xf32, #tpu.memory_space<vmem>>[vector<16xi32>, vector<16xi32>], vector<16xf32>,
            %add3A_396 = arith.constant 136 : i32
            %add3A_397 = vector.broadcast %add3A_396 : i32 to vector<16xi32>
            %add3A_398 = arith.addi %shift_right_logical3A_2, %add3A_397 : vector<16xi32>
            tpu.vector_store_idx %arg7[%add3A_398, %add3A_272], %gather3A_395 : memref<192x128xf32, #tpu.memory_space<vmem>>[vector<16xi32>, vector<16xi32>], vector<16xf32>,
            %add3A_399 = arith.constant 288 : i32
            %add3A_400 = vector.broadcast %add3A_399 : i32 to vector<16xi32>
            %add3A_401 = arith.addi %iota3A, %add3A_400 : vector<16xi32>
            %gather3A_402 = tpu.vector_load_idx %arg5[%rem3A_271, %add3A_401] : memref<64x384xf32, #tpu.memory_space<vmem>>[vector<16xi32>, vector<16xi32>], vector<16xf32>,
            %add3A_403 = arith.constant 144 : i32
            %add3A_404 = vector.broadcast %add3A_403 : i32 to vector<16xi32>
            %add3A_405 = arith.addi %shift_right_logical3A_2, %add3A_404 : vector<16xi32>
            tpu.vector_store_idx %arg7[%add3A_405, %add3A_272], %gather3A_402 : memref<192x128xf32, #tpu.memory_space<vmem>>[vector<16xi32>, vector<16xi32>], vector<16xf32>,
            %add3A_406 = arith.constant 304 : i32
            %add3A_407 = vector.broadcast %add3A_406 : i32 to vector<16xi32>
            %add3A_408 = arith.addi %iota3A, %add3A_407 : vector<16xi32>
            %gather3A_409 = tpu.vector_load_idx %arg5[%rem3A_271, %add3A_408] : memref<64x384xf32, #tpu.memory_space<vmem>>[vector<16xi32>, vector<16xi32>], vector<16xf32>,
            %add3A_410 = arith.constant 152 : i32
            %add3A_411 = vector.broadcast %add3A_410 : i32 to vector<16xi32>
            %add3A_412 = arith.addi %shift_right_logical3A_2, %add3A_411 : vector<16xi32>
            tpu.vector_store_idx %arg7[%add3A_412, %add3A_272], %gather3A_409 : memref<192x128xf32, #tpu.memory_space<vmem>>[vector<16xi32>, vector<16xi32>], vector<16xf32>,
            %add3A_413 = arith.constant 320 : i32
            %add3A_414 = vector.broadcast %add3A_413 : i32 to vector<16xi32>
            %add3A_415 = arith.addi %iota3A, %add3A_414 : vector<16xi32>
            %gather3A_416 = tpu.vector_load_idx %arg5[%rem3A_271, %add3A_415] : memref<64x384xf32, #tpu.memory_space<vmem>>[vector<16xi32>, vector<16xi32>], vector<16xf32>,
            %add3A_417 = arith.constant 160 : i32
            %add3A_418 = vector.broadcast %add3A_417 : i32 to vector<16xi32>
            %add3A_419 = arith.addi %shift_right_logical3A_2, %add3A_418 : vector<16xi32>
            tpu.vector_store_idx %arg7[%add3A_419, %add3A_272], %gather3A_416 : memref<192x128xf32, #tpu.memory_space<vmem>>[vector<16xi32>, vector<16xi32>], vector<16xf32>,
            %add3A_420 = arith.constant 336 : i32
            %add3A_421 = vector.broadcast %add3A_420 : i32 to vector<16xi32>
            %add3A_422 = arith.addi %iota3A, %add3A_421 : vector<16xi32>
            %gather3A_423 = tpu.vector_load_idx %arg5[%rem3A_271, %add3A_422] : memref<64x384xf32, #tpu.memory_space<vmem>>[vector<16xi32>, vector<16xi32>], vector<16xf32>,
            %add3A_424 = arith.constant 168 : i32
            %add3A_425 = vector.broadcast %add3A_424 : i32 to vector<16xi32>
            %add3A_426 = arith.addi %shift_right_logical3A_2, %add3A_425 : vector<16xi32>
            tpu.vector_store_idx %arg7[%add3A_426, %add3A_272], %gather3A_423 : memref<192x128xf32, #tpu.memory_space<vmem>>[vector<16xi32>, vector<16xi32>], vector<16xf32>,
            %add3A_427 = arith.constant 352 : i32
            %add3A_428 = vector.broadcast %add3A_427 : i32 to vector<16xi32>
            %add3A_429 = arith.addi %iota3A, %add3A_428 : vector<16xi32>
            %gather3A_430 = tpu.vector_load_idx %arg5[%rem3A_271, %add3A_429] : memref<64x384xf32, #tpu.memory_space<vmem>>[vector<16xi32>, vector<16xi32>], vector<16xf32>,
            %add3A_431 = arith.constant 176 : i32
            %add3A_432 = vector.broadcast %add3A_431 : i32 to vector<16xi32>
            %add3A_433 = arith.addi %shift_right_logical3A_2, %add3A_432 : vector<16xi32>
            tpu.vector_store_idx %arg7[%add3A_433, %add3A_272], %gather3A_430 : memref<192x128xf32, #tpu.memory_space<vmem>>[vector<16xi32>, vector<16xi32>], vector<16xf32>,
            %add3A_434 = arith.constant 368 : i32
            %add3A_435 = vector.broadcast %add3A_434 : i32 to vector<16xi32>
            %add3A_436 = arith.addi %iota3A, %add3A_435 : vector<16xi32>
            %gather3A_437 = tpu.vector_load_idx %arg5[%rem3A_271, %add3A_436] : memref<64x384xf32, #tpu.memory_space<vmem>>[vector<16xi32>, vector<16xi32>], vector<16xf32>,
            %add3A_438 = arith.constant 184 : i32
            %add3A_439 = vector.broadcast %add3A_438 : i32 to vector<16xi32>
            %add3A_440 = arith.addi %shift_right_logical3A_2, %add3A_439 : vector<16xi32>
            tpu.vector_store_idx %arg7[%add3A_440, %add3A_272], %gather3A_437 : memref<192x128xf32, #tpu.memory_space<vmem>>[vector<16xi32>, vector<16xi32>], vector<16xf32>,
            %add3A_441 = arith.constant 2 : i32
            %add3A_442 = arith.addi %add3A_89, %add3A_441 : i32
            %add3A_443 = vector.broadcast %add3A_442 : i32 to vector<16xi32>
            %add3A_444 = arith.addi %iota3A, %add3A_443 : vector<16xi32>
            %rem3A_445 = arith.constant 64 : i32
            %rem3A_446 = vector.broadcast %rem3A_445 : i32 to vector<16xi32>
            %rem3A_447 = arith.remsi %add3A_444, %rem3A_446 : vector<16xi32>
            %add3A_448 = arith.addi %mul3A_7, %rem3A_447 : vector<16xi32>
            %add3A_449 = arith.constant 0 : i32
            %add3A_450 = vector.broadcast %add3A_449 : i32 to vector<16xi32>
            %add3A_451 = arith.addi %iota3A, %add3A_450 : vector<16xi32>
            %gather3A_452 = tpu.vector_load_idx %arg5[%rem3A_447, %add3A_451] : memref<64x384xf32, #tpu.memory_space<vmem>>[vector<16xi32>, vector<16xi32>], vector<16xf32>,
            %add3A_453 = arith.constant 0 : i32
            %add3A_454 = vector.broadcast %add3A_453 : i32 to vector<16xi32>
            %add3A_455 = arith.addi %shift_right_logical3A_2, %add3A_454 : vector<16xi32>
            tpu.vector_store_idx %arg7[%add3A_455, %add3A_448], %gather3A_452 : memref<192x128xf32, #tpu.memory_space<vmem>>[vector<16xi32>, vector<16xi32>], vector<16xf32>,
            %add3A_456 = arith.constant 16 : i32
            %add3A_457 = vector.broadcast %add3A_456 : i32 to vector<16xi32>
            %add3A_458 = arith.addi %iota3A, %add3A_457 : vector<16xi32>
            %gather3A_459 = tpu.vector_load_idx %arg5[%rem3A_447, %add3A_458] : memref<64x384xf32, #tpu.memory_space<vmem>>[vector<16xi32>, vector<16xi32>], vector<16xf32>,
            %add3A_460 = arith.constant 8 : i32
            %add3A_461 = vector.broadcast %add3A_460 : i32 to vector<16xi32>
            %add3A_462 = arith.addi %shift_right_logical3A_2, %add3A_461 : vector<16xi32>
            tpu.vector_store_idx %arg7[%add3A_462, %add3A_448], %gather3A_459 : memref<192x128xf32, #tpu.memory_space<vmem>>[vector<16xi32>, vector<16xi32>], vector<16xf32>,
            %add3A_463 = arith.constant 32 : i32
            %add3A_464 = vector.broadcast %add3A_463 : i32 to vector<16xi32>
            %add3A_465 = arith.addi %iota3A, %add3A_464 : vector<16xi32>
            %gather3A_466 = tpu.vector_load_idx %arg5[%rem3A_447, %add3A_465] : memref<64x384xf32, #tpu.memory_space<vmem>>[vector<16xi32>, vector<16xi32>], vector<16xf32>,
            %add3A_467 = arith.constant 16 : i32
            %add3A_468 = vector.broadcast %add3A_467 : i32 to vector<16xi32>
            %add3A_469 = arith.addi %shift_right_logical3A_2, %add3A_468 : vector<16xi32>
            tpu.vector_store_idx %arg7[%add3A_469, %add3A_448], %gather3A_466 : memref<192x128xf32, #tpu.memory_space<vmem>>[vector<16xi32>, vector<16xi32>], vector<16xf32>,
            %add3A_470 = arith.constant 48 : i32
            %add3A_471 = vector.broadcast %add3A_470 : i32 to vector<16xi32>
            %add3A_472 = arith.addi %iota3A, %add3A_471 : vector<16xi32>
            %gather3A_473 = tpu.vector_load_idx %arg5[%rem3A_447, %add3A_472] : memref<64x384xf32, #tpu.memory_space<vmem>>[vector<16xi32>, vector<16xi32>], vector<16xf32>,
            %add3A_474 = arith.constant 24 : i32
            %add3A_475 = vector.broadcast %add3A_474 : i32 to vector<16xi32>
            %add3A_476 = arith.addi %shift_right_logical3A_2, %add3A_475 : vector<16xi32>
            tpu.vector_store_idx %arg7[%add3A_476, %add3A_448], %gather3A_473 : memref<192x128xf32, #tpu.memory_space<vmem>>[vector<16xi32>, vector<16xi32>], vector<16xf32>,
            %add3A_477 = arith.constant 64 : i32
            %add3A_478 = vector.broadcast %add3A_477 : i32 to vector<16xi32>
            %add3A_479 = arith.addi %iota3A, %add3A_478 : vector<16xi32>
            %gather3A_480 = tpu.vector_load_idx %arg5[%rem3A_447, %add3A_479] : memref<64x384xf32, #tpu.memory_space<vmem>>[vector<16xi32>, vector<16xi32>], vector<16xf32>,
            %add3A_481 = arith.constant 32 : i32
            %add3A_482 = vector.broadcast %add3A_481 : i32 to vector<16xi32>
            %add3A_483 = arith.addi %shift_right_logical3A_2, %add3A_482 : vector<16xi32>
            tpu.vector_store_idx %arg7[%add3A_483, %add3A_448], %gather3A_480 : memref<192x128xf32, #tpu.memory_space<vmem>>[vector<16xi32>, vector<16xi32>], vector<16xf32>,
            %add3A_484 = arith.constant 80 : i32
            %add3A_485 = vector.broadcast %add3A_484 : i32 to vector<16xi32>
            %add3A_486 = arith.addi %iota3A, %add3A_485 : vector<16xi32>
            %gather3A_487 = tpu.vector_load_idx %arg5[%rem3A_447, %add3A_486] : memref<64x384xf32, #tpu.memory_space<vmem>>[vector<16xi32>, vector<16xi32>], vector<16xf32>,
            %add3A_488 = arith.constant 40 : i32
            %add3A_489 = vector.broadcast %add3A_488 : i32 to vector<16xi32>
            %add3A_490 = arith.addi %shift_right_logical3A_2, %add3A_489 : vector<16xi32>
            tpu.vector_store_idx %arg7[%add3A_490, %add3A_448], %gather3A_487 : memref<192x128xf32, #tpu.memory_space<vmem>>[vector<16xi32>, vector<16xi32>], vector<16xf32>,
            %add3A_491 = arith.constant 96 : i32
            %add3A_492 = vector.broadcast %add3A_491 : i32 to vector<16xi32>
            %add3A_493 = arith.addi %iota3A, %add3A_492 : vector<16xi32>
            %gather3A_494 = tpu.vector_load_idx %arg5[%rem3A_447, %add3A_493] : memref<64x384xf32, #tpu.memory_space<vmem>>[vector<16xi32>, vector<16xi32>], vector<16xf32>,
            %add3A_495 = arith.constant 48 : i32
            %add3A_496 = vector.broadcast %add3A_495 : i32 to vector<16xi32>
            %add3A_497 = arith.addi %shift_right_logical3A_2, %add3A_496 : vector<16xi32>
            tpu.vector_store_idx %arg7[%add3A_497, %add3A_448], %gather3A_494 : memref<192x128xf32, #tpu.memory_space<vmem>>[vector<16xi32>, vector<16xi32>], vector<16xf32>,
            %add3A_498 = arith.constant 112 : i32
            %add3A_499 = vector.broadcast %add3A_498 : i32 to vector<16xi32>
            %add3A_500 = arith.addi %iota3A, %add3A_499 : vector<16xi32>
            %gather3A_501 = tpu.vector_load_idx %arg5[%rem3A_447, %add3A_500] : memref<64x384xf32, #tpu.memory_space<vmem>>[vector<16xi32>, vector<16xi32>], vector<16xf32>,
            %add3A_502 = arith.constant 56 : i32
            %add3A_503 = vector.broadcast %add3A_502 : i32 to vector<16xi32>
            %add3A_504 = arith.addi %shift_right_logical3A_2, %add3A_503 : vector<16xi32>
            tpu.vector_store_idx %arg7[%add3A_504, %add3A_448], %gather3A_501 : memref<192x128xf32, #tpu.memory_space<vmem>>[vector<16xi32>, vector<16xi32>], vector<16xf32>,
            %add3A_505 = arith.constant 128 : i32
            %add3A_506 = vector.broadcast %add3A_505 : i32 to vector<16xi32>
            %add3A_507 = arith.addi %iota3A, %add3A_506 : vector<16xi32>
            %gather3A_508 = tpu.vector_load_idx %arg5[%rem3A_447, %add3A_507] : memref<64x384xf32, #tpu.memory_space<vmem>>[vector<16xi32>, vector<16xi32>], vector<16xf32>,
            %add3A_509 = arith.constant 64 : i32
            %add3A_510 = vector.broadcast %add3A_509 : i32 to vector<16xi32>
            %add3A_511 = arith.addi %shift_right_logical3A_2, %add3A_510 : vector<16xi32>
            tpu.vector_store_idx %arg7[%add3A_511, %add3A_448], %gather3A_508 : memref<192x128xf32, #tpu.memory_space<vmem>>[vector<16xi32>, vector<16xi32>], vector<16xf32>,
            %add3A_512 = arith.constant 144 : i32
            %add3A_513 = vector.broadcast %add3A_512 : i32 to vector<16xi32>
            %add3A_514 = arith.addi %iota3A, %add3A_513 : vector<16xi32>
            %gather3A_515 = tpu.vector_load_idx %arg5[%rem3A_447, %add3A_514] : memref<64x384xf32, #tpu.memory_space<vmem>>[vector<16xi32>, vector<16xi32>], vector<16xf32>,
            %add3A_516 = arith.constant 72 : i32
            %add3A_517 = vector.broadcast %add3A_516 : i32 to vector<16xi32>
            %add3A_518 = arith.addi %shift_right_logical3A_2, %add3A_517 : vector<16xi32>
            tpu.vector_store_idx %arg7[%add3A_518, %add3A_448], %gather3A_515 : memref<192x128xf32, #tpu.memory_space<vmem>>[vector<16xi32>, vector<16xi32>], vector<16xf32>,
            %add3A_519 = arith.constant 160 : i32
            %add3A_520 = vector.broadcast %add3A_519 : i32 to vector<16xi32>
            %add3A_521 = arith.addi %iota3A, %add3A_520 : vector<16xi32>
            %gather3A_522 = tpu.vector_load_idx %arg5[%rem3A_447, %add3A_521] : memref<64x384xf32, #tpu.memory_space<vmem>>[vector<16xi32>, vector<16xi32>], vector<16xf32>,
            %add3A_523 = arith.constant 80 : i32
            %add3A_524 = vector.broadcast %add3A_523 : i32 to vector<16xi32>
            %add3A_525 = arith.addi %shift_right_logical3A_2, %add3A_524 : vector<16xi32>
            tpu.vector_store_idx %arg7[%add3A_525, %add3A_448], %gather3A_522 : memref<192x128xf32, #tpu.memory_space<vmem>>[vector<16xi32>, vector<16xi32>], vector<16xf32>,
            %add3A_526 = arith.constant 176 : i32
            %add3A_527 = vector.broadcast %add3A_526 : i32 to vector<16xi32>
            %add3A_528 = arith.addi %iota3A, %add3A_527 : vector<16xi32>
            %gather3A_529 = tpu.vector_load_idx %arg5[%rem3A_447, %add3A_528] : memref<64x384xf32, #tpu.memory_space<vmem>>[vector<16xi32>, vector<16xi32>], vector<16xf32>,
            %add3A_530 = arith.constant 88 : i32
            %add3A_531 = vector.broadcast %add3A_530 : i32 to vector<16xi32>
            %add3A_532 = arith.addi %shift_right_logical3A_2, %add3A_531 : vector<16xi32>
            tpu.vector_store_idx %arg7[%add3A_532, %add3A_448], %gather3A_529 : memref<192x128xf32, #tpu.memory_space<vmem>>[vector<16xi32>, vector<16xi32>], vector<16xf32>,
            %add3A_533 = arith.constant 192 : i32
            %add3A_534 = vector.broadcast %add3A_533 : i32 to vector<16xi32>
            %add3A_535 = arith.addi %iota3A, %add3A_534 : vector<16xi32>
            %gather3A_536 = tpu.vector_load_idx %arg5[%rem3A_447, %add3A_535] : memref<64x384xf32, #tpu.memory_space<vmem>>[vector<16xi32>, vector<16xi32>], vector<16xf32>,
            %add3A_537 = arith.constant 96 : i32
            %add3A_538 = vector.broadcast %add3A_537 : i32 to vector<16xi32>
            %add3A_539 = arith.addi %shift_right_logical3A_2, %add3A_538 : vector<16xi32>
            tpu.vector_store_idx %arg7[%add3A_539, %add3A_448], %gather3A_536 : memref<192x128xf32, #tpu.memory_space<vmem>>[vector<16xi32>, vector<16xi32>], vector<16xf32>,
            %add3A_540 = arith.constant 208 : i32
            %add3A_541 = vector.broadcast %add3A_540 : i32 to vector<16xi32>
            %add3A_542 = arith.addi %iota3A, %add3A_541 : vector<16xi32>
            %gather3A_543 = tpu.vector_load_idx %arg5[%rem3A_447, %add3A_542] : memref<64x384xf32, #tpu.memory_space<vmem>>[vector<16xi32>, vector<16xi32>], vector<16xf32>,
            %add3A_544 = arith.constant 104 : i32
            %add3A_545 = vector.broadcast %add3A_544 : i32 to vector<16xi32>
            %add3A_546 = arith.addi %shift_right_logical3A_2, %add3A_545 : vector<16xi32>
            tpu.vector_store_idx %arg7[%add3A_546, %add3A_448], %gather3A_543 : memref<192x128xf32, #tpu.memory_space<vmem>>[vector<16xi32>, vector<16xi32>], vector<16xf32>,
            %add3A_547 = arith.constant 224 : i32
            %add3A_548 = vector.broadcast %add3A_547 : i32 to vector<16xi32>
            %add3A_549 = arith.addi %iota3A, %add3A_548 : vector<16xi32>
            %gather3A_550 = tpu.vector_load_idx %arg5[%rem3A_447, %add3A_549] : memref<64x384xf32, #tpu.memory_space<vmem>>[vector<16xi32>, vector<16xi32>], vector<16xf32>,
            %add3A_551 = arith.constant 112 : i32
            %add3A_552 = vector.broadcast %add3A_551 : i32 to vector<16xi32>
            %add3A_553 = arith.addi %shift_right_logical3A_2, %add3A_552 : vector<16xi32>
            tpu.vector_store_idx %arg7[%add3A_553, %add3A_448], %gather3A_550 : memref<192x128xf32, #tpu.memory_space<vmem>>[vector<16xi32>, vector<16xi32>], vector<16xf32>,
            %add3A_554 = arith.constant 240 : i32
            %add3A_555 = vector.broadcast %add3A_554 : i32 to vector<16xi32>
            %add3A_556 = arith.addi %iota3A, %add3A_555 : vector<16xi32>
            %gather3A_557 = tpu.vector_load_idx %arg5[%rem3A_447, %add3A_556] : memref<64x384xf32, #tpu.memory_space<vmem>>[vector<16xi32>, vector<16xi32>], vector<16xf32>,
            %add3A_558 = arith.constant 120 : i32
            %add3A_559 = vector.broadcast %add3A_558 : i32 to vector<16xi32>
            %add3A_560 = arith.addi %shift_right_logical3A_2, %add3A_559 : vector<16xi32>
            tpu.vector_store_idx %arg7[%add3A_560, %add3A_448], %gather3A_557 : memref<192x128xf32, #tpu.memory_space<vmem>>[vector<16xi32>, vector<16xi32>], vector<16xf32>,
            %add3A_561 = arith.constant 256 : i32
            %add3A_562 = vector.broadcast %add3A_561 : i32 to vector<16xi32>
            %add3A_563 = arith.addi %iota3A, %add3A_562 : vector<16xi32>
            %gather3A_564 = tpu.vector_load_idx %arg5[%rem3A_447, %add3A_563] : memref<64x384xf32, #tpu.memory_space<vmem>>[vector<16xi32>, vector<16xi32>], vector<16xf32>,
            %add3A_565 = arith.constant 128 : i32
            %add3A_566 = vector.broadcast %add3A_565 : i32 to vector<16xi32>
            %add3A_567 = arith.addi %shift_right_logical3A_2, %add3A_566 : vector<16xi32>
            tpu.vector_store_idx %arg7[%add3A_567, %add3A_448], %gather3A_564 : memref<192x128xf32, #tpu.memory_space<vmem>>[vector<16xi32>, vector<16xi32>], vector<16xf32>,
            %add3A_568 = arith.constant 272 : i32
            %add3A_569 = vector.broadcast %add3A_568 : i32 to vector<16xi32>
            %add3A_570 = arith.addi %iota3A, %add3A_569 : vector<16xi32>
            %gather3A_571 = tpu.vector_load_idx %arg5[%rem3A_447, %add3A_570] : memref<64x384xf32, #tpu.memory_space<vmem>>[vector<16xi32>, vector<16xi32>], vector<16xf32>,
            %add3A_572 = arith.constant 136 : i32
            %add3A_573 = vector.broadcast %add3A_572 : i32 to vector<16xi32>
            %add3A_574 = arith.addi %shift_right_logical3A_2, %add3A_573 : vector<16xi32>
            tpu.vector_store_idx %arg7[%add3A_574, %add3A_448], %gather3A_571 : memref<192x128xf32, #tpu.memory_space<vmem>>[vector<16xi32>, vector<16xi32>], vector<16xf32>,
            %add3A_575 = arith.constant 288 : i32
            %add3A_576 = vector.broadcast %add3A_575 : i32 to vector<16xi32>
            %add3A_577 = arith.addi %iota3A, %add3A_576 : vector<16xi32>
            %gather3A_578 = tpu.vector_load_idx %arg5[%rem3A_447, %add3A_577] : memref<64x384xf32, #tpu.memory_space<vmem>>[vector<16xi32>, vector<16xi32>], vector<16xf32>,
            %add3A_579 = arith.constant 144 : i32
            %add3A_580 = vector.broadcast %add3A_579 : i32 to vector<16xi32>
            %add3A_581 = arith.addi %shift_right_logical3A_2, %add3A_580 : vector<16xi32>
            tpu.vector_store_idx %arg7[%add3A_581, %add3A_448], %gather3A_578 : memref<192x128xf32, #tpu.memory_space<vmem>>[vector<16xi32>, vector<16xi32>], vector<16xf32>,
            %add3A_582 = arith.constant 304 : i32
            %add3A_583 = vector.broadcast %add3A_582 : i32 to vector<16xi32>
            %add3A_584 = arith.addi %iota3A, %add3A_583 : vector<16xi32>
            %gather3A_585 = tpu.vector_load_idx %arg5[%rem3A_447, %add3A_584] : memref<64x384xf32, #tpu.memory_space<vmem>>[vector<16xi32>, vector<16xi32>], vector<16xf32>,
            %add3A_586 = arith.constant 152 : i32
            %add3A_587 = vector.broadcast %add3A_586 : i32 to vector<16xi32>
            %add3A_588 = arith.addi %shift_right_logical3A_2, %add3A_587 : vector<16xi32>
            tpu.vector_store_idx %arg7[%add3A_588, %add3A_448], %gather3A_585 : memref<192x128xf32, #tpu.memory_space<vmem>>[vector<16xi32>, vector<16xi32>], vector<16xf32>,
            %add3A_589 = arith.constant 320 : i32
            %add3A_590 = vector.broadcast %add3A_589 : i32 to vector<16xi32>
            %add3A_591 = arith.addi %iota3A, %add3A_590 : vector<16xi32>
            %gather3A_592 = tpu.vector_load_idx %arg5[%rem3A_447, %add3A_591] : memref<64x384xf32, #tpu.memory_space<vmem>>[vector<16xi32>, vector<16xi32>], vector<16xf32>,
            %add3A_593 = arith.constant 160 : i32
            %add3A_594 = vector.broadcast %add3A_593 : i32 to vector<16xi32>
            %add3A_595 = arith.addi %shift_right_logical3A_2, %add3A_594 : vector<16xi32>
            tpu.vector_store_idx %arg7[%add3A_595, %add3A_448], %gather3A_592 : memref<192x128xf32, #tpu.memory_space<vmem>>[vector<16xi32>, vector<16xi32>], vector<16xf32>,
            %add3A_596 = arith.constant 336 : i32
            %add3A_597 = vector.broadcast %add3A_596 : i32 to vector<16xi32>
            %add3A_598 = arith.addi %iota3A, %add3A_597 : vector<16xi32>
            %gather3A_599 = tpu.vector_load_idx %arg5[%rem3A_447, %add3A_598] : memref<64x384xf32, #tpu.memory_space<vmem>>[vector<16xi32>, vector<16xi32>], vector<16xf32>,
            %add3A_600 = arith.constant 168 : i32
            %add3A_601 = vector.broadcast %add3A_600 : i32 to vector<16xi32>
            %add3A_602 = arith.addi %shift_right_logical3A_2, %add3A_601 : vector<16xi32>
            tpu.vector_store_idx %arg7[%add3A_602, %add3A_448], %gather3A_599 : memref<192x128xf32, #tpu.memory_space<vmem>>[vector<16xi32>, vector<16xi32>], vector<16xf32>,
            %add3A_603 = arith.constant 352 : i32
            %add3A_604 = vector.broadcast %add3A_603 : i32 to vector<16xi32>
            %add3A_605 = arith.addi %iota3A, %add3A_604 : vector<16xi32>
            %gather3A_606 = tpu.vector_load_idx %arg5[%rem3A_447, %add3A_605] : memref<64x384xf32, #tpu.memory_space<vmem>>[vector<16xi32>, vector<16xi32>], vector<16xf32>,
            %add3A_607 = arith.constant 176 : i32
            %add3A_608 = vector.broadcast %add3A_607 : i32 to vector<16xi32>
            %add3A_609 = arith.addi %shift_right_logical3A_2, %add3A_608 : vector<16xi32>
            tpu.vector_store_idx %arg7[%add3A_609, %add3A_448], %gather3A_606 : memref<192x128xf32, #tpu.memory_space<vmem>>[vector<16xi32>, vector<16xi32>], vector<16xf32>,
            %add3A_610 = arith.constant 368 : i32
            %add3A_611 = vector.broadcast %add3A_610 : i32 to vector<16xi32>
            %add3A_612 = arith.addi %iota3A, %add3A_611 : vector<16xi32>
            %gather3A_613 = tpu.vector_load_idx %arg5[%rem3A_447, %add3A_612] : memref<64x384xf32, #tpu.memory_space<vmem>>[vector<16xi32>, vector<16xi32>], vector<16xf32>,
            %add3A_614 = arith.constant 184 : i32
            %add3A_615 = vector.broadcast %add3A_614 : i32 to vector<16xi32>
            %add3A_616 = arith.addi %shift_right_logical3A_2, %add3A_615 : vector<16xi32>
            tpu.vector_store_idx %arg7[%add3A_616, %add3A_448], %gather3A_613 : memref<192x128xf32, #tpu.memory_space<vmem>>[vector<16xi32>, vector<16xi32>], vector<16xf32>,
            %add3A_617 = arith.constant 3 : i32
            %add3A_618 = arith.addi %add3A_89, %add3A_617 : i32
            %add3A_619 = vector.broadcast %add3A_618 : i32 to vector<16xi32>
            %add3A_620 = arith.addi %iota3A, %add3A_619 : vector<16xi32>
            %rem3A_621 = arith.constant 64 : i32
            %rem3A_622 = vector.broadcast %rem3A_621 : i32 to vector<16xi32>
            %rem3A_623 = arith.remsi %add3A_620, %rem3A_622 : vector<16xi32>
            %add3A_624 = arith.addi %mul3A_7, %rem3A_623 : vector<16xi32>
            %add3A_625 = arith.constant 0 : i32
            %add3A_626 = vector.broadcast %add3A_625 : i32 to vector<16xi32>
            %add3A_627 = arith.addi %iota3A, %add3A_626 : vector<16xi32>
            %gather3A_628 = tpu.vector_load_idx %arg5[%rem3A_623, %add3A_627] : memref<64x384xf32, #tpu.memory_space<vmem>>[vector<16xi32>, vector<16xi32>], vector<16xf32>,
            %add3A_629 = arith.constant 0 : i32
            %add3A_630 = vector.broadcast %add3A_629 : i32 to vector<16xi32>
            %add3A_631 = arith.addi %shift_right_logical3A_2, %add3A_630 : vector<16xi32>
            tpu.vector_store_idx %arg7[%add3A_631, %add3A_624], %gather3A_628 : memref<192x128xf32, #tpu.memory_space<vmem>>[vector<16xi32>, vector<16xi32>], vector<16xf32>,
            %add3A_632 = arith.constant 16 : i32
            %add3A_633 = vector.broadcast %add3A_632 : i32 to vector<16xi32>
            %add3A_634 = arith.addi %iota3A, %add3A_633 : vector<16xi32>
            %gather3A_635 = tpu.vector_load_idx %arg5[%rem3A_623, %add3A_634] : memref<64x384xf32, #tpu.memory_space<vmem>>[vector<16xi32>, vector<16xi32>], vector<16xf32>,
            %add3A_636 = arith.constant 8 : i32
            %add3A_637 = vector.broadcast %add3A_636 : i32 to vector<16xi32>
            %add3A_638 = arith.addi %shift_right_logical3A_2, %add3A_637 : vector<16xi32>
            tpu.vector_store_idx %arg7[%add3A_638, %add3A_624], %gather3A_635 : memref<192x128xf32, #tpu.memory_space<vmem>>[vector<16xi32>, vector<16xi32>], vector<16xf32>,
            %add3A_639 = arith.constant 32 : i32
            %add3A_640 = vector.broadcast %add3A_639 : i32 to vector<16xi32>
            %add3A_641 = arith.addi %iota3A, %add3A_640 : vector<16xi32>
            %gather3A_642 = tpu.vector_load_idx %arg5[%rem3A_623, %add3A_641] : memref<64x384xf32, #tpu.memory_space<vmem>>[vector<16xi32>, vector<16xi32>], vector<16xf32>,
            %add3A_643 = arith.constant 16 : i32
            %add3A_644 = vector.broadcast %add3A_643 : i32 to vector<16xi32>
            %add3A_645 = arith.addi %shift_right_logical3A_2, %add3A_644 : vector<16xi32>
            tpu.vector_store_idx %arg7[%add3A_645, %add3A_624], %gather3A_642 : memref<192x128xf32, #tpu.memory_space<vmem>>[vector<16xi32>, vector<16xi32>], vector<16xf32>,
            %add3A_646 = arith.constant 48 : i32
            %add3A_647 = vector.broadcast %add3A_646 : i32 to vector<16xi32>
            %add3A_648 = arith.addi %iota3A, %add3A_647 : vector<16xi32>
            %gather3A_649 = tpu.vector_load_idx %arg5[%rem3A_623, %add3A_648] : memref<64x384xf32, #tpu.memory_space<vmem>>[vector<16xi32>, vector<16xi32>], vector<16xf32>,
            %add3A_650 = arith.constant 24 : i32
            %add3A_651 = vector.broadcast %add3A_650 : i32 to vector<16xi32>
            %add3A_652 = arith.addi %shift_right_logical3A_2, %add3A_651 : vector<16xi32>
            tpu.vector_store_idx %arg7[%add3A_652, %add3A_624], %gather3A_649 : memref<192x128xf32, #tpu.memory_space<vmem>>[vector<16xi32>, vector<16xi32>], vector<16xf32>,
            %add3A_653 = arith.constant 64 : i32
            %add3A_654 = vector.broadcast %add3A_653 : i32 to vector<16xi32>
            %add3A_655 = arith.addi %iota3A, %add3A_654 : vector<16xi32>
            %gather3A_656 = tpu.vector_load_idx %arg5[%rem3A_623, %add3A_655] : memref<64x384xf32, #tpu.memory_space<vmem>>[vector<16xi32>, vector<16xi32>], vector<16xf32>,
            %add3A_657 = arith.constant 32 : i32
            %add3A_658 = vector.broadcast %add3A_657 : i32 to vector<16xi32>
            %add3A_659 = arith.addi %shift_right_logical3A_2, %add3A_658 : vector<16xi32>
            tpu.vector_store_idx %arg7[%add3A_659, %add3A_624], %gather3A_656 : memref<192x128xf32, #tpu.memory_space<vmem>>[vector<16xi32>, vector<16xi32>], vector<16xf32>,
            %add3A_660 = arith.constant 80 : i32
            %add3A_661 = vector.broadcast %add3A_660 : i32 to vector<16xi32>
            %add3A_662 = arith.addi %iota3A, %add3A_661 : vector<16xi32>
            %gather3A_663 = tpu.vector_load_idx %arg5[%rem3A_623, %add3A_662] : memref<64x384xf32, #tpu.memory_space<vmem>>[vector<16xi32>, vector<16xi32>], vector<16xf32>,
            %add3A_664 = arith.constant 40 : i32
            %add3A_665 = vector.broadcast %add3A_664 : i32 to vector<16xi32>
            %add3A_666 = arith.addi %shift_right_logical3A_2, %add3A_665 : vector<16xi32>
            tpu.vector_store_idx %arg7[%add3A_666, %add3A_624], %gather3A_663 : memref<192x128xf32, #tpu.memory_space<vmem>>[vector<16xi32>, vector<16xi32>], vector<16xf32>,
            %add3A_667 = arith.constant 96 : i32
            %add3A_668 = vector.broadcast %add3A_667 : i32 to vector<16xi32>
            %add3A_669 = arith.addi %iota3A, %add3A_668 : vector<16xi32>
            %gather3A_670 = tpu.vector_load_idx %arg5[%rem3A_623, %add3A_669] : memref<64x384xf32, #tpu.memory_space<vmem>>[vector<16xi32>, vector<16xi32>], vector<16xf32>,
            %add3A_671 = arith.constant 48 : i32
            %add3A_672 = vector.broadcast %add3A_671 : i32 to vector<16xi32>
            %add3A_673 = arith.addi %shift_right_logical3A_2, %add3A_672 : vector<16xi32>
            tpu.vector_store_idx %arg7[%add3A_673, %add3A_624], %gather3A_670 : memref<192x128xf32, #tpu.memory_space<vmem>>[vector<16xi32>, vector<16xi32>], vector<16xf32>,
            %add3A_674 = arith.constant 112 : i32
            %add3A_675 = vector.broadcast %add3A_674 : i32 to vector<16xi32>
            %add3A_676 = arith.addi %iota3A, %add3A_675 : vector<16xi32>
            %gather3A_677 = tpu.vector_load_idx %arg5[%rem3A_623, %add3A_676] : memref<64x384xf32, #tpu.memory_space<vmem>>[vector<16xi32>, vector<16xi32>], vector<16xf32>,
            %add3A_678 = arith.constant 56 : i32
            %add3A_679 = vector.broadcast %add3A_678 : i32 to vector<16xi32>
            %add3A_680 = arith.addi %shift_right_logical3A_2, %add3A_679 : vector<16xi32>
            tpu.vector_store_idx %arg7[%add3A_680, %add3A_624], %gather3A_677 : memref<192x128xf32, #tpu.memory_space<vmem>>[vector<16xi32>, vector<16xi32>], vector<16xf32>,
            %add3A_681 = arith.constant 128 : i32
            %add3A_682 = vector.broadcast %add3A_681 : i32 to vector<16xi32>
            %add3A_683 = arith.addi %iota3A, %add3A_682 : vector<16xi32>
            %gather3A_684 = tpu.vector_load_idx %arg5[%rem3A_623, %add3A_683] : memref<64x384xf32, #tpu.memory_space<vmem>>[vector<16xi32>, vector<16xi32>], vector<16xf32>,
            %add3A_685 = arith.constant 64 : i32
            %add3A_686 = vector.broadcast %add3A_685 : i32 to vector<16xi32>
            %add3A_687 = arith.addi %shift_right_logical3A_2, %add3A_686 : vector<16xi32>
            tpu.vector_store_idx %arg7[%add3A_687, %add3A_624], %gather3A_684 : memref<192x128xf32, #tpu.memory_space<vmem>>[vector<16xi32>, vector<16xi32>], vector<16xf32>,
            %add3A_688 = arith.constant 144 : i32
            %add3A_689 = vector.broadcast %add3A_688 : i32 to vector<16xi32>
            %add3A_690 = arith.addi %iota3A, %add3A_689 : vector<16xi32>
            %gather3A_691 = tpu.vector_load_idx %arg5[%rem3A_623, %add3A_690] : memref<64x384xf32, #tpu.memory_space<vmem>>[vector<16xi32>, vector<16xi32>], vector<16xf32>,
            %add3A_692 = arith.constant 72 : i32
            %add3A_693 = vector.broadcast %add3A_692 : i32 to vector<16xi32>
            %add3A_694 = arith.addi %shift_right_logical3A_2, %add3A_693 : vector<16xi32>
            tpu.vector_store_idx %arg7[%add3A_694, %add3A_624], %gather3A_691 : memref<192x128xf32, #tpu.memory_space<vmem>>[vector<16xi32>, vector<16xi32>], vector<16xf32>,
            %add3A_695 = arith.constant 160 : i32
            %add3A_696 = vector.broadcast %add3A_695 : i32 to vector<16xi32>
            %add3A_697 = arith.addi %iota3A, %add3A_696 : vector<16xi32>
            %gather3A_698 = tpu.vector_load_idx %arg5[%rem3A_623, %add3A_697] : memref<64x384xf32, #tpu.memory_space<vmem>>[vector<16xi32>, vector<16xi32>], vector<16xf32>,
            %add3A_699 = arith.constant 80 : i32
            %add3A_700 = vector.broadcast %add3A_699 : i32 to vector<16xi32>
            %add3A_701 = arith.addi %shift_right_logical3A_2, %add3A_700 : vector<16xi32>
            tpu.vector_store_idx %arg7[%add3A_701, %add3A_624], %gather3A_698 : memref<192x128xf32, #tpu.memory_space<vmem>>[vector<16xi32>, vector<16xi32>], vector<16xf32>,
            %add3A_702 = arith.constant 176 : i32
            %add3A_703 = vector.broadcast %add3A_702 : i32 to vector<16xi32>
            %add3A_704 = arith.addi %iota3A, %add3A_703 : vector<16xi32>
            %gather3A_705 = tpu.vector_load_idx %arg5[%rem3A_623, %add3A_704] : memref<64x384xf32, #tpu.memory_space<vmem>>[vector<16xi32>, vector<16xi32>], vector<16xf32>,
            %add3A_706 = arith.constant 88 : i32
            %add3A_707 = vector.broadcast %add3A_706 : i32 to vector<16xi32>
            %add3A_708 = arith.addi %shift_right_logical3A_2, %add3A_707 : vector<16xi32>
            tpu.vector_store_idx %arg7[%add3A_708, %add3A_624], %gather3A_705 : memref<192x128xf32, #tpu.memory_space<vmem>>[vector<16xi32>, vector<16xi32>], vector<16xf32>,
            %add3A_709 = arith.constant 192 : i32
            %add3A_710 = vector.broadcast %add3A_709 : i32 to vector<16xi32>
            %add3A_711 = arith.addi %iota3A, %add3A_710 : vector<16xi32>
            %gather3A_712 = tpu.vector_load_idx %arg5[%rem3A_623, %add3A_711] : memref<64x384xf32, #tpu.memory_space<vmem>>[vector<16xi32>, vector<16xi32>], vector<16xf32>,
            %add3A_713 = arith.constant 96 : i32
            %add3A_714 = vector.broadcast %add3A_713 : i32 to vector<16xi32>
            %add3A_715 = arith.addi %shift_right_logical3A_2, %add3A_714 : vector<16xi32>
            tpu.vector_store_idx %arg7[%add3A_715, %add3A_624], %gather3A_712 : memref<192x128xf32, #tpu.memory_space<vmem>>[vector<16xi32>, vector<16xi32>], vector<16xf32>,
            %add3A_716 = arith.constant 208 : i32
            %add3A_717 = vector.broadcast %add3A_716 : i32 to vector<16xi32>
            %add3A_718 = arith.addi %iota3A, %add3A_717 : vector<16xi32>
            %gather3A_719 = tpu.vector_load_idx %arg5[%rem3A_623, %add3A_718] : memref<64x384xf32, #tpu.memory_space<vmem>>[vector<16xi32>, vector<16xi32>], vector<16xf32>,
            %add3A_720 = arith.constant 104 : i32
            %add3A_721 = vector.broadcast %add3A_720 : i32 to vector<16xi32>
            %add3A_722 = arith.addi %shift_right_logical3A_2, %add3A_721 : vector<16xi32>
            tpu.vector_store_idx %arg7[%add3A_722, %add3A_624], %gather3A_719 : memref<192x128xf32, #tpu.memory_space<vmem>>[vector<16xi32>, vector<16xi32>], vector<16xf32>,
            %add3A_723 = arith.constant 224 : i32
            %add3A_724 = vector.broadcast %add3A_723 : i32 to vector<16xi32>
            %add3A_725 = arith.addi %iota3A, %add3A_724 : vector<16xi32>
            %gather3A_726 = tpu.vector_load_idx %arg5[%rem3A_623, %add3A_725] : memref<64x384xf32, #tpu.memory_space<vmem>>[vector<16xi32>, vector<16xi32>], vector<16xf32>,
            %add3A_727 = arith.constant 112 : i32
            %add3A_728 = vector.broadcast %add3A_727 : i32 to vector<16xi32>
            %add3A_729 = arith.addi %shift_right_logical3A_2, %add3A_728 : vector<16xi32>
            tpu.vector_store_idx %arg7[%add3A_729, %add3A_624], %gather3A_726 : memref<192x128xf32, #tpu.memory_space<vmem>>[vector<16xi32>, vector<16xi32>], vector<16xf32>,
            %add3A_730 = arith.constant 240 : i32
            %add3A_731 = vector.broadcast %add3A_730 : i32 to vector<16xi32>
            %add3A_732 = arith.addi %iota3A, %add3A_731 : vector<16xi32>
            %gather3A_733 = tpu.vector_load_idx %arg5[%rem3A_623, %add3A_732] : memref<64x384xf32, #tpu.memory_space<vmem>>[vector<16xi32>, vector<16xi32>], vector<16xf32>,
            %add3A_734 = arith.constant 120 : i32
            %add3A_735 = vector.broadcast %add3A_734 : i32 to vector<16xi32>
            %add3A_736 = arith.addi %shift_right_logical3A_2, %add3A_735 : vector<16xi32>
            tpu.vector_store_idx %arg7[%add3A_736, %add3A_624], %gather3A_733 : memref<192x128xf32, #tpu.memory_space<vmem>>[vector<16xi32>, vector<16xi32>], vector<16xf32>,
            %add3A_737 = arith.constant 256 : i32
            %add3A_738 = vector.broadcast %add3A_737 : i32 to vector<16xi32>
            %add3A_739 = arith.addi %iota3A, %add3A_738 : vector<16xi32>
            %gather3A_740 = tpu.vector_load_idx %arg5[%rem3A_623, %add3A_739] : memref<64x384xf32, #tpu.memory_space<vmem>>[vector<16xi32>, vector<16xi32>], vector<16xf32>,
            %add3A_741 = arith.constant 128 : i32
            %add3A_742 = vector.broadcast %add3A_741 : i32 to vector<16xi32>
            %add3A_743 = arith.addi %shift_right_logical3A_2, %add3A_742 : vector<16xi32>
            tpu.vector_store_idx %arg7[%add3A_743, %add3A_624], %gather3A_740 : memref<192x128xf32, #tpu.memory_space<vmem>>[vector<16xi32>, vector<16xi32>], vector<16xf32>,
            %add3A_744 = arith.constant 272 : i32
            %add3A_745 = vector.broadcast %add3A_744 : i32 to vector<16xi32>
            %add3A_746 = arith.addi %iota3A, %add3A_745 : vector<16xi32>
            %gather3A_747 = tpu.vector_load_idx %arg5[%rem3A_623, %add3A_746] : memref<64x384xf32, #tpu.memory_space<vmem>>[vector<16xi32>, vector<16xi32>], vector<16xf32>,
            %add3A_748 = arith.constant 136 : i32
            %add3A_749 = vector.broadcast %add3A_748 : i32 to vector<16xi32>
            %add3A_750 = arith.addi %shift_right_logical3A_2, %add3A_749 : vector<16xi32>
            tpu.vector_store_idx %arg7[%add3A_750, %add3A_624], %gather3A_747 : memref<192x128xf32, #tpu.memory_space<vmem>>[vector<16xi32>, vector<16xi32>], vector<16xf32>,
            %add3A_751 = arith.constant 288 : i32
            %add3A_752 = vector.broadcast %add3A_751 : i32 to vector<16xi32>
            %add3A_753 = arith.addi %iota3A, %add3A_752 : vector<16xi32>
            %gather3A_754 = tpu.vector_load_idx %arg5[%rem3A_623, %add3A_753] : memref<64x384xf32, #tpu.memory_space<vmem>>[vector<16xi32>, vector<16xi32>], vector<16xf32>,
            %add3A_755 = arith.constant 144 : i32
            %add3A_756 = vector.broadcast %add3A_755 : i32 to vector<16xi32>
            %add3A_757 = arith.addi %shift_right_logical3A_2, %add3A_756 : vector<16xi32>
            tpu.vector_store_idx %arg7[%add3A_757, %add3A_624], %gather3A_754 : memref<192x128xf32, #tpu.memory_space<vmem>>[vector<16xi32>, vector<16xi32>], vector<16xf32>,
            %add3A_758 = arith.constant 304 : i32
            %add3A_759 = vector.broadcast %add3A_758 : i32 to vector<16xi32>
            %add3A_760 = arith.addi %iota3A, %add3A_759 : vector<16xi32>
            %gather3A_761 = tpu.vector_load_idx %arg5[%rem3A_623, %add3A_760] : memref<64x384xf32, #tpu.memory_space<vmem>>[vector<16xi32>, vector<16xi32>], vector<16xf32>,
            %add3A_762 = arith.constant 152 : i32
            %add3A_763 = vector.broadcast %add3A_762 : i32 to vector<16xi32>
            %add3A_764 = arith.addi %shift_right_logical3A_2, %add3A_763 : vector<16xi32>
            tpu.vector_store_idx %arg7[%add3A_764, %add3A_624], %gather3A_761 : memref<192x128xf32, #tpu.memory_space<vmem>>[vector<16xi32>, vector<16xi32>], vector<16xf32>,
            %add3A_765 = arith.constant 320 : i32
            %add3A_766 = vector.broadcast %add3A_765 : i32 to vector<16xi32>
            %add3A_767 = arith.addi %iota3A, %add3A_766 : vector<16xi32>
            %gather3A_768 = tpu.vector_load_idx %arg5[%rem3A_623, %add3A_767] : memref<64x384xf32, #tpu.memory_space<vmem>>[vector<16xi32>, vector<16xi32>], vector<16xf32>,
            %add3A_769 = arith.constant 160 : i32
            %add3A_770 = vector.broadcast %add3A_769 : i32 to vector<16xi32>
            %add3A_771 = arith.addi %shift_right_logical3A_2, %add3A_770 : vector<16xi32>
            tpu.vector_store_idx %arg7[%add3A_771, %add3A_624], %gather3A_768 : memref<192x128xf32, #tpu.memory_space<vmem>>[vector<16xi32>, vector<16xi32>], vector<16xf32>,
            %add3A_772 = arith.constant 336 : i32
            %add3A_773 = vector.broadcast %add3A_772 : i32 to vector<16xi32>
            %add3A_774 = arith.addi %iota3A, %add3A_773 : vector<16xi32>
            %gather3A_775 = tpu.vector_load_idx %arg5[%rem3A_623, %add3A_774] : memref<64x384xf32, #tpu.memory_space<vmem>>[vector<16xi32>, vector<16xi32>], vector<16xf32>,
            %add3A_776 = arith.constant 168 : i32
            %add3A_777 = vector.broadcast %add3A_776 : i32 to vector<16xi32>
            %add3A_778 = arith.addi %shift_right_logical3A_2, %add3A_777 : vector<16xi32>
            tpu.vector_store_idx %arg7[%add3A_778, %add3A_624], %gather3A_775 : memref<192x128xf32, #tpu.memory_space<vmem>>[vector<16xi32>, vector<16xi32>], vector<16xf32>,
            %add3A_779 = arith.constant 352 : i32
            %add3A_780 = vector.broadcast %add3A_779 : i32 to vector<16xi32>
            %add3A_781 = arith.addi %iota3A, %add3A_780 : vector<16xi32>
            %gather3A_782 = tpu.vector_load_idx %arg5[%rem3A_623, %add3A_781] : memref<64x384xf32, #tpu.memory_space<vmem>>[vector<16xi32>, vector<16xi32>], vector<16xf32>,
            %add3A_783 = arith.constant 176 : i32
            %add3A_784 = vector.broadcast %add3A_783 : i32 to vector<16xi32>
            %add3A_785 = arith.addi %shift_right_logical3A_2, %add3A_784 : vector<16xi32>
            tpu.vector_store_idx %arg7[%add3A_785, %add3A_624], %gather3A_782 : memref<192x128xf32, #tpu.memory_space<vmem>>[vector<16xi32>, vector<16xi32>], vector<16xf32>,
            %add3A_786 = arith.constant 368 : i32
            %add3A_787 = vector.broadcast %add3A_786 : i32 to vector<16xi32>
            %add3A_788 = arith.addi %iota3A, %add3A_787 : vector<16xi32>
            %gather3A_789 = tpu.vector_load_idx %arg5[%rem3A_623, %add3A_788] : memref<64x384xf32, #tpu.memory_space<vmem>>[vector<16xi32>, vector<16xi32>], vector<16xf32>,
            %add3A_790 = arith.constant 184 : i32
            %add3A_791 = vector.broadcast %add3A_790 : i32 to vector<16xi32>
            %add3A_792 = arith.addi %shift_right_logical3A_2, %add3A_791 : vector<16xi32>
            tpu.vector_store_idx %arg7[%add3A_792, %add3A_624], %gather3A_789 : memref<192x128xf32, #tpu.memory_space<vmem>>[vector<16xi32>, vector<16xi32>], vector<16xf32>,
          }
          %scan3A_79 = arith.constant 16 : i32
          %mul3A_80 = arith.constant 192 : i32
          %mul3A_81 = arith.muli %add3A_40, %mul3A_80 : i32
          %dma_start3A = arith.constant 0 : i32
          %dma_start3A_82 = tpu.memref_slice %arg4[%mul3A_81, %dma_start3A] : memref<500000x128xf32, #tpu.memory_space<hbm>> -> memref<192x128xf32, #tpu.memory_space<hbm>>
          %dma_start3A_83 = arith.constant 0 : i32
          %dma_start3A_84 = tpu.memref_slice %arg4[%mul3A_81, %dma_start3A_83] : memref<500000x128xf32, #tpu.memory_space<hbm>> -> memref<192x128xf32, #tpu.memory_space<hbm>>
          tpu.enqueue_dma source(%arg7 : memref<192x128xf32, #tpu.memory_space<vmem>>) target(%dma_start3A_84 : memref<192x128xf32, #tpu.memory_space<hbm>>) target_semaphore(%arg12 : memref<!tpu.dma_semaphore, #tpu.memory_space<semaphore_mem>>)
        } else {
        }
        %eq3A_51 = arith.constant 1 : i32
        %eq3A_52 = arith.cmpi eq, %rem3A_37, %eq3A_51 : i32
        %convert_element_type3A_53 = arith.extui %eq3A_52 : i1 to i32
        %cond3A_54 = arith.constant 0 : i32
        %cond3A_55 = arith.cmpi ne, %convert_element_type3A_53, %cond3A_54 : i32
        scf.if %cond3A_55 {
          %mul3A_56 = arith.constant 384 : i32
          %mul3A_57 = arith.muli %add3A_40, %mul3A_56 : i32
          %dma_wait3A = arith.constant 0 : i32
          %dma_wait3A_58 = tpu.memref_slice %arg2[%dma_wait3A, %mul3A_57] : memref<64x1000000xf32, #tpu.memory_space<hbm>> -> memref<64x384xf32, #tpu.memory_space<hbm>>
          %dma_wait3A_59 = arith.constant 0 : i32
          %dma_wait3A_60 = tpu.memref_slice %arg2[%dma_wait3A_59, %mul3A_57] : memref<64x1000000xf32, #tpu.memory_space<hbm>> -> memref<64x384xf32, #tpu.memory_space<hbm>>
          tpu.wait_dma2 semaphore(%arg11 : memref<!tpu.dma_semaphore, #tpu.memory_space<semaphore_mem>>) src(%dma_wait3A_60 : memref<64x384xf32, #tpu.memory_space<hbm>>) dst(%arg6 : memref<64x384xf32, #tpu.memory_space<vmem>>)
          %ge3A = arith.constant 2 : i32
          %ge3A_61 = arith.cmpi sge, %add3A_35, %ge3A : i32
          %convert_element_type3A_62 = arith.extui %ge3A_61 : i1 to i32
          %cond3A_63 = arith.constant 0 : i32
          %cond3A_64 = arith.cmpi ne, %convert_element_type3A_62, %cond3A_63 : i32
          scf.if %cond3A_64 {
            %sub3A_85 = arith.constant 2 : i32
            %sub3A_86 = arith.subi %add3A_35, %sub3A_85 : i32
            %mul3A_87 = arith.constant 32 : i32
            %mul3A_88 = arith.muli %sub3A_86, %mul3A_87 : i32
            %add3A_89 = arith.addi %add3A, %mul3A_88 : i32
            %mul3A_90 = arith.constant 192 : i32
            %mul3A_91 = arith.muli %add3A_89, %mul3A_90 : i32
            %dma_wait3A_92 = arith.constant 0 : i32
            %dma_wait3A_93 = tpu.memref_slice %arg4[%mul3A_91, %dma_wait3A_92] : memref<500000x128xf32, #tpu.memory_space<hbm>> -> memref<192x128xf32, #tpu.memory_space<hbm>>
            %dma_wait3A_94 = arith.constant 0 : i32
            %dma_wait3A_95 = tpu.memref_slice %arg4[%mul3A_91, %dma_wait3A_94] : memref<500000x128xf32, #tpu.memory_space<hbm>> -> memref<192x128xf32, #tpu.memory_space<hbm>>
            tpu.wait_dma2 semaphore(%arg13 : memref<!tpu.dma_semaphore, #tpu.memory_space<semaphore_mem>>) src(%arg8 : memref<192x128xf32, #tpu.memory_space<vmem>>) dst(%dma_wait3A_95 : memref<192x128xf32, #tpu.memory_space<hbm>>)
          } else {
          }
          %add3A_65 = arith.constant 1 : i32
          %add3A_66 = arith.addi %add3A_35, %add3A_65 : i32
          %mul3A_67 = arith.constant 32 : i32
          %mul3A_68 = arith.muli %add3A_66, %mul3A_67 : i32
          %add3A_69 = arith.addi %add3A, %mul3A_68 : i32
          %lt3A_70 = arith.constant 2604 : i32
          %lt3A_71 = arith.cmpi slt, %add3A_69, %lt3A_70 : i32
          %convert_element_type3A_72 = arith.extui %lt3A_71 : i1 to i32
          %cond3A_73 = arith.constant 0 : i32
          %cond3A_74 = arith.cmpi ne, %convert_element_type3A_72, %cond3A_73 : i32
          scf.if %cond3A_74 {
            %add3A_85 = arith.constant 1 : i32
            %add3A_86 = arith.addi %add3A_35, %add3A_85 : i32
            %mul3A_87 = arith.constant 32 : i32
            %mul3A_88 = arith.muli %add3A_86, %mul3A_87 : i32
            %add3A_89 = arith.addi %add3A, %mul3A_88 : i32
            %mul3A_90 = arith.constant 384 : i32
            %mul3A_91 = arith.muli %add3A_89, %mul3A_90 : i32
            %dma_start3A_92 = arith.constant 0 : i32
            %dma_start3A_93 = tpu.memref_slice %arg2[%dma_start3A_92, %mul3A_91] : memref<64x1000000xf32, #tpu.memory_space<hbm>> -> memref<64x384xf32, #tpu.memory_space<hbm>>
            %dma_start3A_94 = arith.constant 0 : i32
            %dma_start3A_95 = tpu.memref_slice %arg2[%dma_start3A_94, %mul3A_91] : memref<64x1000000xf32, #tpu.memory_space<hbm>> -> memref<64x384xf32, #tpu.memory_space<hbm>>
            tpu.enqueue_dma source(%dma_start3A_95 : memref<64x384xf32, #tpu.memory_space<hbm>>) target(%arg5 : memref<64x384xf32, #tpu.memory_space<vmem>>) target_semaphore(%arg10 : memref<!tpu.dma_semaphore, #tpu.memory_space<semaphore_mem>>)
          } else {
          }
          %scan3A_75 = arith.constant 0 : i32
          %scan3A_76 = arith.constant 16 : i32
          %scan3A_77 = arith.addi %scan3A_75, %scan3A_76 : i32
          %scan3A_78 = arith.constant 1 : i32
          scf.for %scan3A_85 = %scan3A_75 to %scan3A_77 step %scan3A_78  : i32 {
            %mul3A_86 = arith.constant 4 : i32
            %mul3A_87 = arith.muli %scan3A_85, %mul3A_86 : i32
            %add3A_88 = arith.constant 0 : i32
            %add3A_89 = arith.addi %add3A_88, %mul3A_87 : i32
            %add3A_90 = arith.constant 0 : i32
            %add3A_91 = arith.addi %add3A_89, %add3A_90 : i32
            %add3A_92 = vector.broadcast %add3A_91 : i32 to vector<16xi32>
            %add3A_93 = arith.addi %iota3A, %add3A_92 : vector<16xi32>
            %rem3A_94 = arith.constant 64 : i32
            %rem3A_95 = vector.broadcast %rem3A_94 : i32 to vector<16xi32>
            %rem3A_96 = arith.remsi %add3A_93, %rem3A_95 : vector<16xi32>
            %add3A_97 = arith.addi %mul3A_7, %rem3A_96 : vector<16xi32>
            %add3A_98 = arith.constant 0 : i32
            %add3A_99 = vector.broadcast %add3A_98 : i32 to vector<16xi32>
            %add3A_100 = arith.addi %iota3A, %add3A_99 : vector<16xi32>
            %gather3A = tpu.vector_load_idx %arg6[%rem3A_96, %add3A_100] : memref<64x384xf32, #tpu.memory_space<vmem>>[vector<16xi32>, vector<16xi32>], vector<16xf32>,
            %add3A_101 = arith.constant 0 : i32
            %add3A_102 = vector.broadcast %add3A_101 : i32 to vector<16xi32>
            %add3A_103 = arith.addi %shift_right_logical3A_2, %add3A_102 : vector<16xi32>
            tpu.vector_store_idx %arg8[%add3A_103, %add3A_97], %gather3A : memref<192x128xf32, #tpu.memory_space<vmem>>[vector<16xi32>, vector<16xi32>], vector<16xf32>,
            %add3A_104 = arith.constant 16 : i32
            %add3A_105 = vector.broadcast %add3A_104 : i32 to vector<16xi32>
            %add3A_106 = arith.addi %iota3A, %add3A_105 : vector<16xi32>
            %gather3A_107 = tpu.vector_load_idx %arg6[%rem3A_96, %add3A_106] : memref<64x384xf32, #tpu.memory_space<vmem>>[vector<16xi32>, vector<16xi32>], vector<16xf32>,
            %add3A_108 = arith.constant 8 : i32
            %add3A_109 = vector.broadcast %add3A_108 : i32 to vector<16xi32>
            %add3A_110 = arith.addi %shift_right_logical3A_2, %add3A_109 : vector<16xi32>
            tpu.vector_store_idx %arg8[%add3A_110, %add3A_97], %gather3A_107 : memref<192x128xf32, #tpu.memory_space<vmem>>[vector<16xi32>, vector<16xi32>], vector<16xf32>,
            %add3A_111 = arith.constant 32 : i32
            %add3A_112 = vector.broadcast %add3A_111 : i32 to vector<16xi32>
            %add3A_113 = arith.addi %iota3A, %add3A_112 : vector<16xi32>
            %gather3A_114 = tpu.vector_load_idx %arg6[%rem3A_96, %add3A_113] : memref<64x384xf32, #tpu.memory_space<vmem>>[vector<16xi32>, vector<16xi32>], vector<16xf32>,
            %add3A_115 = arith.constant 16 : i32
            %add3A_116 = vector.broadcast %add3A_115 : i32 to vector<16xi32>
            %add3A_117 = arith.addi %shift_right_logical3A_2, %add3A_116 : vector<16xi32>
            tpu.vector_store_idx %arg8[%add3A_117, %add3A_97], %gather3A_114 : memref<192x128xf32, #tpu.memory_space<vmem>>[vector<16xi32>, vector<16xi32>], vector<16xf32>,
            %add3A_118 = arith.constant 48 : i32
            %add3A_119 = vector.broadcast %add3A_118 : i32 to vector<16xi32>
            %add3A_120 = arith.addi %iota3A, %add3A_119 : vector<16xi32>
            %gather3A_121 = tpu.vector_load_idx %arg6[%rem3A_96, %add3A_120] : memref<64x384xf32, #tpu.memory_space<vmem>>[vector<16xi32>, vector<16xi32>], vector<16xf32>,
            %add3A_122 = arith.constant 24 : i32
            %add3A_123 = vector.broadcast %add3A_122 : i32 to vector<16xi32>
            %add3A_124 = arith.addi %shift_right_logical3A_2, %add3A_123 : vector<16xi32>
            tpu.vector_store_idx %arg8[%add3A_124, %add3A_97], %gather3A_121 : memref<192x128xf32, #tpu.memory_space<vmem>>[vector<16xi32>, vector<16xi32>], vector<16xf32>,
            %add3A_125 = arith.constant 64 : i32
            %add3A_126 = vector.broadcast %add3A_125 : i32 to vector<16xi32>
            %add3A_127 = arith.addi %iota3A, %add3A_126 : vector<16xi32>
            %gather3A_128 = tpu.vector_load_idx %arg6[%rem3A_96, %add3A_127] : memref<64x384xf32, #tpu.memory_space<vmem>>[vector<16xi32>, vector<16xi32>], vector<16xf32>,
            %add3A_129 = arith.constant 32 : i32
            %add3A_130 = vector.broadcast %add3A_129 : i32 to vector<16xi32>
            %add3A_131 = arith.addi %shift_right_logical3A_2, %add3A_130 : vector<16xi32>
            tpu.vector_store_idx %arg8[%add3A_131, %add3A_97], %gather3A_128 : memref<192x128xf32, #tpu.memory_space<vmem>>[vector<16xi32>, vector<16xi32>], vector<16xf32>,
            %add3A_132 = arith.constant 80 : i32
            %add3A_133 = vector.broadcast %add3A_132 : i32 to vector<16xi32>
            %add3A_134 = arith.addi %iota3A, %add3A_133 : vector<16xi32>
            %gather3A_135 = tpu.vector_load_idx %arg6[%rem3A_96, %add3A_134] : memref<64x384xf32, #tpu.memory_space<vmem>>[vector<16xi32>, vector<16xi32>], vector<16xf32>,
            %add3A_136 = arith.constant 40 : i32
            %add3A_137 = vector.broadcast %add3A_136 : i32 to vector<16xi32>
            %add3A_138 = arith.addi %shift_right_logical3A_2, %add3A_137 : vector<16xi32>
            tpu.vector_store_idx %arg8[%add3A_138, %add3A_97], %gather3A_135 : memref<192x128xf32, #tpu.memory_space<vmem>>[vector<16xi32>, vector<16xi32>], vector<16xf32>,
            %add3A_139 = arith.constant 96 : i32
            %add3A_140 = vector.broadcast %add3A_139 : i32 to vector<16xi32>
            %add3A_141 = arith.addi %iota3A, %add3A_140 : vector<16xi32>
            %gather3A_142 = tpu.vector_load_idx %arg6[%rem3A_96, %add3A_141] : memref<64x384xf32, #tpu.memory_space<vmem>>[vector<16xi32>, vector<16xi32>], vector<16xf32>,
            %add3A_143 = arith.constant 48 : i32
            %add3A_144 = vector.broadcast %add3A_143 : i32 to vector<16xi32>
            %add3A_145 = arith.addi %shift_right_logical3A_2, %add3A_144 : vector<16xi32>
            tpu.vector_store_idx %arg8[%add3A_145, %add3A_97], %gather3A_142 : memref<192x128xf32, #tpu.memory_space<vmem>>[vector<16xi32>, vector<16xi32>], vector<16xf32>,
            %add3A_146 = arith.constant 112 : i32
            %add3A_147 = vector.broadcast %add3A_146 : i32 to vector<16xi32>
            %add3A_148 = arith.addi %iota3A, %add3A_147 : vector<16xi32>
            %gather3A_149 = tpu.vector_load_idx %arg6[%rem3A_96, %add3A_148] : memref<64x384xf32, #tpu.memory_space<vmem>>[vector<16xi32>, vector<16xi32>], vector<16xf32>,
            %add3A_150 = arith.constant 56 : i32
            %add3A_151 = vector.broadcast %add3A_150 : i32 to vector<16xi32>
            %add3A_152 = arith.addi %shift_right_logical3A_2, %add3A_151 : vector<16xi32>
            tpu.vector_store_idx %arg8[%add3A_152, %add3A_97], %gather3A_149 : memref<192x128xf32, #tpu.memory_space<vmem>>[vector<16xi32>, vector<16xi32>], vector<16xf32>,
            %add3A_153 = arith.constant 128 : i32
            %add3A_154 = vector.broadcast %add3A_153 : i32 to vector<16xi32>
            %add3A_155 = arith.addi %iota3A, %add3A_154 : vector<16xi32>
            %gather3A_156 = tpu.vector_load_idx %arg6[%rem3A_96, %add3A_155] : memref<64x384xf32, #tpu.memory_space<vmem>>[vector<16xi32>, vector<16xi32>], vector<16xf32>,
            %add3A_157 = arith.constant 64 : i32
            %add3A_158 = vector.broadcast %add3A_157 : i32 to vector<16xi32>
            %add3A_159 = arith.addi %shift_right_logical3A_2, %add3A_158 : vector<16xi32>
            tpu.vector_store_idx %arg8[%add3A_159, %add3A_97], %gather3A_156 : memref<192x128xf32, #tpu.memory_space<vmem>>[vector<16xi32>, vector<16xi32>], vector<16xf32>,
            %add3A_160 = arith.constant 144 : i32
            %add3A_161 = vector.broadcast %add3A_160 : i32 to vector<16xi32>
            %add3A_162 = arith.addi %iota3A, %add3A_161 : vector<16xi32>
            %gather3A_163 = tpu.vector_load_idx %arg6[%rem3A_96, %add3A_162] : memref<64x384xf32, #tpu.memory_space<vmem>>[vector<16xi32>, vector<16xi32>], vector<16xf32>,
            %add3A_164 = arith.constant 72 : i32
            %add3A_165 = vector.broadcast %add3A_164 : i32 to vector<16xi32>
            %add3A_166 = arith.addi %shift_right_logical3A_2, %add3A_165 : vector<16xi32>
            tpu.vector_store_idx %arg8[%add3A_166, %add3A_97], %gather3A_163 : memref<192x128xf32, #tpu.memory_space<vmem>>[vector<16xi32>, vector<16xi32>], vector<16xf32>,
            %add3A_167 = arith.constant 160 : i32
            %add3A_168 = vector.broadcast %add3A_167 : i32 to vector<16xi32>
            %add3A_169 = arith.addi %iota3A, %add3A_168 : vector<16xi32>
            %gather3A_170 = tpu.vector_load_idx %arg6[%rem3A_96, %add3A_169] : memref<64x384xf32, #tpu.memory_space<vmem>>[vector<16xi32>, vector<16xi32>], vector<16xf32>,
            %add3A_171 = arith.constant 80 : i32
            %add3A_172 = vector.broadcast %add3A_171 : i32 to vector<16xi32>
            %add3A_173 = arith.addi %shift_right_logical3A_2, %add3A_172 : vector<16xi32>
            tpu.vector_store_idx %arg8[%add3A_173, %add3A_97], %gather3A_170 : memref<192x128xf32, #tpu.memory_space<vmem>>[vector<16xi32>, vector<16xi32>], vector<16xf32>,
            %add3A_174 = arith.constant 176 : i32
            %add3A_175 = vector.broadcast %add3A_174 : i32 to vector<16xi32>
            %add3A_176 = arith.addi %iota3A, %add3A_175 : vector<16xi32>
            %gather3A_177 = tpu.vector_load_idx %arg6[%rem3A_96, %add3A_176] : memref<64x384xf32, #tpu.memory_space<vmem>>[vector<16xi32>, vector<16xi32>], vector<16xf32>,
            %add3A_178 = arith.constant 88 : i32
            %add3A_179 = vector.broadcast %add3A_178 : i32 to vector<16xi32>
            %add3A_180 = arith.addi %shift_right_logical3A_2, %add3A_179 : vector<16xi32>
            tpu.vector_store_idx %arg8[%add3A_180, %add3A_97], %gather3A_177 : memref<192x128xf32, #tpu.memory_space<vmem>>[vector<16xi32>, vector<16xi32>], vector<16xf32>,
            %add3A_181 = arith.constant 192 : i32
            %add3A_182 = vector.broadcast %add3A_181 : i32 to vector<16xi32>
            %add3A_183 = arith.addi %iota3A, %add3A_182 : vector<16xi32>
            %gather3A_184 = tpu.vector_load_idx %arg6[%rem3A_96, %add3A_183] : memref<64x384xf32, #tpu.memory_space<vmem>>[vector<16xi32>, vector<16xi32>], vector<16xf32>,
            %add3A_185 = arith.constant 96 : i32
            %add3A_186 = vector.broadcast %add3A_185 : i32 to vector<16xi32>
            %add3A_187 = arith.addi %shift_right_logical3A_2, %add3A_186 : vector<16xi32>
            tpu.vector_store_idx %arg8[%add3A_187, %add3A_97], %gather3A_184 : memref<192x128xf32, #tpu.memory_space<vmem>>[vector<16xi32>, vector<16xi32>], vector<16xf32>,
            %add3A_188 = arith.constant 208 : i32
            %add3A_189 = vector.broadcast %add3A_188 : i32 to vector<16xi32>
            %add3A_190 = arith.addi %iota3A, %add3A_189 : vector<16xi32>
            %gather3A_191 = tpu.vector_load_idx %arg6[%rem3A_96, %add3A_190] : memref<64x384xf32, #tpu.memory_space<vmem>>[vector<16xi32>, vector<16xi32>], vector<16xf32>,
            %add3A_192 = arith.constant 104 : i32
            %add3A_193 = vector.broadcast %add3A_192 : i32 to vector<16xi32>
            %add3A_194 = arith.addi %shift_right_logical3A_2, %add3A_193 : vector<16xi32>
            tpu.vector_store_idx %arg8[%add3A_194, %add3A_97], %gather3A_191 : memref<192x128xf32, #tpu.memory_space<vmem>>[vector<16xi32>, vector<16xi32>], vector<16xf32>,
            %add3A_195 = arith.constant 224 : i32
            %add3A_196 = vector.broadcast %add3A_195 : i32 to vector<16xi32>
            %add3A_197 = arith.addi %iota3A, %add3A_196 : vector<16xi32>
            %gather3A_198 = tpu.vector_load_idx %arg6[%rem3A_96, %add3A_197] : memref<64x384xf32, #tpu.memory_space<vmem>>[vector<16xi32>, vector<16xi32>], vector<16xf32>,
            %add3A_199 = arith.constant 112 : i32
            %add3A_200 = vector.broadcast %add3A_199 : i32 to vector<16xi32>
            %add3A_201 = arith.addi %shift_right_logical3A_2, %add3A_200 : vector<16xi32>
            tpu.vector_store_idx %arg8[%add3A_201, %add3A_97], %gather3A_198 : memref<192x128xf32, #tpu.memory_space<vmem>>[vector<16xi32>, vector<16xi32>], vector<16xf32>,
            %add3A_202 = arith.constant 240 : i32
            %add3A_203 = vector.broadcast %add3A_202 : i32 to vector<16xi32>
            %add3A_204 = arith.addi %iota3A, %add3A_203 : vector<16xi32>
            %gather3A_205 = tpu.vector_load_idx %arg6[%rem3A_96, %add3A_204] : memref<64x384xf32, #tpu.memory_space<vmem>>[vector<16xi32>, vector<16xi32>], vector<16xf32>,
            %add3A_206 = arith.constant 120 : i32
            %add3A_207 = vector.broadcast %add3A_206 : i32 to vector<16xi32>
            %add3A_208 = arith.addi %shift_right_logical3A_2, %add3A_207 : vector<16xi32>
            tpu.vector_store_idx %arg8[%add3A_208, %add3A_97], %gather3A_205 : memref<192x128xf32, #tpu.memory_space<vmem>>[vector<16xi32>, vector<16xi32>], vector<16xf32>,
            %add3A_209 = arith.constant 256 : i32
            %add3A_210 = vector.broadcast %add3A_209 : i32 to vector<16xi32>
            %add3A_211 = arith.addi %iota3A, %add3A_210 : vector<16xi32>
            %gather3A_212 = tpu.vector_load_idx %arg6[%rem3A_96, %add3A_211] : memref<64x384xf32, #tpu.memory_space<vmem>>[vector<16xi32>, vector<16xi32>], vector<16xf32>,
            %add3A_213 = arith.constant 128 : i32
            %add3A_214 = vector.broadcast %add3A_213 : i32 to vector<16xi32>
            %add3A_215 = arith.addi %shift_right_logical3A_2, %add3A_214 : vector<16xi32>
            tpu.vector_store_idx %arg8[%add3A_215, %add3A_97], %gather3A_212 : memref<192x128xf32, #tpu.memory_space<vmem>>[vector<16xi32>, vector<16xi32>], vector<16xf32>,
            %add3A_216 = arith.constant 272 : i32
            %add3A_217 = vector.broadcast %add3A_216 : i32 to vector<16xi32>
            %add3A_218 = arith.addi %iota3A, %add3A_217 : vector<16xi32>
            %gather3A_219 = tpu.vector_load_idx %arg6[%rem3A_96, %add3A_218] : memref<64x384xf32, #tpu.memory_space<vmem>>[vector<16xi32>, vector<16xi32>], vector<16xf32>,
            %add3A_220 = arith.constant 136 : i32
            %add3A_221 = vector.broadcast %add3A_220 : i32 to vector<16xi32>
            %add3A_222 = arith.addi %shift_right_logical3A_2, %add3A_221 : vector<16xi32>
            tpu.vector_store_idx %arg8[%add3A_222, %add3A_97], %gather3A_219 : memref<192x128xf32, #tpu.memory_space<vmem>>[vector<16xi32>, vector<16xi32>], vector<16xf32>,
            %add3A_223 = arith.constant 288 : i32
            %add3A_224 = vector.broadcast %add3A_223 : i32 to vector<16xi32>
            %add3A_225 = arith.addi %iota3A, %add3A_224 : vector<16xi32>
            %gather3A_226 = tpu.vector_load_idx %arg6[%rem3A_96, %add3A_225] : memref<64x384xf32, #tpu.memory_space<vmem>>[vector<16xi32>, vector<16xi32>], vector<16xf32>,
            %add3A_227 = arith.constant 144 : i32
            %add3A_228 = vector.broadcast %add3A_227 : i32 to vector<16xi32>
            %add3A_229 = arith.addi %shift_right_logical3A_2, %add3A_228 : vector<16xi32>
            tpu.vector_store_idx %arg8[%add3A_229, %add3A_97], %gather3A_226 : memref<192x128xf32, #tpu.memory_space<vmem>>[vector<16xi32>, vector<16xi32>], vector<16xf32>,
            %add3A_230 = arith.constant 304 : i32
            %add3A_231 = vector.broadcast %add3A_230 : i32 to vector<16xi32>
            %add3A_232 = arith.addi %iota3A, %add3A_231 : vector<16xi32>
            %gather3A_233 = tpu.vector_load_idx %arg6[%rem3A_96, %add3A_232] : memref<64x384xf32, #tpu.memory_space<vmem>>[vector<16xi32>, vector<16xi32>], vector<16xf32>,
            %add3A_234 = arith.constant 152 : i32
            %add3A_235 = vector.broadcast %add3A_234 : i32 to vector<16xi32>
            %add3A_236 = arith.addi %shift_right_logical3A_2, %add3A_235 : vector<16xi32>
            tpu.vector_store_idx %arg8[%add3A_236, %add3A_97], %gather3A_233 : memref<192x128xf32, #tpu.memory_space<vmem>>[vector<16xi32>, vector<16xi32>], vector<16xf32>,
            %add3A_237 = arith.constant 320 : i32
            %add3A_238 = vector.broadcast %add3A_237 : i32 to vector<16xi32>
            %add3A_239 = arith.addi %iota3A, %add3A_238 : vector<16xi32>
            %gather3A_240 = tpu.vector_load_idx %arg6[%rem3A_96, %add3A_239] : memref<64x384xf32, #tpu.memory_space<vmem>>[vector<16xi32>, vector<16xi32>], vector<16xf32>,
            %add3A_241 = arith.constant 160 : i32
            %add3A_242 = vector.broadcast %add3A_241 : i32 to vector<16xi32>
            %add3A_243 = arith.addi %shift_right_logical3A_2, %add3A_242 : vector<16xi32>
            tpu.vector_store_idx %arg8[%add3A_243, %add3A_97], %gather3A_240 : memref<192x128xf32, #tpu.memory_space<vmem>>[vector<16xi32>, vector<16xi32>], vector<16xf32>,
            %add3A_244 = arith.constant 336 : i32
            %add3A_245 = vector.broadcast %add3A_244 : i32 to vector<16xi32>
            %add3A_246 = arith.addi %iota3A, %add3A_245 : vector<16xi32>
            %gather3A_247 = tpu.vector_load_idx %arg6[%rem3A_96, %add3A_246] : memref<64x384xf32, #tpu.memory_space<vmem>>[vector<16xi32>, vector<16xi32>], vector<16xf32>,
            %add3A_248 = arith.constant 168 : i32
            %add3A_249 = vector.broadcast %add3A_248 : i32 to vector<16xi32>
            %add3A_250 = arith.addi %shift_right_logical3A_2, %add3A_249 : vector<16xi32>
            tpu.vector_store_idx %arg8[%add3A_250, %add3A_97], %gather3A_247 : memref<192x128xf32, #tpu.memory_space<vmem>>[vector<16xi32>, vector<16xi32>], vector<16xf32>,
            %add3A_251 = arith.constant 352 : i32
            %add3A_252 = vector.broadcast %add3A_251 : i32 to vector<16xi32>
            %add3A_253 = arith.addi %iota3A, %add3A_252 : vector<16xi32>
            %gather3A_254 = tpu.vector_load_idx %arg6[%rem3A_96, %add3A_253] : memref<64x384xf32, #tpu.memory_space<vmem>>[vector<16xi32>, vector<16xi32>], vector<16xf32>,
            %add3A_255 = arith.constant 176 : i32
            %add3A_256 = vector.broadcast %add3A_255 : i32 to vector<16xi32>
            %add3A_257 = arith.addi %shift_right_logical3A_2, %add3A_256 : vector<16xi32>
            tpu.vector_store_idx %arg8[%add3A_257, %add3A_97], %gather3A_254 : memref<192x128xf32, #tpu.memory_space<vmem>>[vector<16xi32>, vector<16xi32>], vector<16xf32>,
            %add3A_258 = arith.constant 368 : i32
            %add3A_259 = vector.broadcast %add3A_258 : i32 to vector<16xi32>
            %add3A_260 = arith.addi %iota3A, %add3A_259 : vector<16xi32>
            %gather3A_261 = tpu.vector_load_idx %arg6[%rem3A_96, %add3A_260] : memref<64x384xf32, #tpu.memory_space<vmem>>[vector<16xi32>, vector<16xi32>], vector<16xf32>,
            %add3A_262 = arith.constant 184 : i32
            %add3A_263 = vector.broadcast %add3A_262 : i32 to vector<16xi32>
            %add3A_264 = arith.addi %shift_right_logical3A_2, %add3A_263 : vector<16xi32>
            tpu.vector_store_idx %arg8[%add3A_264, %add3A_97], %gather3A_261 : memref<192x128xf32, #tpu.memory_space<vmem>>[vector<16xi32>, vector<16xi32>], vector<16xf32>,
            %add3A_265 = arith.constant 1 : i32
            %add3A_266 = arith.addi %add3A_89, %add3A_265 : i32
            %add3A_267 = vector.broadcast %add3A_266 : i32 to vector<16xi32>
            %add3A_268 = arith.addi %iota3A, %add3A_267 : vector<16xi32>
            %rem3A_269 = arith.constant 64 : i32
            %rem3A_270 = vector.broadcast %rem3A_269 : i32 to vector<16xi32>
            %rem3A_271 = arith.remsi %add3A_268, %rem3A_270 : vector<16xi32>
            %add3A_272 = arith.addi %mul3A_7, %rem3A_271 : vector<16xi32>
            %add3A_273 = arith.constant 0 : i32
            %add3A_274 = vector.broadcast %add3A_273 : i32 to vector<16xi32>
            %add3A_275 = arith.addi %iota3A, %add3A_274 : vector<16xi32>
            %gather3A_276 = tpu.vector_load_idx %arg6[%rem3A_271, %add3A_275] : memref<64x384xf32, #tpu.memory_space<vmem>>[vector<16xi32>, vector<16xi32>], vector<16xf32>,
            %add3A_277 = arith.constant 0 : i32
            %add3A_278 = vector.broadcast %add3A_277 : i32 to vector<16xi32>
            %add3A_279 = arith.addi %shift_right_logical3A_2, %add3A_278 : vector<16xi32>
            tpu.vector_store_idx %arg8[%add3A_279, %add3A_272], %gather3A_276 : memref<192x128xf32, #tpu.memory_space<vmem>>[vector<16xi32>, vector<16xi32>], vector<16xf32>,
            %add3A_280 = arith.constant 16 : i32
            %add3A_281 = vector.broadcast %add3A_280 : i32 to vector<16xi32>
            %add3A_282 = arith.addi %iota3A, %add3A_281 : vector<16xi32>
            %gather3A_283 = tpu.vector_load_idx %arg6[%rem3A_271, %add3A_282] : memref<64x384xf32, #tpu.memory_space<vmem>>[vector<16xi32>, vector<16xi32>], vector<16xf32>,
            %add3A_284 = arith.constant 8 : i32
            %add3A_285 = vector.broadcast %add3A_284 : i32 to vector<16xi32>
            %add3A_286 = arith.addi %shift_right_logical3A_2, %add3A_285 : vector<16xi32>
            tpu.vector_store_idx %arg8[%add3A_286, %add3A_272], %gather3A_283 : memref<192x128xf32, #tpu.memory_space<vmem>>[vector<16xi32>, vector<16xi32>], vector<16xf32>,
            %add3A_287 = arith.constant 32 : i32
            %add3A_288 = vector.broadcast %add3A_287 : i32 to vector<16xi32>
            %add3A_289 = arith.addi %iota3A, %add3A_288 : vector<16xi32>
            %gather3A_290 = tpu.vector_load_idx %arg6[%rem3A_271, %add3A_289] : memref<64x384xf32, #tpu.memory_space<vmem>>[vector<16xi32>, vector<16xi32>], vector<16xf32>,
            %add3A_291 = arith.constant 16 : i32
            %add3A_292 = vector.broadcast %add3A_291 : i32 to vector<16xi32>
            %add3A_293 = arith.addi %shift_right_logical3A_2, %add3A_292 : vector<16xi32>
            tpu.vector_store_idx %arg8[%add3A_293, %add3A_272], %gather3A_290 : memref<192x128xf32, #tpu.memory_space<vmem>>[vector<16xi32>, vector<16xi32>], vector<16xf32>,
            %add3A_294 = arith.constant 48 : i32
            %add3A_295 = vector.broadcast %add3A_294 : i32 to vector<16xi32>
            %add3A_296 = arith.addi %iota3A, %add3A_295 : vector<16xi32>
            %gather3A_297 = tpu.vector_load_idx %arg6[%rem3A_271, %add3A_296] : memref<64x384xf32, #tpu.memory_space<vmem>>[vector<16xi32>, vector<16xi32>], vector<16xf32>,
            %add3A_298 = arith.constant 24 : i32
            %add3A_299 = vector.broadcast %add3A_298 : i32 to vector<16xi32>
            %add3A_300 = arith.addi %shift_right_logical3A_2, %add3A_299 : vector<16xi32>
            tpu.vector_store_idx %arg8[%add3A_300, %add3A_272], %gather3A_297 : memref<192x128xf32, #tpu.memory_space<vmem>>[vector<16xi32>, vector<16xi32>], vector<16xf32>,
            %add3A_301 = arith.constant 64 : i32
            %add3A_302 = vector.broadcast %add3A_301 : i32 to vector<16xi32>
            %add3A_303 = arith.addi %iota3A, %add3A_302 : vector<16xi32>
            %gather3A_304 = tpu.vector_load_idx %arg6[%rem3A_271, %add3A_303] : memref<64x384xf32, #tpu.memory_space<vmem>>[vector<16xi32>, vector<16xi32>], vector<16xf32>,
            %add3A_305 = arith.constant 32 : i32
            %add3A_306 = vector.broadcast %add3A_305 : i32 to vector<16xi32>
            %add3A_307 = arith.addi %shift_right_logical3A_2, %add3A_306 : vector<16xi32>
            tpu.vector_store_idx %arg8[%add3A_307, %add3A_272], %gather3A_304 : memref<192x128xf32, #tpu.memory_space<vmem>>[vector<16xi32>, vector<16xi32>], vector<16xf32>,
            %add3A_308 = arith.constant 80 : i32
            %add3A_309 = vector.broadcast %add3A_308 : i32 to vector<16xi32>
            %add3A_310 = arith.addi %iota3A, %add3A_309 : vector<16xi32>
            %gather3A_311 = tpu.vector_load_idx %arg6[%rem3A_271, %add3A_310] : memref<64x384xf32, #tpu.memory_space<vmem>>[vector<16xi32>, vector<16xi32>], vector<16xf32>,
            %add3A_312 = arith.constant 40 : i32
            %add3A_313 = vector.broadcast %add3A_312 : i32 to vector<16xi32>
            %add3A_314 = arith.addi %shift_right_logical3A_2, %add3A_313 : vector<16xi32>
            tpu.vector_store_idx %arg8[%add3A_314, %add3A_272], %gather3A_311 : memref<192x128xf32, #tpu.memory_space<vmem>>[vector<16xi32>, vector<16xi32>], vector<16xf32>,
            %add3A_315 = arith.constant 96 : i32
            %add3A_316 = vector.broadcast %add3A_315 : i32 to vector<16xi32>
            %add3A_317 = arith.addi %iota3A, %add3A_316 : vector<16xi32>
            %gather3A_318 = tpu.vector_load_idx %arg6[%rem3A_271, %add3A_317] : memref<64x384xf32, #tpu.memory_space<vmem>>[vector<16xi32>, vector<16xi32>], vector<16xf32>,
            %add3A_319 = arith.constant 48 : i32
            %add3A_320 = vector.broadcast %add3A_319 : i32 to vector<16xi32>
            %add3A_321 = arith.addi %shift_right_logical3A_2, %add3A_320 : vector<16xi32>
            tpu.vector_store_idx %arg8[%add3A_321, %add3A_272], %gather3A_318 : memref<192x128xf32, #tpu.memory_space<vmem>>[vector<16xi32>, vector<16xi32>], vector<16xf32>,
            %add3A_322 = arith.constant 112 : i32
            %add3A_323 = vector.broadcast %add3A_322 : i32 to vector<16xi32>
            %add3A_324 = arith.addi %iota3A, %add3A_323 : vector<16xi32>
            %gather3A_325 = tpu.vector_load_idx %arg6[%rem3A_271, %add3A_324] : memref<64x384xf32, #tpu.memory_space<vmem>>[vector<16xi32>, vector<16xi32>], vector<16xf32>,
            %add3A_326 = arith.constant 56 : i32
            %add3A_327 = vector.broadcast %add3A_326 : i32 to vector<16xi32>
            %add3A_328 = arith.addi %shift_right_logical3A_2, %add3A_327 : vector<16xi32>
            tpu.vector_store_idx %arg8[%add3A_328, %add3A_272], %gather3A_325 : memref<192x128xf32, #tpu.memory_space<vmem>>[vector<16xi32>, vector<16xi32>], vector<16xf32>,
            %add3A_329 = arith.constant 128 : i32
            %add3A_330 = vector.broadcast %add3A_329 : i32 to vector<16xi32>
            %add3A_331 = arith.addi %iota3A, %add3A_330 : vector<16xi32>
            %gather3A_332 = tpu.vector_load_idx %arg6[%rem3A_271, %add3A_331] : memref<64x384xf32, #tpu.memory_space<vmem>>[vector<16xi32>, vector<16xi32>], vector<16xf32>,
            %add3A_333 = arith.constant 64 : i32
            %add3A_334 = vector.broadcast %add3A_333 : i32 to vector<16xi32>
            %add3A_335 = arith.addi %shift_right_logical3A_2, %add3A_334 : vector<16xi32>
            tpu.vector_store_idx %arg8[%add3A_335, %add3A_272], %gather3A_332 : memref<192x128xf32, #tpu.memory_space<vmem>>[vector<16xi32>, vector<16xi32>], vector<16xf32>,
            %add3A_336 = arith.constant 144 : i32
            %add3A_337 = vector.broadcast %add3A_336 : i32 to vector<16xi32>
            %add3A_338 = arith.addi %iota3A, %add3A_337 : vector<16xi32>
            %gather3A_339 = tpu.vector_load_idx %arg6[%rem3A_271, %add3A_338] : memref<64x384xf32, #tpu.memory_space<vmem>>[vector<16xi32>, vector<16xi32>], vector<16xf32>,
            %add3A_340 = arith.constant 72 : i32
            %add3A_341 = vector.broadcast %add3A_340 : i32 to vector<16xi32>
            %add3A_342 = arith.addi %shift_right_logical3A_2, %add3A_341 : vector<16xi32>
            tpu.vector_store_idx %arg8[%add3A_342, %add3A_272], %gather3A_339 : memref<192x128xf32, #tpu.memory_space<vmem>>[vector<16xi32>, vector<16xi32>], vector<16xf32>,
            %add3A_343 = arith.constant 160 : i32
            %add3A_344 = vector.broadcast %add3A_343 : i32 to vector<16xi32>
            %add3A_345 = arith.addi %iota3A, %add3A_344 : vector<16xi32>
            %gather3A_346 = tpu.vector_load_idx %arg6[%rem3A_271, %add3A_345] : memref<64x384xf32, #tpu.memory_space<vmem>>[vector<16xi32>, vector<16xi32>], vector<16xf32>,
            %add3A_347 = arith.constant 80 : i32
            %add3A_348 = vector.broadcast %add3A_347 : i32 to vector<16xi32>
            %add3A_349 = arith.addi %shift_right_logical3A_2, %add3A_348 : vector<16xi32>
            tpu.vector_store_idx %arg8[%add3A_349, %add3A_272], %gather3A_346 : memref<192x128xf32, #tpu.memory_space<vmem>>[vector<16xi32>, vector<16xi32>], vector<16xf32>,
            %add3A_350 = arith.constant 176 : i32
            %add3A_351 = vector.broadcast %add3A_350 : i32 to vector<16xi32>
            %add3A_352 = arith.addi %iota3A, %add3A_351 : vector<16xi32>
            %gather3A_353 = tpu.vector_load_idx %arg6[%rem3A_271, %add3A_352] : memref<64x384xf32, #tpu.memory_space<vmem>>[vector<16xi32>, vector<16xi32>], vector<16xf32>,
            %add3A_354 = arith.constant 88 : i32
            %add3A_355 = vector.broadcast %add3A_354 : i32 to vector<16xi32>
            %add3A_356 = arith.addi %shift_right_logical3A_2, %add3A_355 : vector<16xi32>
            tpu.vector_store_idx %arg8[%add3A_356, %add3A_272], %gather3A_353 : memref<192x128xf32, #tpu.memory_space<vmem>>[vector<16xi32>, vector<16xi32>], vector<16xf32>,
            %add3A_357 = arith.constant 192 : i32
            %add3A_358 = vector.broadcast %add3A_357 : i32 to vector<16xi32>
            %add3A_359 = arith.addi %iota3A, %add3A_358 : vector<16xi32>
            %gather3A_360 = tpu.vector_load_idx %arg6[%rem3A_271, %add3A_359] : memref<64x384xf32, #tpu.memory_space<vmem>>[vector<16xi32>, vector<16xi32>], vector<16xf32>,
            %add3A_361 = arith.constant 96 : i32
            %add3A_362 = vector.broadcast %add3A_361 : i32 to vector<16xi32>
            %add3A_363 = arith.addi %shift_right_logical3A_2, %add3A_362 : vector<16xi32>
            tpu.vector_store_idx %arg8[%add3A_363, %add3A_272], %gather3A_360 : memref<192x128xf32, #tpu.memory_space<vmem>>[vector<16xi32>, vector<16xi32>], vector<16xf32>,
            %add3A_364 = arith.constant 208 : i32
            %add3A_365 = vector.broadcast %add3A_364 : i32 to vector<16xi32>
            %add3A_366 = arith.addi %iota3A, %add3A_365 : vector<16xi32>
            %gather3A_367 = tpu.vector_load_idx %arg6[%rem3A_271, %add3A_366] : memref<64x384xf32, #tpu.memory_space<vmem>>[vector<16xi32>, vector<16xi32>], vector<16xf32>,
            %add3A_368 = arith.constant 104 : i32
            %add3A_369 = vector.broadcast %add3A_368 : i32 to vector<16xi32>
            %add3A_370 = arith.addi %shift_right_logical3A_2, %add3A_369 : vector<16xi32>
            tpu.vector_store_idx %arg8[%add3A_370, %add3A_272], %gather3A_367 : memref<192x128xf32, #tpu.memory_space<vmem>>[vector<16xi32>, vector<16xi32>], vector<16xf32>,
            %add3A_371 = arith.constant 224 : i32
            %add3A_372 = vector.broadcast %add3A_371 : i32 to vector<16xi32>
            %add3A_373 = arith.addi %iota3A, %add3A_372 : vector<16xi32>
            %gather3A_374 = tpu.vector_load_idx %arg6[%rem3A_271, %add3A_373] : memref<64x384xf32, #tpu.memory_space<vmem>>[vector<16xi32>, vector<16xi32>], vector<16xf32>,
            %add3A_375 = arith.constant 112 : i32
            %add3A_376 = vector.broadcast %add3A_375 : i32 to vector<16xi32>
            %add3A_377 = arith.addi %shift_right_logical3A_2, %add3A_376 : vector<16xi32>
            tpu.vector_store_idx %arg8[%add3A_377, %add3A_272], %gather3A_374 : memref<192x128xf32, #tpu.memory_space<vmem>>[vector<16xi32>, vector<16xi32>], vector<16xf32>,
            %add3A_378 = arith.constant 240 : i32
            %add3A_379 = vector.broadcast %add3A_378 : i32 to vector<16xi32>
            %add3A_380 = arith.addi %iota3A, %add3A_379 : vector<16xi32>
            %gather3A_381 = tpu.vector_load_idx %arg6[%rem3A_271, %add3A_380] : memref<64x384xf32, #tpu.memory_space<vmem>>[vector<16xi32>, vector<16xi32>], vector<16xf32>,
            %add3A_382 = arith.constant 120 : i32
            %add3A_383 = vector.broadcast %add3A_382 : i32 to vector<16xi32>
            %add3A_384 = arith.addi %shift_right_logical3A_2, %add3A_383 : vector<16xi32>
            tpu.vector_store_idx %arg8[%add3A_384, %add3A_272], %gather3A_381 : memref<192x128xf32, #tpu.memory_space<vmem>>[vector<16xi32>, vector<16xi32>], vector<16xf32>,
            %add3A_385 = arith.constant 256 : i32
            %add3A_386 = vector.broadcast %add3A_385 : i32 to vector<16xi32>
            %add3A_387 = arith.addi %iota3A, %add3A_386 : vector<16xi32>
            %gather3A_388 = tpu.vector_load_idx %arg6[%rem3A_271, %add3A_387] : memref<64x384xf32, #tpu.memory_space<vmem>>[vector<16xi32>, vector<16xi32>], vector<16xf32>,
            %add3A_389 = arith.constant 128 : i32
            %add3A_390 = vector.broadcast %add3A_389 : i32 to vector<16xi32>
            %add3A_391 = arith.addi %shift_right_logical3A_2, %add3A_390 : vector<16xi32>
            tpu.vector_store_idx %arg8[%add3A_391, %add3A_272], %gather3A_388 : memref<192x128xf32, #tpu.memory_space<vmem>>[vector<16xi32>, vector<16xi32>], vector<16xf32>,
            %add3A_392 = arith.constant 272 : i32
            %add3A_393 = vector.broadcast %add3A_392 : i32 to vector<16xi32>
            %add3A_394 = arith.addi %iota3A, %add3A_393 : vector<16xi32>
            %gather3A_395 = tpu.vector_load_idx %arg6[%rem3A_271, %add3A_394] : memref<64x384xf32, #tpu.memory_space<vmem>>[vector<16xi32>, vector<16xi32>], vector<16xf32>,
            %add3A_396 = arith.constant 136 : i32
            %add3A_397 = vector.broadcast %add3A_396 : i32 to vector<16xi32>
            %add3A_398 = arith.addi %shift_right_logical3A_2, %add3A_397 : vector<16xi32>
            tpu.vector_store_idx %arg8[%add3A_398, %add3A_272], %gather3A_395 : memref<192x128xf32, #tpu.memory_space<vmem>>[vector<16xi32>, vector<16xi32>], vector<16xf32>,
            %add3A_399 = arith.constant 288 : i32
            %add3A_400 = vector.broadcast %add3A_399 : i32 to vector<16xi32>
            %add3A_401 = arith.addi %iota3A, %add3A_400 : vector<16xi32>
            %gather3A_402 = tpu.vector_load_idx %arg6[%rem3A_271, %add3A_401] : memref<64x384xf32, #tpu.memory_space<vmem>>[vector<16xi32>, vector<16xi32>], vector<16xf32>,
            %add3A_403 = arith.constant 144 : i32
            %add3A_404 = vector.broadcast %add3A_403 : i32 to vector<16xi32>
            %add3A_405 = arith.addi %shift_right_logical3A_2, %add3A_404 : vector<16xi32>
            tpu.vector_store_idx %arg8[%add3A_405, %add3A_272], %gather3A_402 : memref<192x128xf32, #tpu.memory_space<vmem>>[vector<16xi32>, vector<16xi32>], vector<16xf32>,
            %add3A_406 = arith.constant 304 : i32
            %add3A_407 = vector.broadcast %add3A_406 : i32 to vector<16xi32>
            %add3A_408 = arith.addi %iota3A, %add3A_407 : vector<16xi32>
            %gather3A_409 = tpu.vector_load_idx %arg6[%rem3A_271, %add3A_408] : memref<64x384xf32, #tpu.memory_space<vmem>>[vector<16xi32>, vector<16xi32>], vector<16xf32>,
            %add3A_410 = arith.constant 152 : i32
            %add3A_411 = vector.broadcast %add3A_410 : i32 to vector<16xi32>
            %add3A_412 = arith.addi %shift_right_logical3A_2, %add3A_411 : vector<16xi32>
            tpu.vector_store_idx %arg8[%add3A_412, %add3A_272], %gather3A_409 : memref<192x128xf32, #tpu.memory_space<vmem>>[vector<16xi32>, vector<16xi32>], vector<16xf32>,
            %add3A_413 = arith.constant 320 : i32
            %add3A_414 = vector.broadcast %add3A_413 : i32 to vector<16xi32>
            %add3A_415 = arith.addi %iota3A, %add3A_414 : vector<16xi32>
            %gather3A_416 = tpu.vector_load_idx %arg6[%rem3A_271, %add3A_415] : memref<64x384xf32, #tpu.memory_space<vmem>>[vector<16xi32>, vector<16xi32>], vector<16xf32>,
            %add3A_417 = arith.constant 160 : i32
            %add3A_418 = vector.broadcast %add3A_417 : i32 to vector<16xi32>
            %add3A_419 = arith.addi %shift_right_logical3A_2, %add3A_418 : vector<16xi32>
            tpu.vector_store_idx %arg8[%add3A_419, %add3A_272], %gather3A_416 : memref<192x128xf32, #tpu.memory_space<vmem>>[vector<16xi32>, vector<16xi32>], vector<16xf32>,
            %add3A_420 = arith.constant 336 : i32
            %add3A_421 = vector.broadcast %add3A_420 : i32 to vector<16xi32>
            %add3A_422 = arith.addi %iota3A, %add3A_421 : vector<16xi32>
            %gather3A_423 = tpu.vector_load_idx %arg6[%rem3A_271, %add3A_422] : memref<64x384xf32, #tpu.memory_space<vmem>>[vector<16xi32>, vector<16xi32>], vector<16xf32>,
            %add3A_424 = arith.constant 168 : i32
            %add3A_425 = vector.broadcast %add3A_424 : i32 to vector<16xi32>
            %add3A_426 = arith.addi %shift_right_logical3A_2, %add3A_425 : vector<16xi32>
            tpu.vector_store_idx %arg8[%add3A_426, %add3A_272], %gather3A_423 : memref<192x128xf32, #tpu.memory_space<vmem>>[vector<16xi32>, vector<16xi32>], vector<16xf32>,
            %add3A_427 = arith.constant 352 : i32
            %add3A_428 = vector.broadcast %add3A_427 : i32 to vector<16xi32>
            %add3A_429 = arith.addi %iota3A, %add3A_428 : vector<16xi32>
            %gather3A_430 = tpu.vector_load_idx %arg6[%rem3A_271, %add3A_429] : memref<64x384xf32, #tpu.memory_space<vmem>>[vector<16xi32>, vector<16xi32>], vector<16xf32>,
            %add3A_431 = arith.constant 176 : i32
            %add3A_432 = vector.broadcast %add3A_431 : i32 to vector<16xi32>
            %add3A_433 = arith.addi %shift_right_logical3A_2, %add3A_432 : vector<16xi32>
            tpu.vector_store_idx %arg8[%add3A_433, %add3A_272], %gather3A_430 : memref<192x128xf32, #tpu.memory_space<vmem>>[vector<16xi32>, vector<16xi32>], vector<16xf32>,
            %add3A_434 = arith.constant 368 : i32
            %add3A_435 = vector.broadcast %add3A_434 : i32 to vector<16xi32>
            %add3A_436 = arith.addi %iota3A, %add3A_435 : vector<16xi32>
            %gather3A_437 = tpu.vector_load_idx %arg6[%rem3A_271, %add3A_436] : memref<64x384xf32, #tpu.memory_space<vmem>>[vector<16xi32>, vector<16xi32>], vector<16xf32>,
            %add3A_438 = arith.constant 184 : i32
            %add3A_439 = vector.broadcast %add3A_438 : i32 to vector<16xi32>
            %add3A_440 = arith.addi %shift_right_logical3A_2, %add3A_439 : vector<16xi32>
            tpu.vector_store_idx %arg8[%add3A_440, %add3A_272], %gather3A_437 : memref<192x128xf32, #tpu.memory_space<vmem>>[vector<16xi32>, vector<16xi32>], vector<16xf32>,
            %add3A_441 = arith.constant 2 : i32
            %add3A_442 = arith.addi %add3A_89, %add3A_441 : i32
            %add3A_443 = vector.broadcast %add3A_442 : i32 to vector<16xi32>
            %add3A_444 = arith.addi %iota3A, %add3A_443 : vector<16xi32>
            %rem3A_445 = arith.constant 64 : i32
            %rem3A_446 = vector.broadcast %rem3A_445 : i32 to vector<16xi32>
            %rem3A_447 = arith.remsi %add3A_444, %rem3A_446 : vector<16xi32>
            %add3A_448 = arith.addi %mul3A_7, %rem3A_447 : vector<16xi32>
            %add3A_449 = arith.constant 0 : i32
            %add3A_450 = vector.broadcast %add3A_449 : i32 to vector<16xi32>
            %add3A_451 = arith.addi %iota3A, %add3A_450 : vector<16xi32>
            %gather3A_452 = tpu.vector_load_idx %arg6[%rem3A_447, %add3A_451] : memref<64x384xf32, #tpu.memory_space<vmem>>[vector<16xi32>, vector<16xi32>], vector<16xf32>,
            %add3A_453 = arith.constant 0 : i32
            %add3A_454 = vector.broadcast %add3A_453 : i32 to vector<16xi32>
            %add3A_455 = arith.addi %shift_right_logical3A_2, %add3A_454 : vector<16xi32>
            tpu.vector_store_idx %arg8[%add3A_455, %add3A_448], %gather3A_452 : memref<192x128xf32, #tpu.memory_space<vmem>>[vector<16xi32>, vector<16xi32>], vector<16xf32>,
            %add3A_456 = arith.constant 16 : i32
            %add3A_457 = vector.broadcast %add3A_456 : i32 to vector<16xi32>
            %add3A_458 = arith.addi %iota3A, %add3A_457 : vector<16xi32>
            %gather3A_459 = tpu.vector_load_idx %arg6[%rem3A_447, %add3A_458] : memref<64x384xf32, #tpu.memory_space<vmem>>[vector<16xi32>, vector<16xi32>], vector<16xf32>,
            %add3A_460 = arith.constant 8 : i32
            %add3A_461 = vector.broadcast %add3A_460 : i32 to vector<16xi32>
            %add3A_462 = arith.addi %shift_right_logical3A_2, %add3A_461 : vector<16xi32>
            tpu.vector_store_idx %arg8[%add3A_462, %add3A_448], %gather3A_459 : memref<192x128xf32, #tpu.memory_space<vmem>>[vector<16xi32>, vector<16xi32>], vector<16xf32>,
            %add3A_463 = arith.constant 32 : i32
            %add3A_464 = vector.broadcast %add3A_463 : i32 to vector<16xi32>
            %add3A_465 = arith.addi %iota3A, %add3A_464 : vector<16xi32>
            %gather3A_466 = tpu.vector_load_idx %arg6[%rem3A_447, %add3A_465] : memref<64x384xf32, #tpu.memory_space<vmem>>[vector<16xi32>, vector<16xi32>], vector<16xf32>,
            %add3A_467 = arith.constant 16 : i32
            %add3A_468 = vector.broadcast %add3A_467 : i32 to vector<16xi32>
            %add3A_469 = arith.addi %shift_right_logical3A_2, %add3A_468 : vector<16xi32>
            tpu.vector_store_idx %arg8[%add3A_469, %add3A_448], %gather3A_466 : memref<192x128xf32, #tpu.memory_space<vmem>>[vector<16xi32>, vector<16xi32>], vector<16xf32>,
            %add3A_470 = arith.constant 48 : i32
            %add3A_471 = vector.broadcast %add3A_470 : i32 to vector<16xi32>
            %add3A_472 = arith.addi %iota3A, %add3A_471 : vector<16xi32>
            %gather3A_473 = tpu.vector_load_idx %arg6[%rem3A_447, %add3A_472] : memref<64x384xf32, #tpu.memory_space<vmem>>[vector<16xi32>, vector<16xi32>], vector<16xf32>,
            %add3A_474 = arith.constant 24 : i32
            %add3A_475 = vector.broadcast %add3A_474 : i32 to vector<16xi32>
            %add3A_476 = arith.addi %shift_right_logical3A_2, %add3A_475 : vector<16xi32>
            tpu.vector_store_idx %arg8[%add3A_476, %add3A_448], %gather3A_473 : memref<192x128xf32, #tpu.memory_space<vmem>>[vector<16xi32>, vector<16xi32>], vector<16xf32>,
            %add3A_477 = arith.constant 64 : i32
            %add3A_478 = vector.broadcast %add3A_477 : i32 to vector<16xi32>
            %add3A_479 = arith.addi %iota3A, %add3A_478 : vector<16xi32>
            %gather3A_480 = tpu.vector_load_idx %arg6[%rem3A_447, %add3A_479] : memref<64x384xf32, #tpu.memory_space<vmem>>[vector<16xi32>, vector<16xi32>], vector<16xf32>,
            %add3A_481 = arith.constant 32 : i32
            %add3A_482 = vector.broadcast %add3A_481 : i32 to vector<16xi32>
            %add3A_483 = arith.addi %shift_right_logical3A_2, %add3A_482 : vector<16xi32>
            tpu.vector_store_idx %arg8[%add3A_483, %add3A_448], %gather3A_480 : memref<192x128xf32, #tpu.memory_space<vmem>>[vector<16xi32>, vector<16xi32>], vector<16xf32>,
            %add3A_484 = arith.constant 80 : i32
            %add3A_485 = vector.broadcast %add3A_484 : i32 to vector<16xi32>
            %add3A_486 = arith.addi %iota3A, %add3A_485 : vector<16xi32>
            %gather3A_487 = tpu.vector_load_idx %arg6[%rem3A_447, %add3A_486] : memref<64x384xf32, #tpu.memory_space<vmem>>[vector<16xi32>, vector<16xi32>], vector<16xf32>,
            %add3A_488 = arith.constant 40 : i32
            %add3A_489 = vector.broadcast %add3A_488 : i32 to vector<16xi32>
            %add3A_490 = arith.addi %shift_right_logical3A_2, %add3A_489 : vector<16xi32>
            tpu.vector_store_idx %arg8[%add3A_490, %add3A_448], %gather3A_487 : memref<192x128xf32, #tpu.memory_space<vmem>>[vector<16xi32>, vector<16xi32>], vector<16xf32>,
            %add3A_491 = arith.constant 96 : i32
            %add3A_492 = vector.broadcast %add3A_491 : i32 to vector<16xi32>
            %add3A_493 = arith.addi %iota3A, %add3A_492 : vector<16xi32>
            %gather3A_494 = tpu.vector_load_idx %arg6[%rem3A_447, %add3A_493] : memref<64x384xf32, #tpu.memory_space<vmem>>[vector<16xi32>, vector<16xi32>], vector<16xf32>,
            %add3A_495 = arith.constant 48 : i32
            %add3A_496 = vector.broadcast %add3A_495 : i32 to vector<16xi32>
            %add3A_497 = arith.addi %shift_right_logical3A_2, %add3A_496 : vector<16xi32>
            tpu.vector_store_idx %arg8[%add3A_497, %add3A_448], %gather3A_494 : memref<192x128xf32, #tpu.memory_space<vmem>>[vector<16xi32>, vector<16xi32>], vector<16xf32>,
            %add3A_498 = arith.constant 112 : i32
            %add3A_499 = vector.broadcast %add3A_498 : i32 to vector<16xi32>
            %add3A_500 = arith.addi %iota3A, %add3A_499 : vector<16xi32>
            %gather3A_501 = tpu.vector_load_idx %arg6[%rem3A_447, %add3A_500] : memref<64x384xf32, #tpu.memory_space<vmem>>[vector<16xi32>, vector<16xi32>], vector<16xf32>,
            %add3A_502 = arith.constant 56 : i32
            %add3A_503 = vector.broadcast %add3A_502 : i32 to vector<16xi32>
            %add3A_504 = arith.addi %shift_right_logical3A_2, %add3A_503 : vector<16xi32>
            tpu.vector_store_idx %arg8[%add3A_504, %add3A_448], %gather3A_501 : memref<192x128xf32, #tpu.memory_space<vmem>>[vector<16xi32>, vector<16xi32>], vector<16xf32>,
            %add3A_505 = arith.constant 128 : i32
            %add3A_506 = vector.broadcast %add3A_505 : i32 to vector<16xi32>
            %add3A_507 = arith.addi %iota3A, %add3A_506 : vector<16xi32>
            %gather3A_508 = tpu.vector_load_idx %arg6[%rem3A_447, %add3A_507] : memref<64x384xf32, #tpu.memory_space<vmem>>[vector<16xi32>, vector<16xi32>], vector<16xf32>,
            %add3A_509 = arith.constant 64 : i32
            %add3A_510 = vector.broadcast %add3A_509 : i32 to vector<16xi32>
            %add3A_511 = arith.addi %shift_right_logical3A_2, %add3A_510 : vector<16xi32>
            tpu.vector_store_idx %arg8[%add3A_511, %add3A_448], %gather3A_508 : memref<192x128xf32, #tpu.memory_space<vmem>>[vector<16xi32>, vector<16xi32>], vector<16xf32>,
            %add3A_512 = arith.constant 144 : i32
            %add3A_513 = vector.broadcast %add3A_512 : i32 to vector<16xi32>
            %add3A_514 = arith.addi %iota3A, %add3A_513 : vector<16xi32>
            %gather3A_515 = tpu.vector_load_idx %arg6[%rem3A_447, %add3A_514] : memref<64x384xf32, #tpu.memory_space<vmem>>[vector<16xi32>, vector<16xi32>], vector<16xf32>,
            %add3A_516 = arith.constant 72 : i32
            %add3A_517 = vector.broadcast %add3A_516 : i32 to vector<16xi32>
            %add3A_518 = arith.addi %shift_right_logical3A_2, %add3A_517 : vector<16xi32>
            tpu.vector_store_idx %arg8[%add3A_518, %add3A_448], %gather3A_515 : memref<192x128xf32, #tpu.memory_space<vmem>>[vector<16xi32>, vector<16xi32>], vector<16xf32>,
            %add3A_519 = arith.constant 160 : i32
            %add3A_520 = vector.broadcast %add3A_519 : i32 to vector<16xi32>
            %add3A_521 = arith.addi %iota3A, %add3A_520 : vector<16xi32>
            %gather3A_522 = tpu.vector_load_idx %arg6[%rem3A_447, %add3A_521] : memref<64x384xf32, #tpu.memory_space<vmem>>[vector<16xi32>, vector<16xi32>], vector<16xf32>,
            %add3A_523 = arith.constant 80 : i32
            %add3A_524 = vector.broadcast %add3A_523 : i32 to vector<16xi32>
            %add3A_525 = arith.addi %shift_right_logical3A_2, %add3A_524 : vector<16xi32>
            tpu.vector_store_idx %arg8[%add3A_525, %add3A_448], %gather3A_522 : memref<192x128xf32, #tpu.memory_space<vmem>>[vector<16xi32>, vector<16xi32>], vector<16xf32>,
            %add3A_526 = arith.constant 176 : i32
            %add3A_527 = vector.broadcast %add3A_526 : i32 to vector<16xi32>
            %add3A_528 = arith.addi %iota3A, %add3A_527 : vector<16xi32>
            %gather3A_529 = tpu.vector_load_idx %arg6[%rem3A_447, %add3A_528] : memref<64x384xf32, #tpu.memory_space<vmem>>[vector<16xi32>, vector<16xi32>], vector<16xf32>,
            %add3A_530 = arith.constant 88 : i32
            %add3A_531 = vector.broadcast %add3A_530 : i32 to vector<16xi32>
            %add3A_532 = arith.addi %shift_right_logical3A_2, %add3A_531 : vector<16xi32>
            tpu.vector_store_idx %arg8[%add3A_532, %add3A_448], %gather3A_529 : memref<192x128xf32, #tpu.memory_space<vmem>>[vector<16xi32>, vector<16xi32>], vector<16xf32>,
            %add3A_533 = arith.constant 192 : i32
            %add3A_534 = vector.broadcast %add3A_533 : i32 to vector<16xi32>
            %add3A_535 = arith.addi %iota3A, %add3A_534 : vector<16xi32>
            %gather3A_536 = tpu.vector_load_idx %arg6[%rem3A_447, %add3A_535] : memref<64x384xf32, #tpu.memory_space<vmem>>[vector<16xi32>, vector<16xi32>], vector<16xf32>,
            %add3A_537 = arith.constant 96 : i32
            %add3A_538 = vector.broadcast %add3A_537 : i32 to vector<16xi32>
            %add3A_539 = arith.addi %shift_right_logical3A_2, %add3A_538 : vector<16xi32>
            tpu.vector_store_idx %arg8[%add3A_539, %add3A_448], %gather3A_536 : memref<192x128xf32, #tpu.memory_space<vmem>>[vector<16xi32>, vector<16xi32>], vector<16xf32>,
            %add3A_540 = arith.constant 208 : i32
            %add3A_541 = vector.broadcast %add3A_540 : i32 to vector<16xi32>
            %add3A_542 = arith.addi %iota3A, %add3A_541 : vector<16xi32>
            %gather3A_543 = tpu.vector_load_idx %arg6[%rem3A_447, %add3A_542] : memref<64x384xf32, #tpu.memory_space<vmem>>[vector<16xi32>, vector<16xi32>], vector<16xf32>,
            %add3A_544 = arith.constant 104 : i32
            %add3A_545 = vector.broadcast %add3A_544 : i32 to vector<16xi32>
            %add3A_546 = arith.addi %shift_right_logical3A_2, %add3A_545 : vector<16xi32>
            tpu.vector_store_idx %arg8[%add3A_546, %add3A_448], %gather3A_543 : memref<192x128xf32, #tpu.memory_space<vmem>>[vector<16xi32>, vector<16xi32>], vector<16xf32>,
            %add3A_547 = arith.constant 224 : i32
            %add3A_548 = vector.broadcast %add3A_547 : i32 to vector<16xi32>
            %add3A_549 = arith.addi %iota3A, %add3A_548 : vector<16xi32>
            %gather3A_550 = tpu.vector_load_idx %arg6[%rem3A_447, %add3A_549] : memref<64x384xf32, #tpu.memory_space<vmem>>[vector<16xi32>, vector<16xi32>], vector<16xf32>,
            %add3A_551 = arith.constant 112 : i32
            %add3A_552 = vector.broadcast %add3A_551 : i32 to vector<16xi32>
            %add3A_553 = arith.addi %shift_right_logical3A_2, %add3A_552 : vector<16xi32>
            tpu.vector_store_idx %arg8[%add3A_553, %add3A_448], %gather3A_550 : memref<192x128xf32, #tpu.memory_space<vmem>>[vector<16xi32>, vector<16xi32>], vector<16xf32>,
            %add3A_554 = arith.constant 240 : i32
            %add3A_555 = vector.broadcast %add3A_554 : i32 to vector<16xi32>
            %add3A_556 = arith.addi %iota3A, %add3A_555 : vector<16xi32>
            %gather3A_557 = tpu.vector_load_idx %arg6[%rem3A_447, %add3A_556] : memref<64x384xf32, #tpu.memory_space<vmem>>[vector<16xi32>, vector<16xi32>], vector<16xf32>,
            %add3A_558 = arith.constant 120 : i32
            %add3A_559 = vector.broadcast %add3A_558 : i32 to vector<16xi32>
            %add3A_560 = arith.addi %shift_right_logical3A_2, %add3A_559 : vector<16xi32>
            tpu.vector_store_idx %arg8[%add3A_560, %add3A_448], %gather3A_557 : memref<192x128xf32, #tpu.memory_space<vmem>>[vector<16xi32>, vector<16xi32>], vector<16xf32>,
            %add3A_561 = arith.constant 256 : i32
            %add3A_562 = vector.broadcast %add3A_561 : i32 to vector<16xi32>
            %add3A_563 = arith.addi %iota3A, %add3A_562 : vector<16xi32>
            %gather3A_564 = tpu.vector_load_idx %arg6[%rem3A_447, %add3A_563] : memref<64x384xf32, #tpu.memory_space<vmem>>[vector<16xi32>, vector<16xi32>], vector<16xf32>,
            %add3A_565 = arith.constant 128 : i32
            %add3A_566 = vector.broadcast %add3A_565 : i32 to vector<16xi32>
            %add3A_567 = arith.addi %shift_right_logical3A_2, %add3A_566 : vector<16xi32>
            tpu.vector_store_idx %arg8[%add3A_567, %add3A_448], %gather3A_564 : memref<192x128xf32, #tpu.memory_space<vmem>>[vector<16xi32>, vector<16xi32>], vector<16xf32>,
            %add3A_568 = arith.constant 272 : i32
            %add3A_569 = vector.broadcast %add3A_568 : i32 to vector<16xi32>
            %add3A_570 = arith.addi %iota3A, %add3A_569 : vector<16xi32>
            %gather3A_571 = tpu.vector_load_idx %arg6[%rem3A_447, %add3A_570] : memref<64x384xf32, #tpu.memory_space<vmem>>[vector<16xi32>, vector<16xi32>], vector<16xf32>,
            %add3A_572 = arith.constant 136 : i32
            %add3A_573 = vector.broadcast %add3A_572 : i32 to vector<16xi32>
            %add3A_574 = arith.addi %shift_right_logical3A_2, %add3A_573 : vector<16xi32>
            tpu.vector_store_idx %arg8[%add3A_574, %add3A_448], %gather3A_571 : memref<192x128xf32, #tpu.memory_space<vmem>>[vector<16xi32>, vector<16xi32>], vector<16xf32>,
            %add3A_575 = arith.constant 288 : i32
            %add3A_576 = vector.broadcast %add3A_575 : i32 to vector<16xi32>
            %add3A_577 = arith.addi %iota3A, %add3A_576 : vector<16xi32>
            %gather3A_578 = tpu.vector_load_idx %arg6[%rem3A_447, %add3A_577] : memref<64x384xf32, #tpu.memory_space<vmem>>[vector<16xi32>, vector<16xi32>], vector<16xf32>,
            %add3A_579 = arith.constant 144 : i32
            %add3A_580 = vector.broadcast %add3A_579 : i32 to vector<16xi32>
            %add3A_581 = arith.addi %shift_right_logical3A_2, %add3A_580 : vector<16xi32>
            tpu.vector_store_idx %arg8[%add3A_581, %add3A_448], %gather3A_578 : memref<192x128xf32, #tpu.memory_space<vmem>>[vector<16xi32>, vector<16xi32>], vector<16xf32>,
            %add3A_582 = arith.constant 304 : i32
            %add3A_583 = vector.broadcast %add3A_582 : i32 to vector<16xi32>
            %add3A_584 = arith.addi %iota3A, %add3A_583 : vector<16xi32>
            %gather3A_585 = tpu.vector_load_idx %arg6[%rem3A_447, %add3A_584] : memref<64x384xf32, #tpu.memory_space<vmem>>[vector<16xi32>, vector<16xi32>], vector<16xf32>,
            %add3A_586 = arith.constant 152 : i32
            %add3A_587 = vector.broadcast %add3A_586 : i32 to vector<16xi32>
            %add3A_588 = arith.addi %shift_right_logical3A_2, %add3A_587 : vector<16xi32>
            tpu.vector_store_idx %arg8[%add3A_588, %add3A_448], %gather3A_585 : memref<192x128xf32, #tpu.memory_space<vmem>>[vector<16xi32>, vector<16xi32>], vector<16xf32>,
            %add3A_589 = arith.constant 320 : i32
            %add3A_590 = vector.broadcast %add3A_589 : i32 to vector<16xi32>
            %add3A_591 = arith.addi %iota3A, %add3A_590 : vector<16xi32>
            %gather3A_592 = tpu.vector_load_idx %arg6[%rem3A_447, %add3A_591] : memref<64x384xf32, #tpu.memory_space<vmem>>[vector<16xi32>, vector<16xi32>], vector<16xf32>,
            %add3A_593 = arith.constant 160 : i32
            %add3A_594 = vector.broadcast %add3A_593 : i32 to vector<16xi32>
            %add3A_595 = arith.addi %shift_right_logical3A_2, %add3A_594 : vector<16xi32>
            tpu.vector_store_idx %arg8[%add3A_595, %add3A_448], %gather3A_592 : memref<192x128xf32, #tpu.memory_space<vmem>>[vector<16xi32>, vector<16xi32>], vector<16xf32>,
            %add3A_596 = arith.constant 336 : i32
            %add3A_597 = vector.broadcast %add3A_596 : i32 to vector<16xi32>
            %add3A_598 = arith.addi %iota3A, %add3A_597 : vector<16xi32>
            %gather3A_599 = tpu.vector_load_idx %arg6[%rem3A_447, %add3A_598] : memref<64x384xf32, #tpu.memory_space<vmem>>[vector<16xi32>, vector<16xi32>], vector<16xf32>,
            %add3A_600 = arith.constant 168 : i32
            %add3A_601 = vector.broadcast %add3A_600 : i32 to vector<16xi32>
            %add3A_602 = arith.addi %shift_right_logical3A_2, %add3A_601 : vector<16xi32>
            tpu.vector_store_idx %arg8[%add3A_602, %add3A_448], %gather3A_599 : memref<192x128xf32, #tpu.memory_space<vmem>>[vector<16xi32>, vector<16xi32>], vector<16xf32>,
            %add3A_603 = arith.constant 352 : i32
            %add3A_604 = vector.broadcast %add3A_603 : i32 to vector<16xi32>
            %add3A_605 = arith.addi %iota3A, %add3A_604 : vector<16xi32>
            %gather3A_606 = tpu.vector_load_idx %arg6[%rem3A_447, %add3A_605] : memref<64x384xf32, #tpu.memory_space<vmem>>[vector<16xi32>, vector<16xi32>], vector<16xf32>,
            %add3A_607 = arith.constant 176 : i32
            %add3A_608 = vector.broadcast %add3A_607 : i32 to vector<16xi32>
            %add3A_609 = arith.addi %shift_right_logical3A_2, %add3A_608 : vector<16xi32>
            tpu.vector_store_idx %arg8[%add3A_609, %add3A_448], %gather3A_606 : memref<192x128xf32, #tpu.memory_space<vmem>>[vector<16xi32>, vector<16xi32>], vector<16xf32>,
            %add3A_610 = arith.constant 368 : i32
            %add3A_611 = vector.broadcast %add3A_610 : i32 to vector<16xi32>
            %add3A_612 = arith.addi %iota3A, %add3A_611 : vector<16xi32>
            %gather3A_613 = tpu.vector_load_idx %arg6[%rem3A_447, %add3A_612] : memref<64x384xf32, #tpu.memory_space<vmem>>[vector<16xi32>, vector<16xi32>], vector<16xf32>,
            %add3A_614 = arith.constant 184 : i32
            %add3A_615 = vector.broadcast %add3A_614 : i32 to vector<16xi32>
            %add3A_616 = arith.addi %shift_right_logical3A_2, %add3A_615 : vector<16xi32>
            tpu.vector_store_idx %arg8[%add3A_616, %add3A_448], %gather3A_613 : memref<192x128xf32, #tpu.memory_space<vmem>>[vector<16xi32>, vector<16xi32>], vector<16xf32>,
            %add3A_617 = arith.constant 3 : i32
            %add3A_618 = arith.addi %add3A_89, %add3A_617 : i32
            %add3A_619 = vector.broadcast %add3A_618 : i32 to vector<16xi32>
            %add3A_620 = arith.addi %iota3A, %add3A_619 : vector<16xi32>
            %rem3A_621 = arith.constant 64 : i32
            %rem3A_622 = vector.broadcast %rem3A_621 : i32 to vector<16xi32>
            %rem3A_623 = arith.remsi %add3A_620, %rem3A_622 : vector<16xi32>
            %add3A_624 = arith.addi %mul3A_7, %rem3A_623 : vector<16xi32>
            %add3A_625 = arith.constant 0 : i32
            %add3A_626 = vector.broadcast %add3A_625 : i32 to vector<16xi32>
            %add3A_627 = arith.addi %iota3A, %add3A_626 : vector<16xi32>
            %gather3A_628 = tpu.vector_load_idx %arg6[%rem3A_623, %add3A_627] : memref<64x384xf32, #tpu.memory_space<vmem>>[vector<16xi32>, vector<16xi32>], vector<16xf32>,
            %add3A_629 = arith.constant 0 : i32
            %add3A_630 = vector.broadcast %add3A_629 : i32 to vector<16xi32>
            %add3A_631 = arith.addi %shift_right_logical3A_2, %add3A_630 : vector<16xi32>
            tpu.vector_store_idx %arg8[%add3A_631, %add3A_624], %gather3A_628 : memref<192x128xf32, #tpu.memory_space<vmem>>[vector<16xi32>, vector<16xi32>], vector<16xf32>,
            %add3A_632 = arith.constant 16 : i32
            %add3A_633 = vector.broadcast %add3A_632 : i32 to vector<16xi32>
            %add3A_634 = arith.addi %iota3A, %add3A_633 : vector<16xi32>
            %gather3A_635 = tpu.vector_load_idx %arg6[%rem3A_623, %add3A_634] : memref<64x384xf32, #tpu.memory_space<vmem>>[vector<16xi32>, vector<16xi32>], vector<16xf32>,
            %add3A_636 = arith.constant 8 : i32
            %add3A_637 = vector.broadcast %add3A_636 : i32 to vector<16xi32>
            %add3A_638 = arith.addi %shift_right_logical3A_2, %add3A_637 : vector<16xi32>
            tpu.vector_store_idx %arg8[%add3A_638, %add3A_624], %gather3A_635 : memref<192x128xf32, #tpu.memory_space<vmem>>[vector<16xi32>, vector<16xi32>], vector<16xf32>,
            %add3A_639 = arith.constant 32 : i32
            %add3A_640 = vector.broadcast %add3A_639 : i32 to vector<16xi32>
            %add3A_641 = arith.addi %iota3A, %add3A_640 : vector<16xi32>
            %gather3A_642 = tpu.vector_load_idx %arg6[%rem3A_623, %add3A_641] : memref<64x384xf32, #tpu.memory_space<vmem>>[vector<16xi32>, vector<16xi32>], vector<16xf32>,
            %add3A_643 = arith.constant 16 : i32
            %add3A_644 = vector.broadcast %add3A_643 : i32 to vector<16xi32>
            %add3A_645 = arith.addi %shift_right_logical3A_2, %add3A_644 : vector<16xi32>
            tpu.vector_store_idx %arg8[%add3A_645, %add3A_624], %gather3A_642 : memref<192x128xf32, #tpu.memory_space<vmem>>[vector<16xi32>, vector<16xi32>], vector<16xf32>,
            %add3A_646 = arith.constant 48 : i32
            %add3A_647 = vector.broadcast %add3A_646 : i32 to vector<16xi32>
            %add3A_648 = arith.addi %iota3A, %add3A_647 : vector<16xi32>
            %gather3A_649 = tpu.vector_load_idx %arg6[%rem3A_623, %add3A_648] : memref<64x384xf32, #tpu.memory_space<vmem>>[vector<16xi32>, vector<16xi32>], vector<16xf32>,
            %add3A_650 = arith.constant 24 : i32
            %add3A_651 = vector.broadcast %add3A_650 : i32 to vector<16xi32>
            %add3A_652 = arith.addi %shift_right_logical3A_2, %add3A_651 : vector<16xi32>
            tpu.vector_store_idx %arg8[%add3A_652, %add3A_624], %gather3A_649 : memref<192x128xf32, #tpu.memory_space<vmem>>[vector<16xi32>, vector<16xi32>], vector<16xf32>,
            %add3A_653 = arith.constant 64 : i32
            %add3A_654 = vector.broadcast %add3A_653 : i32 to vector<16xi32>
            %add3A_655 = arith.addi %iota3A, %add3A_654 : vector<16xi32>
            %gather3A_656 = tpu.vector_load_idx %arg6[%rem3A_623, %add3A_655] : memref<64x384xf32, #tpu.memory_space<vmem>>[vector<16xi32>, vector<16xi32>], vector<16xf32>,
            %add3A_657 = arith.constant 32 : i32
            %add3A_658 = vector.broadcast %add3A_657 : i32 to vector<16xi32>
            %add3A_659 = arith.addi %shift_right_logical3A_2, %add3A_658 : vector<16xi32>
            tpu.vector_store_idx %arg8[%add3A_659, %add3A_624], %gather3A_656 : memref<192x128xf32, #tpu.memory_space<vmem>>[vector<16xi32>, vector<16xi32>], vector<16xf32>,
            %add3A_660 = arith.constant 80 : i32
            %add3A_661 = vector.broadcast %add3A_660 : i32 to vector<16xi32>
            %add3A_662 = arith.addi %iota3A, %add3A_661 : vector<16xi32>
            %gather3A_663 = tpu.vector_load_idx %arg6[%rem3A_623, %add3A_662] : memref<64x384xf32, #tpu.memory_space<vmem>>[vector<16xi32>, vector<16xi32>], vector<16xf32>,
            %add3A_664 = arith.constant 40 : i32
            %add3A_665 = vector.broadcast %add3A_664 : i32 to vector<16xi32>
            %add3A_666 = arith.addi %shift_right_logical3A_2, %add3A_665 : vector<16xi32>
            tpu.vector_store_idx %arg8[%add3A_666, %add3A_624], %gather3A_663 : memref<192x128xf32, #tpu.memory_space<vmem>>[vector<16xi32>, vector<16xi32>], vector<16xf32>,
            %add3A_667 = arith.constant 96 : i32
            %add3A_668 = vector.broadcast %add3A_667 : i32 to vector<16xi32>
            %add3A_669 = arith.addi %iota3A, %add3A_668 : vector<16xi32>
            %gather3A_670 = tpu.vector_load_idx %arg6[%rem3A_623, %add3A_669] : memref<64x384xf32, #tpu.memory_space<vmem>>[vector<16xi32>, vector<16xi32>], vector<16xf32>,
            %add3A_671 = arith.constant 48 : i32
            %add3A_672 = vector.broadcast %add3A_671 : i32 to vector<16xi32>
            %add3A_673 = arith.addi %shift_right_logical3A_2, %add3A_672 : vector<16xi32>
            tpu.vector_store_idx %arg8[%add3A_673, %add3A_624], %gather3A_670 : memref<192x128xf32, #tpu.memory_space<vmem>>[vector<16xi32>, vector<16xi32>], vector<16xf32>,
            %add3A_674 = arith.constant 112 : i32
            %add3A_675 = vector.broadcast %add3A_674 : i32 to vector<16xi32>
            %add3A_676 = arith.addi %iota3A, %add3A_675 : vector<16xi32>
            %gather3A_677 = tpu.vector_load_idx %arg6[%rem3A_623, %add3A_676] : memref<64x384xf32, #tpu.memory_space<vmem>>[vector<16xi32>, vector<16xi32>], vector<16xf32>,
            %add3A_678 = arith.constant 56 : i32
            %add3A_679 = vector.broadcast %add3A_678 : i32 to vector<16xi32>
            %add3A_680 = arith.addi %shift_right_logical3A_2, %add3A_679 : vector<16xi32>
            tpu.vector_store_idx %arg8[%add3A_680, %add3A_624], %gather3A_677 : memref<192x128xf32, #tpu.memory_space<vmem>>[vector<16xi32>, vector<16xi32>], vector<16xf32>,
            %add3A_681 = arith.constant 128 : i32
            %add3A_682 = vector.broadcast %add3A_681 : i32 to vector<16xi32>
            %add3A_683 = arith.addi %iota3A, %add3A_682 : vector<16xi32>
            %gather3A_684 = tpu.vector_load_idx %arg6[%rem3A_623, %add3A_683] : memref<64x384xf32, #tpu.memory_space<vmem>>[vector<16xi32>, vector<16xi32>], vector<16xf32>,
            %add3A_685 = arith.constant 64 : i32
            %add3A_686 = vector.broadcast %add3A_685 : i32 to vector<16xi32>
            %add3A_687 = arith.addi %shift_right_logical3A_2, %add3A_686 : vector<16xi32>
            tpu.vector_store_idx %arg8[%add3A_687, %add3A_624], %gather3A_684 : memref<192x128xf32, #tpu.memory_space<vmem>>[vector<16xi32>, vector<16xi32>], vector<16xf32>,
            %add3A_688 = arith.constant 144 : i32
            %add3A_689 = vector.broadcast %add3A_688 : i32 to vector<16xi32>
            %add3A_690 = arith.addi %iota3A, %add3A_689 : vector<16xi32>
            %gather3A_691 = tpu.vector_load_idx %arg6[%rem3A_623, %add3A_690] : memref<64x384xf32, #tpu.memory_space<vmem>>[vector<16xi32>, vector<16xi32>], vector<16xf32>,
            %add3A_692 = arith.constant 72 : i32
            %add3A_693 = vector.broadcast %add3A_692 : i32 to vector<16xi32>
            %add3A_694 = arith.addi %shift_right_logical3A_2, %add3A_693 : vector<16xi32>
            tpu.vector_store_idx %arg8[%add3A_694, %add3A_624], %gather3A_691 : memref<192x128xf32, #tpu.memory_space<vmem>>[vector<16xi32>, vector<16xi32>], vector<16xf32>,
            %add3A_695 = arith.constant 160 : i32
            %add3A_696 = vector.broadcast %add3A_695 : i32 to vector<16xi32>
            %add3A_697 = arith.addi %iota3A, %add3A_696 : vector<16xi32>
            %gather3A_698 = tpu.vector_load_idx %arg6[%rem3A_623, %add3A_697] : memref<64x384xf32, #tpu.memory_space<vmem>>[vector<16xi32>, vector<16xi32>], vector<16xf32>,
            %add3A_699 = arith.constant 80 : i32
            %add3A_700 = vector.broadcast %add3A_699 : i32 to vector<16xi32>
            %add3A_701 = arith.addi %shift_right_logical3A_2, %add3A_700 : vector<16xi32>
            tpu.vector_store_idx %arg8[%add3A_701, %add3A_624], %gather3A_698 : memref<192x128xf32, #tpu.memory_space<vmem>>[vector<16xi32>, vector<16xi32>], vector<16xf32>,
            %add3A_702 = arith.constant 176 : i32
            %add3A_703 = vector.broadcast %add3A_702 : i32 to vector<16xi32>
            %add3A_704 = arith.addi %iota3A, %add3A_703 : vector<16xi32>
            %gather3A_705 = tpu.vector_load_idx %arg6[%rem3A_623, %add3A_704] : memref<64x384xf32, #tpu.memory_space<vmem>>[vector<16xi32>, vector<16xi32>], vector<16xf32>,
            %add3A_706 = arith.constant 88 : i32
            %add3A_707 = vector.broadcast %add3A_706 : i32 to vector<16xi32>
            %add3A_708 = arith.addi %shift_right_logical3A_2, %add3A_707 : vector<16xi32>
            tpu.vector_store_idx %arg8[%add3A_708, %add3A_624], %gather3A_705 : memref<192x128xf32, #tpu.memory_space<vmem>>[vector<16xi32>, vector<16xi32>], vector<16xf32>,
            %add3A_709 = arith.constant 192 : i32
            %add3A_710 = vector.broadcast %add3A_709 : i32 to vector<16xi32>
            %add3A_711 = arith.addi %iota3A, %add3A_710 : vector<16xi32>
            %gather3A_712 = tpu.vector_load_idx %arg6[%rem3A_623, %add3A_711] : memref<64x384xf32, #tpu.memory_space<vmem>>[vector<16xi32>, vector<16xi32>], vector<16xf32>,
            %add3A_713 = arith.constant 96 : i32
            %add3A_714 = vector.broadcast %add3A_713 : i32 to vector<16xi32>
            %add3A_715 = arith.addi %shift_right_logical3A_2, %add3A_714 : vector<16xi32>
            tpu.vector_store_idx %arg8[%add3A_715, %add3A_624], %gather3A_712 : memref<192x128xf32, #tpu.memory_space<vmem>>[vector<16xi32>, vector<16xi32>], vector<16xf32>,
            %add3A_716 = arith.constant 208 : i32
            %add3A_717 = vector.broadcast %add3A_716 : i32 to vector<16xi32>
            %add3A_718 = arith.addi %iota3A, %add3A_717 : vector<16xi32>
            %gather3A_719 = tpu.vector_load_idx %arg6[%rem3A_623, %add3A_718] : memref<64x384xf32, #tpu.memory_space<vmem>>[vector<16xi32>, vector<16xi32>], vector<16xf32>,
            %add3A_720 = arith.constant 104 : i32
            %add3A_721 = vector.broadcast %add3A_720 : i32 to vector<16xi32>
            %add3A_722 = arith.addi %shift_right_logical3A_2, %add3A_721 : vector<16xi32>
            tpu.vector_store_idx %arg8[%add3A_722, %add3A_624], %gather3A_719 : memref<192x128xf32, #tpu.memory_space<vmem>>[vector<16xi32>, vector<16xi32>], vector<16xf32>,
            %add3A_723 = arith.constant 224 : i32
            %add3A_724 = vector.broadcast %add3A_723 : i32 to vector<16xi32>
            %add3A_725 = arith.addi %iota3A, %add3A_724 : vector<16xi32>
            %gather3A_726 = tpu.vector_load_idx %arg6[%rem3A_623, %add3A_725] : memref<64x384xf32, #tpu.memory_space<vmem>>[vector<16xi32>, vector<16xi32>], vector<16xf32>,
            %add3A_727 = arith.constant 112 : i32
            %add3A_728 = vector.broadcast %add3A_727 : i32 to vector<16xi32>
            %add3A_729 = arith.addi %shift_right_logical3A_2, %add3A_728 : vector<16xi32>
            tpu.vector_store_idx %arg8[%add3A_729, %add3A_624], %gather3A_726 : memref<192x128xf32, #tpu.memory_space<vmem>>[vector<16xi32>, vector<16xi32>], vector<16xf32>,
            %add3A_730 = arith.constant 240 : i32
            %add3A_731 = vector.broadcast %add3A_730 : i32 to vector<16xi32>
            %add3A_732 = arith.addi %iota3A, %add3A_731 : vector<16xi32>
            %gather3A_733 = tpu.vector_load_idx %arg6[%rem3A_623, %add3A_732] : memref<64x384xf32, #tpu.memory_space<vmem>>[vector<16xi32>, vector<16xi32>], vector<16xf32>,
            %add3A_734 = arith.constant 120 : i32
            %add3A_735 = vector.broadcast %add3A_734 : i32 to vector<16xi32>
            %add3A_736 = arith.addi %shift_right_logical3A_2, %add3A_735 : vector<16xi32>
            tpu.vector_store_idx %arg8[%add3A_736, %add3A_624], %gather3A_733 : memref<192x128xf32, #tpu.memory_space<vmem>>[vector<16xi32>, vector<16xi32>], vector<16xf32>,
            %add3A_737 = arith.constant 256 : i32
            %add3A_738 = vector.broadcast %add3A_737 : i32 to vector<16xi32>
            %add3A_739 = arith.addi %iota3A, %add3A_738 : vector<16xi32>
            %gather3A_740 = tpu.vector_load_idx %arg6[%rem3A_623, %add3A_739] : memref<64x384xf32, #tpu.memory_space<vmem>>[vector<16xi32>, vector<16xi32>], vector<16xf32>,
            %add3A_741 = arith.constant 128 : i32
            %add3A_742 = vector.broadcast %add3A_741 : i32 to vector<16xi32>
            %add3A_743 = arith.addi %shift_right_logical3A_2, %add3A_742 : vector<16xi32>
            tpu.vector_store_idx %arg8[%add3A_743, %add3A_624], %gather3A_740 : memref<192x128xf32, #tpu.memory_space<vmem>>[vector<16xi32>, vector<16xi32>], vector<16xf32>,
            %add3A_744 = arith.constant 272 : i32
            %add3A_745 = vector.broadcast %add3A_744 : i32 to vector<16xi32>
            %add3A_746 = arith.addi %iota3A, %add3A_745 : vector<16xi32>
            %gather3A_747 = tpu.vector_load_idx %arg6[%rem3A_623, %add3A_746] : memref<64x384xf32, #tpu.memory_space<vmem>>[vector<16xi32>, vector<16xi32>], vector<16xf32>,
            %add3A_748 = arith.constant 136 : i32
            %add3A_749 = vector.broadcast %add3A_748 : i32 to vector<16xi32>
            %add3A_750 = arith.addi %shift_right_logical3A_2, %add3A_749 : vector<16xi32>
            tpu.vector_store_idx %arg8[%add3A_750, %add3A_624], %gather3A_747 : memref<192x128xf32, #tpu.memory_space<vmem>>[vector<16xi32>, vector<16xi32>], vector<16xf32>,
            %add3A_751 = arith.constant 288 : i32
            %add3A_752 = vector.broadcast %add3A_751 : i32 to vector<16xi32>
            %add3A_753 = arith.addi %iota3A, %add3A_752 : vector<16xi32>
            %gather3A_754 = tpu.vector_load_idx %arg6[%rem3A_623, %add3A_753] : memref<64x384xf32, #tpu.memory_space<vmem>>[vector<16xi32>, vector<16xi32>], vector<16xf32>,
            %add3A_755 = arith.constant 144 : i32
            %add3A_756 = vector.broadcast %add3A_755 : i32 to vector<16xi32>
            %add3A_757 = arith.addi %shift_right_logical3A_2, %add3A_756 : vector<16xi32>
            tpu.vector_store_idx %arg8[%add3A_757, %add3A_624], %gather3A_754 : memref<192x128xf32, #tpu.memory_space<vmem>>[vector<16xi32>, vector<16xi32>], vector<16xf32>,
            %add3A_758 = arith.constant 304 : i32
            %add3A_759 = vector.broadcast %add3A_758 : i32 to vector<16xi32>
            %add3A_760 = arith.addi %iota3A, %add3A_759 : vector<16xi32>
            %gather3A_761 = tpu.vector_load_idx %arg6[%rem3A_623, %add3A_760] : memref<64x384xf32, #tpu.memory_space<vmem>>[vector<16xi32>, vector<16xi32>], vector<16xf32>,
            %add3A_762 = arith.constant 152 : i32
            %add3A_763 = vector.broadcast %add3A_762 : i32 to vector<16xi32>
            %add3A_764 = arith.addi %shift_right_logical3A_2, %add3A_763 : vector<16xi32>
            tpu.vector_store_idx %arg8[%add3A_764, %add3A_624], %gather3A_761 : memref<192x128xf32, #tpu.memory_space<vmem>>[vector<16xi32>, vector<16xi32>], vector<16xf32>,
            %add3A_765 = arith.constant 320 : i32
            %add3A_766 = vector.broadcast %add3A_765 : i32 to vector<16xi32>
            %add3A_767 = arith.addi %iota3A, %add3A_766 : vector<16xi32>
            %gather3A_768 = tpu.vector_load_idx %arg6[%rem3A_623, %add3A_767] : memref<64x384xf32, #tpu.memory_space<vmem>>[vector<16xi32>, vector<16xi32>], vector<16xf32>,
            %add3A_769 = arith.constant 160 : i32
            %add3A_770 = vector.broadcast %add3A_769 : i32 to vector<16xi32>
            %add3A_771 = arith.addi %shift_right_logical3A_2, %add3A_770 : vector<16xi32>
            tpu.vector_store_idx %arg8[%add3A_771, %add3A_624], %gather3A_768 : memref<192x128xf32, #tpu.memory_space<vmem>>[vector<16xi32>, vector<16xi32>], vector<16xf32>,
            %add3A_772 = arith.constant 336 : i32
            %add3A_773 = vector.broadcast %add3A_772 : i32 to vector<16xi32>
            %add3A_774 = arith.addi %iota3A, %add3A_773 : vector<16xi32>
            %gather3A_775 = tpu.vector_load_idx %arg6[%rem3A_623, %add3A_774] : memref<64x384xf32, #tpu.memory_space<vmem>>[vector<16xi32>, vector<16xi32>], vector<16xf32>,
            %add3A_776 = arith.constant 168 : i32
            %add3A_777 = vector.broadcast %add3A_776 : i32 to vector<16xi32>
            %add3A_778 = arith.addi %shift_right_logical3A_2, %add3A_777 : vector<16xi32>
            tpu.vector_store_idx %arg8[%add3A_778, %add3A_624], %gather3A_775 : memref<192x128xf32, #tpu.memory_space<vmem>>[vector<16xi32>, vector<16xi32>], vector<16xf32>,
            %add3A_779 = arith.constant 352 : i32
            %add3A_780 = vector.broadcast %add3A_779 : i32 to vector<16xi32>
            %add3A_781 = arith.addi %iota3A, %add3A_780 : vector<16xi32>
            %gather3A_782 = tpu.vector_load_idx %arg6[%rem3A_623, %add3A_781] : memref<64x384xf32, #tpu.memory_space<vmem>>[vector<16xi32>, vector<16xi32>], vector<16xf32>,
            %add3A_783 = arith.constant 176 : i32
            %add3A_784 = vector.broadcast %add3A_783 : i32 to vector<16xi32>
            %add3A_785 = arith.addi %shift_right_logical3A_2, %add3A_784 : vector<16xi32>
            tpu.vector_store_idx %arg8[%add3A_785, %add3A_624], %gather3A_782 : memref<192x128xf32, #tpu.memory_space<vmem>>[vector<16xi32>, vector<16xi32>], vector<16xf32>,
            %add3A_786 = arith.constant 368 : i32
            %add3A_787 = vector.broadcast %add3A_786 : i32 to vector<16xi32>
            %add3A_788 = arith.addi %iota3A, %add3A_787 : vector<16xi32>
            %gather3A_789 = tpu.vector_load_idx %arg6[%rem3A_623, %add3A_788] : memref<64x384xf32, #tpu.memory_space<vmem>>[vector<16xi32>, vector<16xi32>], vector<16xf32>,
            %add3A_790 = arith.constant 184 : i32
            %add3A_791 = vector.broadcast %add3A_790 : i32 to vector<16xi32>
            %add3A_792 = arith.addi %shift_right_logical3A_2, %add3A_791 : vector<16xi32>
            tpu.vector_store_idx %arg8[%add3A_792, %add3A_624], %gather3A_789 : memref<192x128xf32, #tpu.memory_space<vmem>>[vector<16xi32>, vector<16xi32>], vector<16xf32>,
          }
          %scan3A_79 = arith.constant 16 : i32
          %mul3A_80 = arith.constant 192 : i32
          %mul3A_81 = arith.muli %add3A_40, %mul3A_80 : i32
          %dma_start3A = arith.constant 0 : i32
          %dma_start3A_82 = tpu.memref_slice %arg4[%mul3A_81, %dma_start3A] : memref<500000x128xf32, #tpu.memory_space<hbm>> -> memref<192x128xf32, #tpu.memory_space<hbm>>
          %dma_start3A_83 = arith.constant 0 : i32
          %dma_start3A_84 = tpu.memref_slice %arg4[%mul3A_81, %dma_start3A_83] : memref<500000x128xf32, #tpu.memory_space<hbm>> -> memref<192x128xf32, #tpu.memory_space<hbm>>
          tpu.enqueue_dma source(%arg8 : memref<192x128xf32, #tpu.memory_space<vmem>>) target(%dma_start3A_84 : memref<192x128xf32, #tpu.memory_space<hbm>>) target_semaphore(%arg13 : memref<!tpu.dma_semaphore, #tpu.memory_space<semaphore_mem>>)
        } else {
        }
      } else {
      }
    }
    %scan3A_15 = arith.constant 82 : i32
    %sub3A = arith.constant 2604 : i32
    %sub3A_16 = arith.subi %sub3A, %add3A : i32
    %add3A_17 = arith.constant 32 : i32
    %add3A_18 = arith.addi %sub3A_16, %add3A_17 : i32
    %sub3A_19 = arith.constant 1 : i32
    %sub3A_20 = arith.subi %add3A_18, %sub3A_19 : i32
    %div3A = arith.constant 32 : i32
    %div3A_21 = arith.divsi %sub3A_20, %div3A : i32
    %scan3A_22 = arith.constant 0 : i32
    %scan3A_23 = arith.constant 2 : i32
    %scan3A_24 = arith.addi %scan3A_22, %scan3A_23 : i32
    %scan3A_25 = arith.constant 1 : i32
    scf.for %scan3A_31 = %scan3A_22 to %scan3A_24 step %scan3A_25  : i32 {
      %mul3A_32 = arith.constant 1 : i32
      %mul3A_33 = arith.muli %scan3A_31, %mul3A_32 : i32
      %add3A_34 = arith.constant 0 : i32
      %add3A_35 = arith.addi %add3A_34, %mul3A_33 : i32
      %sub3A_36 = arith.constant 2 : i32
      %sub3A_37 = arith.subi %div3A_21, %sub3A_36 : i32
      %add3A_38 = arith.addi %sub3A_37, %add3A_35 : i32
      %ge3A = arith.constant 0 : i32
      %ge3A_39 = arith.cmpi sge, %add3A_38, %ge3A : i32
      %convert_element_type3A_40 = arith.extui %ge3A_39 : i1 to i32
      %cond3A_41 = arith.constant 0 : i32
      %cond3A_42 = arith.cmpi ne, %convert_element_type3A_40, %cond3A_41 : i32
      scf.if %cond3A_42 {
        %rem3A_43 = arith.constant 2 : i32
        %rem3A_44 = arith.remsi %add3A_38, %rem3A_43 : i32
        %eq3A_45 = arith.constant 0 : i32
        %eq3A_46 = arith.cmpi eq, %rem3A_44, %eq3A_45 : i32
        %convert_element_type3A_47 = arith.extui %eq3A_46 : i1 to i32
        %cond3A_48 = arith.constant 0 : i32
        %cond3A_49 = arith.cmpi ne, %convert_element_type3A_47, %cond3A_48 : i32
        scf.if %cond3A_49 {
          %mul3A_57 = arith.constant 32 : i32
          %mul3A_58 = arith.muli %add3A_38, %mul3A_57 : i32
          %add3A_59 = arith.addi %add3A, %mul3A_58 : i32
          %mul3A_60 = arith.constant 192 : i32
          %mul3A_61 = arith.muli %add3A_59, %mul3A_60 : i32
          %dma_wait3A = arith.constant 0 : i32
          %dma_wait3A_62 = tpu.memref_slice %arg4[%mul3A_61, %dma_wait3A] : memref<500000x128xf32, #tpu.memory_space<hbm>> -> memref<192x128xf32, #tpu.memory_space<hbm>>
          %dma_wait3A_63 = arith.constant 0 : i32
          %dma_wait3A_64 = tpu.memref_slice %arg4[%mul3A_61, %dma_wait3A_63] : memref<500000x128xf32, #tpu.memory_space<hbm>> -> memref<192x128xf32, #tpu.memory_space<hbm>>
          tpu.wait_dma2 semaphore(%arg12 : memref<!tpu.dma_semaphore, #tpu.memory_space<semaphore_mem>>) src(%arg7 : memref<192x128xf32, #tpu.memory_space<vmem>>) dst(%dma_wait3A_64 : memref<192x128xf32, #tpu.memory_space<hbm>>)
        } else {
        }
        %rem3A_50 = arith.constant 2 : i32
        %rem3A_51 = arith.remsi %add3A_38, %rem3A_50 : i32
        %eq3A_52 = arith.constant 1 : i32
        %eq3A_53 = arith.cmpi eq, %rem3A_51, %eq3A_52 : i32
        %convert_element_type3A_54 = arith.extui %eq3A_53 : i1 to i32
        %cond3A_55 = arith.constant 0 : i32
        %cond3A_56 = arith.cmpi ne, %convert_element_type3A_54, %cond3A_55 : i32
        scf.if %cond3A_56 {
          %mul3A_57 = arith.constant 32 : i32
          %mul3A_58 = arith.muli %add3A_38, %mul3A_57 : i32
          %add3A_59 = arith.addi %add3A, %mul3A_58 : i32
          %mul3A_60 = arith.constant 192 : i32
          %mul3A_61 = arith.muli %add3A_59, %mul3A_60 : i32
          %dma_wait3A = arith.constant 0 : i32
          %dma_wait3A_62 = tpu.memref_slice %arg4[%mul3A_61, %dma_wait3A] : memref<500000x128xf32, #tpu.memory_space<hbm>> -> memref<192x128xf32, #tpu.memory_space<hbm>>
          %dma_wait3A_63 = arith.constant 0 : i32
          %dma_wait3A_64 = tpu.memref_slice %arg4[%mul3A_61, %dma_wait3A_63] : memref<500000x128xf32, #tpu.memory_space<hbm>> -> memref<192x128xf32, #tpu.memory_space<hbm>>
          tpu.wait_dma2 semaphore(%arg13 : memref<!tpu.dma_semaphore, #tpu.memory_space<semaphore_mem>>) src(%arg8 : memref<192x128xf32, #tpu.memory_space<vmem>>) dst(%dma_wait3A_64 : memref<192x128xf32, #tpu.memory_space<hbm>>)
        } else {
        }
      } else {
      }
    }
    %scan3A_26 = arith.constant 2 : i32
    %eq3A = arith.constant 0 : i32
    %eq3A_27 = arith.cmpi eq, %add3A, %eq3A : i32
    %convert_element_type3A_28 = arith.extui %eq3A_27 : i1 to i32
    %cond3A_29 = arith.constant 0 : i32
    %cond3A_30 = arith.cmpi ne, %convert_element_type3A_28, %cond3A_29 : i32
    scf.if %cond3A_30 {
      "tpu.region"() ({
        %run_scoped3A = tpu.sem_alloc : memref<!tpu.dma_semaphore, #tpu.memory_space<semaphore_mem>>
        tpu.enqueue_dma source(%arg3 : memref<32x128xf32, #tpu.memory_space<hbm>>) target(%arg9 : memref<32x128xf32, #tpu.memory_space<vmem>>) target_semaphore(%run_scoped3A : memref<!tpu.dma_semaphore, #tpu.memory_space<semaphore_mem>>)
        tpu.wait_dma2 semaphore(%run_scoped3A : memref<!tpu.dma_semaphore, #tpu.memory_space<semaphore_mem>>) src(%arg3 : memref<32x128xf32, #tpu.memory_space<hbm>>) dst(%arg9 : memref<32x128xf32, #tpu.memory_space<vmem>>)
        tpu.yield
      }) : () -> ()
      "tpu.region"() ({
        %run_scoped3A = tpu.sem_alloc : memref<!tpu.dma_semaphore, #tpu.memory_space<semaphore_mem>>
        %dma_start3A = arith.constant 499968 : i32
        %dma_start3A_31 = arith.constant 0 : i32
        %dma_start3A_32 = tpu.memref_slice %arg4[%dma_start3A, %dma_start3A_31] : memref<500000x128xf32, #tpu.memory_space<hbm>> -> memref<32x128xf32, #tpu.memory_space<hbm>>
        %dma_start3A_33 = arith.constant 499968 : i32
        %dma_start3A_34 = arith.constant 0 : i32
        %dma_start3A_35 = tpu.memref_slice %arg4[%dma_start3A_33, %dma_start3A_34] : memref<500000x128xf32, #tpu.memory_space<hbm>> -> memref<32x128xf32, #tpu.memory_space<hbm>>
        tpu.enqueue_dma source(%arg9 : memref<32x128xf32, #tpu.memory_space<vmem>>) target(%dma_start3A_35 : memref<32x128xf32, #tpu.memory_space<hbm>>) target_semaphore(%run_scoped3A : memref<!tpu.dma_semaphore, #tpu.memory_space<semaphore_mem>>)
        %dma_wait3A = arith.constant 499968 : i32
        %dma_wait3A_36 = arith.constant 0 : i32
        %dma_wait3A_37 = tpu.memref_slice %arg4[%dma_wait3A, %dma_wait3A_36] : memref<500000x128xf32, #tpu.memory_space<hbm>> -> memref<32x128xf32, #tpu.memory_space<hbm>>
        %dma_wait3A_38 = arith.constant 499968 : i32
        %dma_wait3A_39 = arith.constant 0 : i32
        %dma_wait3A_40 = tpu.memref_slice %arg4[%dma_wait3A_38, %dma_wait3A_39] : memref<500000x128xf32, #tpu.memory_space<hbm>> -> memref<32x128xf32, #tpu.memory_space<hbm>>
        tpu.wait_dma2 semaphore(%run_scoped3A : memref<!tpu.dma_semaphore, #tpu.memory_space<semaphore_mem>>) src(%arg9 : memref<32x128xf32, #tpu.memory_space<vmem>>) dst(%dma_wait3A_40 : memref<32x128xf32, #tpu.memory_space<hbm>>)
        tpu.yield
      }) : () -> ()
    } else {
    }
    return
  }
}

#map = affine_map<(d0, d1) -> (0, 0, 0)>
#map1 = affine_map<(d0, d1) -> (0, 0)>
module attributes {stable_mosaic.version = 14 : i64} {
  func.func @gather_kernel(%arg0: i32, %arg1: i32, %arg2: memref<32x200x128xi32, #tpu.memory_space<hbm>>, %arg3: memref<1000000x64xf32, #tpu.memory_space<hbm>>, %arg4: memref<819200x128xf32, #tpu.memory_space<hbm>>, %arg5: memref<200x128xi32, #tpu.memory_space<vmem>>, %arg6: memref<512x64xf32, #tpu.memory_space<vmem>>, %arg7: memref<512x64xf32, #tpu.memory_space<vmem>>, %arg8: memref<!tpu.dma_semaphore, #tpu.memory_space<semaphore_mem>>, %arg9: memref<!tpu.dma_semaphore, #tpu.memory_space<semaphore_mem>>, %arg10: memref<!tpu.dma_semaphore, #tpu.memory_space<semaphore_mem>>, %arg11: memref<!tpu.dma_semaphore, #tpu.memory_space<semaphore_mem>>) attributes {dimension_semantics = [#tpu.dimension_semantics<core_parallel>, #tpu.dimension_semantics<subcore_parallel>], iteration_bounds = array<i64: 2, 16>, scalar_prefetch = 0 : i64, scratch_operands = 7 : i64, tpu.core_type = #tpu.core_type<sc_vector_subcore>, window_params = [{transform_indices = #map}, {transform_indices = #map1}, {transform_indices = #map1}]} {
    %mul3A = arith.constant 2 : i32
    %mul3A_0 = arith.muli %arg1, %mul3A : i32
    %add3A = arith.addi %mul3A_0, %arg0 : i32
    %mul3A_1 = arith.constant 25600 : i32
    %mul3A_2 = arith.muli %add3A, %mul3A_1 : i32
    "tpu.region"() ({
      %run_scoped3A = tpu.sem_alloc : memref<!tpu.dma_semaphore, #tpu.memory_space<semaphore_mem>>
      %dma_start3A_57 = arith.constant 0 : i32
      %dma_start3A_58 = arith.constant 0 : i32
      %dma_start3A_59 = tpu.memref_slice %arg2[%add3A, %dma_start3A_57, %dma_start3A_58] : memref<32x200x128xi32, #tpu.memory_space<hbm>> -> memref<1x200x128xi32, #tpu.memory_space<hbm>>
      %dma_start3A_60 = tpu.memref_squeeze %dma_start3A_59 : memref<1x200x128xi32, #tpu.memory_space<hbm>> -> memref<200x128xi32, #tpu.memory_space<hbm>>
      %dma_start3A_61 = arith.constant 0 : i32
      %dma_start3A_62 = arith.constant 0 : i32
      %dma_start3A_63 = tpu.memref_slice %arg2[%add3A, %dma_start3A_61, %dma_start3A_62] : memref<32x200x128xi32, #tpu.memory_space<hbm>> -> memref<1x200x128xi32, #tpu.memory_space<hbm>>
      %dma_start3A_64 = tpu.memref_squeeze %dma_start3A_63 : memref<1x200x128xi32, #tpu.memory_space<hbm>> -> memref<200x128xi32, #tpu.memory_space<hbm>>
      tpu.enqueue_dma source(%dma_start3A_64 : memref<200x128xi32, #tpu.memory_space<hbm>>) target(%arg5 : memref<200x128xi32, #tpu.memory_space<vmem>>) target_semaphore(%run_scoped3A : memref<!tpu.dma_semaphore, #tpu.memory_space<semaphore_mem>>)
      %dma_wait3A_65 = arith.constant 0 : i32
      %dma_wait3A_66 = arith.constant 0 : i32
      %dma_wait3A_67 = tpu.memref_slice %arg2[%add3A, %dma_wait3A_65, %dma_wait3A_66] : memref<32x200x128xi32, #tpu.memory_space<hbm>> -> memref<1x200x128xi32, #tpu.memory_space<hbm>>
      %dma_wait3A_68 = tpu.memref_squeeze %dma_wait3A_67 : memref<1x200x128xi32, #tpu.memory_space<hbm>> -> memref<200x128xi32, #tpu.memory_space<hbm>>
      %dma_wait3A_69 = arith.constant 0 : i32
      %dma_wait3A_70 = arith.constant 0 : i32
      %dma_wait3A_71 = tpu.memref_slice %arg2[%add3A, %dma_wait3A_69, %dma_wait3A_70] : memref<32x200x128xi32, #tpu.memory_space<hbm>> -> memref<1x200x128xi32, #tpu.memory_space<hbm>>
      %dma_wait3A_72 = tpu.memref_squeeze %dma_wait3A_71 : memref<1x200x128xi32, #tpu.memory_space<hbm>> -> memref<200x128xi32, #tpu.memory_space<hbm>>
      tpu.wait_dma2 semaphore(%run_scoped3A : memref<!tpu.dma_semaphore, #tpu.memory_space<semaphore_mem>>) src(%dma_wait3A_72 : memref<200x128xi32, #tpu.memory_space<hbm>>) dst(%arg5 : memref<200x128xi32, #tpu.memory_space<vmem>>)
      tpu.yield
    }) : () -> ()
    %dma_start3A = arith.constant 0 : i32
    %dma_start3A_3 = arith.constant 0 : i32
    %dma_start3A_4 = arith.constant 0 : i32
    %dma_start3A_5 = tpu.memref_slice %arg6[%dma_start3A_3, %dma_start3A_4] : memref<512x64xf32, #tpu.memory_space<vmem>> -> memref<128x64xf32, #tpu.memory_space<vmem>>
    %dma_start3A_6 = arith.constant 0 : i32
    %dma_start3A_7 = tpu.memref_slice %arg5[%dma_start3A, %dma_start3A_6] : memref<200x128xi32, #tpu.memory_space<vmem>> -> memref<1x128xi32, #tpu.memory_space<vmem>>
    %dma_start3A_8 = tpu.memref_squeeze %dma_start3A_7 : memref<1x128xi32, #tpu.memory_space<vmem>> -> memref<128xi32, #tpu.memory_space<vmem>>
    %dma_start3A_9 = arith.constant 0 : i32
    %dma_start3A_10 = arith.constant 0 : i32
    %dma_start3A_11 = tpu.memref_slice %arg3[%dma_start3A_9, %dma_start3A_10] : memref<1000000x64xf32, #tpu.memory_space<hbm>> -> memref<1000000x64xf32, #tpu.memory_space<hbm>>
    tpu.enqueue_indirect_dma source(%dma_start3A_11 : memref<1000000x64xf32, #tpu.memory_space<hbm>>) target(%dma_start3A_5 : memref<128x64xf32, #tpu.memory_space<vmem>>) offsets(%dma_start3A_8 : memref<128xi32, #tpu.memory_space<vmem>>) semaphore(%arg8 : memref<!tpu.dma_semaphore, #tpu.memory_space<semaphore_mem>>)
    %dma_start3A_12 = arith.constant 1 : i32
    %dma_start3A_13 = arith.constant 128 : i32
    %dma_start3A_14 = arith.constant 0 : i32
    %dma_start3A_15 = tpu.memref_slice %arg6[%dma_start3A_13, %dma_start3A_14] : memref<512x64xf32, #tpu.memory_space<vmem>> -> memref<128x64xf32, #tpu.memory_space<vmem>>
    %dma_start3A_16 = arith.constant 0 : i32
    %dma_start3A_17 = tpu.memref_slice %arg5[%dma_start3A_12, %dma_start3A_16] : memref<200x128xi32, #tpu.memory_space<vmem>> -> memref<1x128xi32, #tpu.memory_space<vmem>>
    %dma_start3A_18 = tpu.memref_squeeze %dma_start3A_17 : memref<1x128xi32, #tpu.memory_space<vmem>> -> memref<128xi32, #tpu.memory_space<vmem>>
    %dma_start3A_19 = arith.constant 0 : i32
    %dma_start3A_20 = arith.constant 0 : i32
    %dma_start3A_21 = tpu.memref_slice %arg3[%dma_start3A_19, %dma_start3A_20] : memref<1000000x64xf32, #tpu.memory_space<hbm>> -> memref<1000000x64xf32, #tpu.memory_space<hbm>>
    tpu.enqueue_indirect_dma source(%dma_start3A_21 : memref<1000000x64xf32, #tpu.memory_space<hbm>>) target(%dma_start3A_15 : memref<128x64xf32, #tpu.memory_space<vmem>>) offsets(%dma_start3A_18 : memref<128xi32, #tpu.memory_space<vmem>>) semaphore(%arg8 : memref<!tpu.dma_semaphore, #tpu.memory_space<semaphore_mem>>)
    %dma_start3A_22 = arith.constant 2 : i32
    %dma_start3A_23 = arith.constant 256 : i32
    %dma_start3A_24 = arith.constant 0 : i32
    %dma_start3A_25 = tpu.memref_slice %arg6[%dma_start3A_23, %dma_start3A_24] : memref<512x64xf32, #tpu.memory_space<vmem>> -> memref<128x64xf32, #tpu.memory_space<vmem>>
    %dma_start3A_26 = arith.constant 0 : i32
    %dma_start3A_27 = tpu.memref_slice %arg5[%dma_start3A_22, %dma_start3A_26] : memref<200x128xi32, #tpu.memory_space<vmem>> -> memref<1x128xi32, #tpu.memory_space<vmem>>
    %dma_start3A_28 = tpu.memref_squeeze %dma_start3A_27 : memref<1x128xi32, #tpu.memory_space<vmem>> -> memref<128xi32, #tpu.memory_space<vmem>>
    %dma_start3A_29 = arith.constant 0 : i32
    %dma_start3A_30 = arith.constant 0 : i32
    %dma_start3A_31 = tpu.memref_slice %arg3[%dma_start3A_29, %dma_start3A_30] : memref<1000000x64xf32, #tpu.memory_space<hbm>> -> memref<1000000x64xf32, #tpu.memory_space<hbm>>
    tpu.enqueue_indirect_dma source(%dma_start3A_31 : memref<1000000x64xf32, #tpu.memory_space<hbm>>) target(%dma_start3A_25 : memref<128x64xf32, #tpu.memory_space<vmem>>) offsets(%dma_start3A_28 : memref<128xi32, #tpu.memory_space<vmem>>) semaphore(%arg8 : memref<!tpu.dma_semaphore, #tpu.memory_space<semaphore_mem>>)
    %dma_start3A_32 = arith.constant 3 : i32
    %dma_start3A_33 = arith.constant 384 : i32
    %dma_start3A_34 = arith.constant 0 : i32
    %dma_start3A_35 = tpu.memref_slice %arg6[%dma_start3A_33, %dma_start3A_34] : memref<512x64xf32, #tpu.memory_space<vmem>> -> memref<128x64xf32, #tpu.memory_space<vmem>>
    %dma_start3A_36 = arith.constant 0 : i32
    %dma_start3A_37 = tpu.memref_slice %arg5[%dma_start3A_32, %dma_start3A_36] : memref<200x128xi32, #tpu.memory_space<vmem>> -> memref<1x128xi32, #tpu.memory_space<vmem>>
    %dma_start3A_38 = tpu.memref_squeeze %dma_start3A_37 : memref<1x128xi32, #tpu.memory_space<vmem>> -> memref<128xi32, #tpu.memory_space<vmem>>
    %dma_start3A_39 = arith.constant 0 : i32
    %dma_start3A_40 = arith.constant 0 : i32
    %dma_start3A_41 = tpu.memref_slice %arg3[%dma_start3A_39, %dma_start3A_40] : memref<1000000x64xf32, #tpu.memory_space<hbm>> -> memref<1000000x64xf32, #tpu.memory_space<hbm>>
    tpu.enqueue_indirect_dma source(%dma_start3A_41 : memref<1000000x64xf32, #tpu.memory_space<hbm>>) target(%dma_start3A_35 : memref<128x64xf32, #tpu.memory_space<vmem>>) offsets(%dma_start3A_38 : memref<128xi32, #tpu.memory_space<vmem>>) semaphore(%arg8 : memref<!tpu.dma_semaphore, #tpu.memory_space<semaphore_mem>>)
    %scan3A = arith.constant 0 : i32
    %scan3A_42 = arith.constant 25 : i32
    %scan3A_43 = arith.addi %scan3A, %scan3A_42 : i32
    %scan3A_44 = arith.constant 1 : i32
    scf.for %scan3A_57 = %scan3A to %scan3A_43 step %scan3A_44  : i32 {
      %mul3A_58 = arith.constant 2 : i32
      %mul3A_59 = arith.muli %scan3A_57, %mul3A_58 : i32
      %add3A_60 = arith.constant 0 : i32
      %add3A_61 = arith.addi %add3A_60, %mul3A_59 : i32
      %add3A_62 = arith.constant 0 : i32
      %add3A_63 = arith.addi %add3A_61, %add3A_62 : i32
      %mul3A_64 = arith.constant 4 : i32
      %mul3A_65 = arith.muli %add3A_63, %mul3A_64 : i32
      %add3A_66 = arith.constant 0 : i32
      %add3A_67 = arith.addi %mul3A_65, %add3A_66 : i32
      %dma_wait3A_68 = arith.constant 0 : i32
      %dma_wait3A_69 = arith.constant 0 : i32
      %dma_wait3A_70 = tpu.memref_slice %arg6[%dma_wait3A_68, %dma_wait3A_69] : memref<512x64xf32, #tpu.memory_space<vmem>> -> memref<128x64xf32, #tpu.memory_space<vmem>>
      %dma_wait3A_71 = arith.constant 0 : i32
      %dma_wait3A_72 = tpu.memref_slice %arg5[%add3A_67, %dma_wait3A_71] : memref<200x128xi32, #tpu.memory_space<vmem>> -> memref<1x128xi32, #tpu.memory_space<vmem>>
      %dma_wait3A_73 = tpu.memref_squeeze %dma_wait3A_72 : memref<1x128xi32, #tpu.memory_space<vmem>> -> memref<128xi32, #tpu.memory_space<vmem>>
      %dma_wait3A_74 = arith.constant 0 : i32
      %dma_wait3A_75 = arith.constant 0 : i32
      %dma_wait3A_76 = tpu.memref_slice %arg3[%dma_wait3A_74, %dma_wait3A_75] : memref<1000000x64xf32, #tpu.memory_space<hbm>> -> memref<1000000x64xf32, #tpu.memory_space<hbm>>
      tpu.wait_indirect_dma semaphore(%arg8 : memref<!tpu.dma_semaphore, #tpu.memory_space<semaphore_mem>>) src(%dma_wait3A_76 : memref<1000000x64xf32, #tpu.memory_space<hbm>>) dst(%dma_wait3A_70 : memref<128x64xf32, #tpu.memory_space<vmem>>)
      %mul3A_77 = arith.constant 4 : i32
      %mul3A_78 = arith.muli %add3A_63, %mul3A_77 : i32
      %add3A_79 = arith.constant 1 : i32
      %add3A_80 = arith.addi %mul3A_78, %add3A_79 : i32
      %dma_wait3A_81 = arith.constant 128 : i32
      %dma_wait3A_82 = arith.constant 0 : i32
      %dma_wait3A_83 = tpu.memref_slice %arg6[%dma_wait3A_81, %dma_wait3A_82] : memref<512x64xf32, #tpu.memory_space<vmem>> -> memref<128x64xf32, #tpu.memory_space<vmem>>
      %dma_wait3A_84 = arith.constant 0 : i32
      %dma_wait3A_85 = tpu.memref_slice %arg5[%add3A_80, %dma_wait3A_84] : memref<200x128xi32, #tpu.memory_space<vmem>> -> memref<1x128xi32, #tpu.memory_space<vmem>>
      %dma_wait3A_86 = tpu.memref_squeeze %dma_wait3A_85 : memref<1x128xi32, #tpu.memory_space<vmem>> -> memref<128xi32, #tpu.memory_space<vmem>>
      %dma_wait3A_87 = arith.constant 0 : i32
      %dma_wait3A_88 = arith.constant 0 : i32
      %dma_wait3A_89 = tpu.memref_slice %arg3[%dma_wait3A_87, %dma_wait3A_88] : memref<1000000x64xf32, #tpu.memory_space<hbm>> -> memref<1000000x64xf32, #tpu.memory_space<hbm>>
      tpu.wait_indirect_dma semaphore(%arg8 : memref<!tpu.dma_semaphore, #tpu.memory_space<semaphore_mem>>) src(%dma_wait3A_89 : memref<1000000x64xf32, #tpu.memory_space<hbm>>) dst(%dma_wait3A_83 : memref<128x64xf32, #tpu.memory_space<vmem>>)
      %mul3A_90 = arith.constant 4 : i32
      %mul3A_91 = arith.muli %add3A_63, %mul3A_90 : i32
      %add3A_92 = arith.constant 2 : i32
      %add3A_93 = arith.addi %mul3A_91, %add3A_92 : i32
      %dma_wait3A_94 = arith.constant 256 : i32
      %dma_wait3A_95 = arith.constant 0 : i32
      %dma_wait3A_96 = tpu.memref_slice %arg6[%dma_wait3A_94, %dma_wait3A_95] : memref<512x64xf32, #tpu.memory_space<vmem>> -> memref<128x64xf32, #tpu.memory_space<vmem>>
      %dma_wait3A_97 = arith.constant 0 : i32
      %dma_wait3A_98 = tpu.memref_slice %arg5[%add3A_93, %dma_wait3A_97] : memref<200x128xi32, #tpu.memory_space<vmem>> -> memref<1x128xi32, #tpu.memory_space<vmem>>
      %dma_wait3A_99 = tpu.memref_squeeze %dma_wait3A_98 : memref<1x128xi32, #tpu.memory_space<vmem>> -> memref<128xi32, #tpu.memory_space<vmem>>
      %dma_wait3A_100 = arith.constant 0 : i32
      %dma_wait3A_101 = arith.constant 0 : i32
      %dma_wait3A_102 = tpu.memref_slice %arg3[%dma_wait3A_100, %dma_wait3A_101] : memref<1000000x64xf32, #tpu.memory_space<hbm>> -> memref<1000000x64xf32, #tpu.memory_space<hbm>>
      tpu.wait_indirect_dma semaphore(%arg8 : memref<!tpu.dma_semaphore, #tpu.memory_space<semaphore_mem>>) src(%dma_wait3A_102 : memref<1000000x64xf32, #tpu.memory_space<hbm>>) dst(%dma_wait3A_96 : memref<128x64xf32, #tpu.memory_space<vmem>>)
      %mul3A_103 = arith.constant 4 : i32
      %mul3A_104 = arith.muli %add3A_63, %mul3A_103 : i32
      %add3A_105 = arith.constant 3 : i32
      %add3A_106 = arith.addi %mul3A_104, %add3A_105 : i32
      %dma_wait3A_107 = arith.constant 384 : i32
      %dma_wait3A_108 = arith.constant 0 : i32
      %dma_wait3A_109 = tpu.memref_slice %arg6[%dma_wait3A_107, %dma_wait3A_108] : memref<512x64xf32, #tpu.memory_space<vmem>> -> memref<128x64xf32, #tpu.memory_space<vmem>>
      %dma_wait3A_110 = arith.constant 0 : i32
      %dma_wait3A_111 = tpu.memref_slice %arg5[%add3A_106, %dma_wait3A_110] : memref<200x128xi32, #tpu.memory_space<vmem>> -> memref<1x128xi32, #tpu.memory_space<vmem>>
      %dma_wait3A_112 = tpu.memref_squeeze %dma_wait3A_111 : memref<1x128xi32, #tpu.memory_space<vmem>> -> memref<128xi32, #tpu.memory_space<vmem>>
      %dma_wait3A_113 = arith.constant 0 : i32
      %dma_wait3A_114 = arith.constant 0 : i32
      %dma_wait3A_115 = tpu.memref_slice %arg3[%dma_wait3A_113, %dma_wait3A_114] : memref<1000000x64xf32, #tpu.memory_space<hbm>> -> memref<1000000x64xf32, #tpu.memory_space<hbm>>
      tpu.wait_indirect_dma semaphore(%arg8 : memref<!tpu.dma_semaphore, #tpu.memory_space<semaphore_mem>>) src(%dma_wait3A_115 : memref<1000000x64xf32, #tpu.memory_space<hbm>>) dst(%dma_wait3A_109 : memref<128x64xf32, #tpu.memory_space<vmem>>)
      %add3A_116 = arith.constant 1 : i32
      %add3A_117 = arith.addi %add3A_63, %add3A_116 : i32
      %lt3A = arith.constant 50 : i32
      %lt3A_118 = arith.cmpi slt, %add3A_117, %lt3A : i32
      %convert_element_type3A = arith.extui %lt3A_118 : i1 to i32
      %cond3A = arith.constant 0 : i32
      %cond3A_119 = arith.cmpi ne, %convert_element_type3A, %cond3A : i32
      scf.if %cond3A_119 {
        %add3A_195 = arith.constant 1 : i32
        %add3A_196 = arith.addi %add3A_63, %add3A_195 : i32
        %ge3A = arith.constant 2 : i32
        %ge3A_197 = arith.cmpi sge, %add3A_196, %ge3A : i32
        %convert_element_type3A_198 = arith.extui %ge3A_197 : i1 to i32
        %cond3A_199 = arith.constant 0 : i32
        %cond3A_200 = arith.cmpi ne, %convert_element_type3A_198, %cond3A_199 : i32
        scf.if %cond3A_200 {
          %add3A_255 = arith.constant 1 : i32
          %add3A_256 = arith.addi %add3A_63, %add3A_255 : i32
          %sub3A = arith.constant 2 : i32
          %sub3A_257 = arith.subi %add3A_256, %sub3A : i32
          %mul3A_258 = arith.constant 512 : i32
          %mul3A_259 = arith.muli %sub3A_257, %mul3A_258 : i32
          %add3A_260 = arith.addi %mul3A_2, %mul3A_259 : i32
          %dma_wait3A_261 = arith.constant 0 : i32
          %dma_wait3A_262 = tpu.memref_slice %arg4[%add3A_260, %dma_wait3A_261] : memref<819200x128xf32, #tpu.memory_space<hbm>> -> memref<512x64xf32, #tpu.memory_space<hbm>>
          %dma_wait3A_263 = arith.constant 0 : i32
          %dma_wait3A_264 = tpu.memref_slice %arg4[%add3A_260, %dma_wait3A_263] : memref<819200x128xf32, #tpu.memory_space<hbm>> -> memref<512x64xf32, #tpu.memory_space<hbm>>
          tpu.wait_dma2 semaphore(%arg11 : memref<!tpu.dma_semaphore, #tpu.memory_space<semaphore_mem>>) src(%arg7 : memref<512x64xf32, #tpu.memory_space<vmem>>) dst(%dma_wait3A_264 : memref<512x64xf32, #tpu.memory_space<hbm>>)
        } else {
        }
        %add3A_201 = arith.constant 1 : i32
        %add3A_202 = arith.addi %add3A_63, %add3A_201 : i32
        %mul3A_203 = arith.constant 4 : i32
        %mul3A_204 = arith.muli %add3A_202, %mul3A_203 : i32
        %add3A_205 = arith.constant 0 : i32
        %add3A_206 = arith.addi %mul3A_204, %add3A_205 : i32
        %dma_start3A_207 = arith.constant 0 : i32
        %dma_start3A_208 = arith.constant 0 : i32
        %dma_start3A_209 = tpu.memref_slice %arg7[%dma_start3A_207, %dma_start3A_208] : memref<512x64xf32, #tpu.memory_space<vmem>> -> memref<128x64xf32, #tpu.memory_space<vmem>>
        %dma_start3A_210 = arith.constant 0 : i32
        %dma_start3A_211 = tpu.memref_slice %arg5[%add3A_206, %dma_start3A_210] : memref<200x128xi32, #tpu.memory_space<vmem>> -> memref<1x128xi32, #tpu.memory_space<vmem>>
        %dma_start3A_212 = tpu.memref_squeeze %dma_start3A_211 : memref<1x128xi32, #tpu.memory_space<vmem>> -> memref<128xi32, #tpu.memory_space<vmem>>
        %dma_start3A_213 = arith.constant 0 : i32
        %dma_start3A_214 = arith.constant 0 : i32
        %dma_start3A_215 = tpu.memref_slice %arg3[%dma_start3A_213, %dma_start3A_214] : memref<1000000x64xf32, #tpu.memory_space<hbm>> -> memref<1000000x64xf32, #tpu.memory_space<hbm>>
        tpu.enqueue_indirect_dma source(%dma_start3A_215 : memref<1000000x64xf32, #tpu.memory_space<hbm>>) target(%dma_start3A_209 : memref<128x64xf32, #tpu.memory_space<vmem>>) offsets(%dma_start3A_212 : memref<128xi32, #tpu.memory_space<vmem>>) semaphore(%arg9 : memref<!tpu.dma_semaphore, #tpu.memory_space<semaphore_mem>>)
        %mul3A_216 = arith.constant 4 : i32
        %mul3A_217 = arith.muli %add3A_202, %mul3A_216 : i32
        %add3A_218 = arith.constant 1 : i32
        %add3A_219 = arith.addi %mul3A_217, %add3A_218 : i32
        %dma_start3A_220 = arith.constant 128 : i32
        %dma_start3A_221 = arith.constant 0 : i32
        %dma_start3A_222 = tpu.memref_slice %arg7[%dma_start3A_220, %dma_start3A_221] : memref<512x64xf32, #tpu.memory_space<vmem>> -> memref<128x64xf32, #tpu.memory_space<vmem>>
        %dma_start3A_223 = arith.constant 0 : i32
        %dma_start3A_224 = tpu.memref_slice %arg5[%add3A_219, %dma_start3A_223] : memref<200x128xi32, #tpu.memory_space<vmem>> -> memref<1x128xi32, #tpu.memory_space<vmem>>
        %dma_start3A_225 = tpu.memref_squeeze %dma_start3A_224 : memref<1x128xi32, #tpu.memory_space<vmem>> -> memref<128xi32, #tpu.memory_space<vmem>>
        %dma_start3A_226 = arith.constant 0 : i32
        %dma_start3A_227 = arith.constant 0 : i32
        %dma_start3A_228 = tpu.memref_slice %arg3[%dma_start3A_226, %dma_start3A_227] : memref<1000000x64xf32, #tpu.memory_space<hbm>> -> memref<1000000x64xf32, #tpu.memory_space<hbm>>
        tpu.enqueue_indirect_dma source(%dma_start3A_228 : memref<1000000x64xf32, #tpu.memory_space<hbm>>) target(%dma_start3A_222 : memref<128x64xf32, #tpu.memory_space<vmem>>) offsets(%dma_start3A_225 : memref<128xi32, #tpu.memory_space<vmem>>) semaphore(%arg9 : memref<!tpu.dma_semaphore, #tpu.memory_space<semaphore_mem>>)
        %mul3A_229 = arith.constant 4 : i32
        %mul3A_230 = arith.muli %add3A_202, %mul3A_229 : i32
        %add3A_231 = arith.constant 2 : i32
        %add3A_232 = arith.addi %mul3A_230, %add3A_231 : i32
        %dma_start3A_233 = arith.constant 256 : i32
        %dma_start3A_234 = arith.constant 0 : i32
        %dma_start3A_235 = tpu.memref_slice %arg7[%dma_start3A_233, %dma_start3A_234] : memref<512x64xf32, #tpu.memory_space<vmem>> -> memref<128x64xf32, #tpu.memory_space<vmem>>
        %dma_start3A_236 = arith.constant 0 : i32
        %dma_start3A_237 = tpu.memref_slice %arg5[%add3A_232, %dma_start3A_236] : memref<200x128xi32, #tpu.memory_space<vmem>> -> memref<1x128xi32, #tpu.memory_space<vmem>>
        %dma_start3A_238 = tpu.memref_squeeze %dma_start3A_237 : memref<1x128xi32, #tpu.memory_space<vmem>> -> memref<128xi32, #tpu.memory_space<vmem>>
        %dma_start3A_239 = arith.constant 0 : i32
        %dma_start3A_240 = arith.constant 0 : i32
        %dma_start3A_241 = tpu.memref_slice %arg3[%dma_start3A_239, %dma_start3A_240] : memref<1000000x64xf32, #tpu.memory_space<hbm>> -> memref<1000000x64xf32, #tpu.memory_space<hbm>>
        tpu.enqueue_indirect_dma source(%dma_start3A_241 : memref<1000000x64xf32, #tpu.memory_space<hbm>>) target(%dma_start3A_235 : memref<128x64xf32, #tpu.memory_space<vmem>>) offsets(%dma_start3A_238 : memref<128xi32, #tpu.memory_space<vmem>>) semaphore(%arg9 : memref<!tpu.dma_semaphore, #tpu.memory_space<semaphore_mem>>)
        %mul3A_242 = arith.constant 4 : i32
        %mul3A_243 = arith.muli %add3A_202, %mul3A_242 : i32
        %add3A_244 = arith.constant 3 : i32
        %add3A_245 = arith.addi %mul3A_243, %add3A_244 : i32
        %dma_start3A_246 = arith.constant 384 : i32
        %dma_start3A_247 = arith.constant 0 : i32
        %dma_start3A_248 = tpu.memref_slice %arg7[%dma_start3A_246, %dma_start3A_247] : memref<512x64xf32, #tpu.memory_space<vmem>> -> memref<128x64xf32, #tpu.memory_space<vmem>>
        %dma_start3A_249 = arith.constant 0 : i32
        %dma_start3A_250 = tpu.memref_slice %arg5[%add3A_245, %dma_start3A_249] : memref<200x128xi32, #tpu.memory_space<vmem>> -> memref<1x128xi32, #tpu.memory_space<vmem>>
        %dma_start3A_251 = tpu.memref_squeeze %dma_start3A_250 : memref<1x128xi32, #tpu.memory_space<vmem>> -> memref<128xi32, #tpu.memory_space<vmem>>
        %dma_start3A_252 = arith.constant 0 : i32
        %dma_start3A_253 = arith.constant 0 : i32
        %dma_start3A_254 = tpu.memref_slice %arg3[%dma_start3A_252, %dma_start3A_253] : memref<1000000x64xf32, #tpu.memory_space<hbm>> -> memref<1000000x64xf32, #tpu.memory_space<hbm>>
        tpu.enqueue_indirect_dma source(%dma_start3A_254 : memref<1000000x64xf32, #tpu.memory_space<hbm>>) target(%dma_start3A_248 : memref<128x64xf32, #tpu.memory_space<vmem>>) offsets(%dma_start3A_251 : memref<128xi32, #tpu.memory_space<vmem>>) semaphore(%arg9 : memref<!tpu.dma_semaphore, #tpu.memory_space<semaphore_mem>>)
      } else {
      }
      %mul3A_120 = arith.constant 512 : i32
      %mul3A_121 = arith.muli %add3A_63, %mul3A_120 : i32
      %add3A_122 = arith.addi %mul3A_2, %mul3A_121 : i32
      %dma_start3A_123 = arith.constant 0 : i32
      %dma_start3A_124 = tpu.memref_slice %arg4[%add3A_122, %dma_start3A_123] : memref<819200x128xf32, #tpu.memory_space<hbm>> -> memref<512x64xf32, #tpu.memory_space<hbm>>
      %dma_start3A_125 = arith.constant 0 : i32
      %dma_start3A_126 = tpu.memref_slice %arg4[%add3A_122, %dma_start3A_125] : memref<819200x128xf32, #tpu.memory_space<hbm>> -> memref<512x64xf32, #tpu.memory_space<hbm>>
      tpu.enqueue_dma source(%arg6 : memref<512x64xf32, #tpu.memory_space<vmem>>) target(%dma_start3A_126 : memref<512x64xf32, #tpu.memory_space<hbm>>) target_semaphore(%arg10 : memref<!tpu.dma_semaphore, #tpu.memory_space<semaphore_mem>>)
      %add3A_127 = arith.constant 1 : i32
      %add3A_128 = arith.addi %add3A_61, %add3A_127 : i32
      %mul3A_129 = arith.constant 4 : i32
      %mul3A_130 = arith.muli %add3A_128, %mul3A_129 : i32
      %add3A_131 = arith.constant 0 : i32
      %add3A_132 = arith.addi %mul3A_130, %add3A_131 : i32
      %dma_wait3A_133 = arith.constant 0 : i32
      %dma_wait3A_134 = arith.constant 0 : i32
      %dma_wait3A_135 = tpu.memref_slice %arg7[%dma_wait3A_133, %dma_wait3A_134] : memref<512x64xf32, #tpu.memory_space<vmem>> -> memref<128x64xf32, #tpu.memory_space<vmem>>
      %dma_wait3A_136 = arith.constant 0 : i32
      %dma_wait3A_137 = tpu.memref_slice %arg5[%add3A_132, %dma_wait3A_136] : memref<200x128xi32, #tpu.memory_space<vmem>> -> memref<1x128xi32, #tpu.memory_space<vmem>>
      %dma_wait3A_138 = tpu.memref_squeeze %dma_wait3A_137 : memref<1x128xi32, #tpu.memory_space<vmem>> -> memref<128xi32, #tpu.memory_space<vmem>>
      %dma_wait3A_139 = arith.constant 0 : i32
      %dma_wait3A_140 = arith.constant 0 : i32
      %dma_wait3A_141 = tpu.memref_slice %arg3[%dma_wait3A_139, %dma_wait3A_140] : memref<1000000x64xf32, #tpu.memory_space<hbm>> -> memref<1000000x64xf32, #tpu.memory_space<hbm>>
      tpu.wait_indirect_dma semaphore(%arg9 : memref<!tpu.dma_semaphore, #tpu.memory_space<semaphore_mem>>) src(%dma_wait3A_141 : memref<1000000x64xf32, #tpu.memory_space<hbm>>) dst(%dma_wait3A_135 : memref<128x64xf32, #tpu.memory_space<vmem>>)
      %mul3A_142 = arith.constant 4 : i32
      %mul3A_143 = arith.muli %add3A_128, %mul3A_142 : i32
      %add3A_144 = arith.constant 1 : i32
      %add3A_145 = arith.addi %mul3A_143, %add3A_144 : i32
      %dma_wait3A_146 = arith.constant 128 : i32
      %dma_wait3A_147 = arith.constant 0 : i32
      %dma_wait3A_148 = tpu.memref_slice %arg7[%dma_wait3A_146, %dma_wait3A_147] : memref<512x64xf32, #tpu.memory_space<vmem>> -> memref<128x64xf32, #tpu.memory_space<vmem>>
      %dma_wait3A_149 = arith.constant 0 : i32
      %dma_wait3A_150 = tpu.memref_slice %arg5[%add3A_145, %dma_wait3A_149] : memref<200x128xi32, #tpu.memory_space<vmem>> -> memref<1x128xi32, #tpu.memory_space<vmem>>
      %dma_wait3A_151 = tpu.memref_squeeze %dma_wait3A_150 : memref<1x128xi32, #tpu.memory_space<vmem>> -> memref<128xi32, #tpu.memory_space<vmem>>
      %dma_wait3A_152 = arith.constant 0 : i32
      %dma_wait3A_153 = arith.constant 0 : i32
      %dma_wait3A_154 = tpu.memref_slice %arg3[%dma_wait3A_152, %dma_wait3A_153] : memref<1000000x64xf32, #tpu.memory_space<hbm>> -> memref<1000000x64xf32, #tpu.memory_space<hbm>>
      tpu.wait_indirect_dma semaphore(%arg9 : memref<!tpu.dma_semaphore, #tpu.memory_space<semaphore_mem>>) src(%dma_wait3A_154 : memref<1000000x64xf32, #tpu.memory_space<hbm>>) dst(%dma_wait3A_148 : memref<128x64xf32, #tpu.memory_space<vmem>>)
      %mul3A_155 = arith.constant 4 : i32
      %mul3A_156 = arith.muli %add3A_128, %mul3A_155 : i32
      %add3A_157 = arith.constant 2 : i32
      %add3A_158 = arith.addi %mul3A_156, %add3A_157 : i32
      %dma_wait3A_159 = arith.constant 256 : i32
      %dma_wait3A_160 = arith.constant 0 : i32
      %dma_wait3A_161 = tpu.memref_slice %arg7[%dma_wait3A_159, %dma_wait3A_160] : memref<512x64xf32, #tpu.memory_space<vmem>> -> memref<128x64xf32, #tpu.memory_space<vmem>>
      %dma_wait3A_162 = arith.constant 0 : i32
      %dma_wait3A_163 = tpu.memref_slice %arg5[%add3A_158, %dma_wait3A_162] : memref<200x128xi32, #tpu.memory_space<vmem>> -> memref<1x128xi32, #tpu.memory_space<vmem>>
      %dma_wait3A_164 = tpu.memref_squeeze %dma_wait3A_163 : memref<1x128xi32, #tpu.memory_space<vmem>> -> memref<128xi32, #tpu.memory_space<vmem>>
      %dma_wait3A_165 = arith.constant 0 : i32
      %dma_wait3A_166 = arith.constant 0 : i32
      %dma_wait3A_167 = tpu.memref_slice %arg3[%dma_wait3A_165, %dma_wait3A_166] : memref<1000000x64xf32, #tpu.memory_space<hbm>> -> memref<1000000x64xf32, #tpu.memory_space<hbm>>
      tpu.wait_indirect_dma semaphore(%arg9 : memref<!tpu.dma_semaphore, #tpu.memory_space<semaphore_mem>>) src(%dma_wait3A_167 : memref<1000000x64xf32, #tpu.memory_space<hbm>>) dst(%dma_wait3A_161 : memref<128x64xf32, #tpu.memory_space<vmem>>)
      %mul3A_168 = arith.constant 4 : i32
      %mul3A_169 = arith.muli %add3A_128, %mul3A_168 : i32
      %add3A_170 = arith.constant 3 : i32
      %add3A_171 = arith.addi %mul3A_169, %add3A_170 : i32
      %dma_wait3A_172 = arith.constant 384 : i32
      %dma_wait3A_173 = arith.constant 0 : i32
      %dma_wait3A_174 = tpu.memref_slice %arg7[%dma_wait3A_172, %dma_wait3A_173] : memref<512x64xf32, #tpu.memory_space<vmem>> -> memref<128x64xf32, #tpu.memory_space<vmem>>
      %dma_wait3A_175 = arith.constant 0 : i32
      %dma_wait3A_176 = tpu.memref_slice %arg5[%add3A_171, %dma_wait3A_175] : memref<200x128xi32, #tpu.memory_space<vmem>> -> memref<1x128xi32, #tpu.memory_space<vmem>>
      %dma_wait3A_177 = tpu.memref_squeeze %dma_wait3A_176 : memref<1x128xi32, #tpu.memory_space<vmem>> -> memref<128xi32, #tpu.memory_space<vmem>>
      %dma_wait3A_178 = arith.constant 0 : i32
      %dma_wait3A_179 = arith.constant 0 : i32
      %dma_wait3A_180 = tpu.memref_slice %arg3[%dma_wait3A_178, %dma_wait3A_179] : memref<1000000x64xf32, #tpu.memory_space<hbm>> -> memref<1000000x64xf32, #tpu.memory_space<hbm>>
      tpu.wait_indirect_dma semaphore(%arg9 : memref<!tpu.dma_semaphore, #tpu.memory_space<semaphore_mem>>) src(%dma_wait3A_180 : memref<1000000x64xf32, #tpu.memory_space<hbm>>) dst(%dma_wait3A_174 : memref<128x64xf32, #tpu.memory_space<vmem>>)
      %add3A_181 = arith.constant 1 : i32
      %add3A_182 = arith.addi %add3A_128, %add3A_181 : i32
      %lt3A_183 = arith.constant 50 : i32
      %lt3A_184 = arith.cmpi slt, %add3A_182, %lt3A_183 : i32
      %convert_element_type3A_185 = arith.extui %lt3A_184 : i1 to i32
      %cond3A_186 = arith.constant 0 : i32
      %cond3A_187 = arith.cmpi ne, %convert_element_type3A_185, %cond3A_186 : i32
      scf.if %cond3A_187 {
        %add3A_195 = arith.constant 1 : i32
        %add3A_196 = arith.addi %add3A_128, %add3A_195 : i32
        %ge3A = arith.constant 2 : i32
        %ge3A_197 = arith.cmpi sge, %add3A_196, %ge3A : i32
        %convert_element_type3A_198 = arith.extui %ge3A_197 : i1 to i32
        %cond3A_199 = arith.constant 0 : i32
        %cond3A_200 = arith.cmpi ne, %convert_element_type3A_198, %cond3A_199 : i32
        scf.if %cond3A_200 {
          %add3A_255 = arith.constant 1 : i32
          %add3A_256 = arith.addi %add3A_128, %add3A_255 : i32
          %sub3A = arith.constant 2 : i32
          %sub3A_257 = arith.subi %add3A_256, %sub3A : i32
          %mul3A_258 = arith.constant 512 : i32
          %mul3A_259 = arith.muli %sub3A_257, %mul3A_258 : i32
          %add3A_260 = arith.addi %mul3A_2, %mul3A_259 : i32
          %dma_wait3A_261 = arith.constant 0 : i32
          %dma_wait3A_262 = tpu.memref_slice %arg4[%add3A_260, %dma_wait3A_261] : memref<819200x128xf32, #tpu.memory_space<hbm>> -> memref<512x64xf32, #tpu.memory_space<hbm>>
          %dma_wait3A_263 = arith.constant 0 : i32
          %dma_wait3A_264 = tpu.memref_slice %arg4[%add3A_260, %dma_wait3A_263] : memref<819200x128xf32, #tpu.memory_space<hbm>> -> memref<512x64xf32, #tpu.memory_space<hbm>>
          tpu.wait_dma2 semaphore(%arg10 : memref<!tpu.dma_semaphore, #tpu.memory_space<semaphore_mem>>) src(%arg6 : memref<512x64xf32, #tpu.memory_space<vmem>>) dst(%dma_wait3A_264 : memref<512x64xf32, #tpu.memory_space<hbm>>)
        } else {
        }
        %add3A_201 = arith.constant 1 : i32
        %add3A_202 = arith.addi %add3A_128, %add3A_201 : i32
        %mul3A_203 = arith.constant 4 : i32
        %mul3A_204 = arith.muli %add3A_202, %mul3A_203 : i32
        %add3A_205 = arith.constant 0 : i32
        %add3A_206 = arith.addi %mul3A_204, %add3A_205 : i32
        %dma_start3A_207 = arith.constant 0 : i32
        %dma_start3A_208 = arith.constant 0 : i32
        %dma_start3A_209 = tpu.memref_slice %arg6[%dma_start3A_207, %dma_start3A_208] : memref<512x64xf32, #tpu.memory_space<vmem>> -> memref<128x64xf32, #tpu.memory_space<vmem>>
        %dma_start3A_210 = arith.constant 0 : i32
        %dma_start3A_211 = tpu.memref_slice %arg5[%add3A_206, %dma_start3A_210] : memref<200x128xi32, #tpu.memory_space<vmem>> -> memref<1x128xi32, #tpu.memory_space<vmem>>
        %dma_start3A_212 = tpu.memref_squeeze %dma_start3A_211 : memref<1x128xi32, #tpu.memory_space<vmem>> -> memref<128xi32, #tpu.memory_space<vmem>>
        %dma_start3A_213 = arith.constant 0 : i32
        %dma_start3A_214 = arith.constant 0 : i32
        %dma_start3A_215 = tpu.memref_slice %arg3[%dma_start3A_213, %dma_start3A_214] : memref<1000000x64xf32, #tpu.memory_space<hbm>> -> memref<1000000x64xf32, #tpu.memory_space<hbm>>
        tpu.enqueue_indirect_dma source(%dma_start3A_215 : memref<1000000x64xf32, #tpu.memory_space<hbm>>) target(%dma_start3A_209 : memref<128x64xf32, #tpu.memory_space<vmem>>) offsets(%dma_start3A_212 : memref<128xi32, #tpu.memory_space<vmem>>) semaphore(%arg8 : memref<!tpu.dma_semaphore, #tpu.memory_space<semaphore_mem>>)
        %mul3A_216 = arith.constant 4 : i32
        %mul3A_217 = arith.muli %add3A_202, %mul3A_216 : i32
        %add3A_218 = arith.constant 1 : i32
        %add3A_219 = arith.addi %mul3A_217, %add3A_218 : i32
        %dma_start3A_220 = arith.constant 128 : i32
        %dma_start3A_221 = arith.constant 0 : i32
        %dma_start3A_222 = tpu.memref_slice %arg6[%dma_start3A_220, %dma_start3A_221] : memref<512x64xf32, #tpu.memory_space<vmem>> -> memref<128x64xf32, #tpu.memory_space<vmem>>
        %dma_start3A_223 = arith.constant 0 : i32
        %dma_start3A_224 = tpu.memref_slice %arg5[%add3A_219, %dma_start3A_223] : memref<200x128xi32, #tpu.memory_space<vmem>> -> memref<1x128xi32, #tpu.memory_space<vmem>>
        %dma_start3A_225 = tpu.memref_squeeze %dma_start3A_224 : memref<1x128xi32, #tpu.memory_space<vmem>> -> memref<128xi32, #tpu.memory_space<vmem>>
        %dma_start3A_226 = arith.constant 0 : i32
        %dma_start3A_227 = arith.constant 0 : i32
        %dma_start3A_228 = tpu.memref_slice %arg3[%dma_start3A_226, %dma_start3A_227] : memref<1000000x64xf32, #tpu.memory_space<hbm>> -> memref<1000000x64xf32, #tpu.memory_space<hbm>>
        tpu.enqueue_indirect_dma source(%dma_start3A_228 : memref<1000000x64xf32, #tpu.memory_space<hbm>>) target(%dma_start3A_222 : memref<128x64xf32, #tpu.memory_space<vmem>>) offsets(%dma_start3A_225 : memref<128xi32, #tpu.memory_space<vmem>>) semaphore(%arg8 : memref<!tpu.dma_semaphore, #tpu.memory_space<semaphore_mem>>)
        %mul3A_229 = arith.constant 4 : i32
        %mul3A_230 = arith.muli %add3A_202, %mul3A_229 : i32
        %add3A_231 = arith.constant 2 : i32
        %add3A_232 = arith.addi %mul3A_230, %add3A_231 : i32
        %dma_start3A_233 = arith.constant 256 : i32
        %dma_start3A_234 = arith.constant 0 : i32
        %dma_start3A_235 = tpu.memref_slice %arg6[%dma_start3A_233, %dma_start3A_234] : memref<512x64xf32, #tpu.memory_space<vmem>> -> memref<128x64xf32, #tpu.memory_space<vmem>>
        %dma_start3A_236 = arith.constant 0 : i32
        %dma_start3A_237 = tpu.memref_slice %arg5[%add3A_232, %dma_start3A_236] : memref<200x128xi32, #tpu.memory_space<vmem>> -> memref<1x128xi32, #tpu.memory_space<vmem>>
        %dma_start3A_238 = tpu.memref_squeeze %dma_start3A_237 : memref<1x128xi32, #tpu.memory_space<vmem>> -> memref<128xi32, #tpu.memory_space<vmem>>
        %dma_start3A_239 = arith.constant 0 : i32
        %dma_start3A_240 = arith.constant 0 : i32
        %dma_start3A_241 = tpu.memref_slice %arg3[%dma_start3A_239, %dma_start3A_240] : memref<1000000x64xf32, #tpu.memory_space<hbm>> -> memref<1000000x64xf32, #tpu.memory_space<hbm>>
        tpu.enqueue_indirect_dma source(%dma_start3A_241 : memref<1000000x64xf32, #tpu.memory_space<hbm>>) target(%dma_start3A_235 : memref<128x64xf32, #tpu.memory_space<vmem>>) offsets(%dma_start3A_238 : memref<128xi32, #tpu.memory_space<vmem>>) semaphore(%arg8 : memref<!tpu.dma_semaphore, #tpu.memory_space<semaphore_mem>>)
        %mul3A_242 = arith.constant 4 : i32
        %mul3A_243 = arith.muli %add3A_202, %mul3A_242 : i32
        %add3A_244 = arith.constant 3 : i32
        %add3A_245 = arith.addi %mul3A_243, %add3A_244 : i32
        %dma_start3A_246 = arith.constant 384 : i32
        %dma_start3A_247 = arith.constant 0 : i32
        %dma_start3A_248 = tpu.memref_slice %arg6[%dma_start3A_246, %dma_start3A_247] : memref<512x64xf32, #tpu.memory_space<vmem>> -> memref<128x64xf32, #tpu.memory_space<vmem>>
        %dma_start3A_249 = arith.constant 0 : i32
        %dma_start3A_250 = tpu.memref_slice %arg5[%add3A_245, %dma_start3A_249] : memref<200x128xi32, #tpu.memory_space<vmem>> -> memref<1x128xi32, #tpu.memory_space<vmem>>
        %dma_start3A_251 = tpu.memref_squeeze %dma_start3A_250 : memref<1x128xi32, #tpu.memory_space<vmem>> -> memref<128xi32, #tpu.memory_space<vmem>>
        %dma_start3A_252 = arith.constant 0 : i32
        %dma_start3A_253 = arith.constant 0 : i32
        %dma_start3A_254 = tpu.memref_slice %arg3[%dma_start3A_252, %dma_start3A_253] : memref<1000000x64xf32, #tpu.memory_space<hbm>> -> memref<1000000x64xf32, #tpu.memory_space<hbm>>
        tpu.enqueue_indirect_dma source(%dma_start3A_254 : memref<1000000x64xf32, #tpu.memory_space<hbm>>) target(%dma_start3A_248 : memref<128x64xf32, #tpu.memory_space<vmem>>) offsets(%dma_start3A_251 : memref<128xi32, #tpu.memory_space<vmem>>) semaphore(%arg8 : memref<!tpu.dma_semaphore, #tpu.memory_space<semaphore_mem>>)
      } else {
      }
      %mul3A_188 = arith.constant 512 : i32
      %mul3A_189 = arith.muli %add3A_128, %mul3A_188 : i32
      %add3A_190 = arith.addi %mul3A_2, %mul3A_189 : i32
      %dma_start3A_191 = arith.constant 0 : i32
      %dma_start3A_192 = tpu.memref_slice %arg4[%add3A_190, %dma_start3A_191] : memref<819200x128xf32, #tpu.memory_space<hbm>> -> memref<512x64xf32, #tpu.memory_space<hbm>>
      %dma_start3A_193 = arith.constant 0 : i32
      %dma_start3A_194 = tpu.memref_slice %arg4[%add3A_190, %dma_start3A_193] : memref<819200x128xf32, #tpu.memory_space<hbm>> -> memref<512x64xf32, #tpu.memory_space<hbm>>
      tpu.enqueue_dma source(%arg7 : memref<512x64xf32, #tpu.memory_space<vmem>>) target(%dma_start3A_194 : memref<512x64xf32, #tpu.memory_space<hbm>>) target_semaphore(%arg11 : memref<!tpu.dma_semaphore, #tpu.memory_space<semaphore_mem>>)
    }
    %scan3A_45 = arith.constant 25 : i32
    %add3A_46 = arith.constant 24576 : i32
    %add3A_47 = arith.addi %mul3A_2, %add3A_46 : i32
    %dma_wait3A = arith.constant 0 : i32
    %dma_wait3A_48 = tpu.memref_slice %arg4[%add3A_47, %dma_wait3A] : memref<819200x128xf32, #tpu.memory_space<hbm>> -> memref<512x64xf32, #tpu.memory_space<hbm>>
    %dma_wait3A_49 = arith.constant 0 : i32
    %dma_wait3A_50 = tpu.memref_slice %arg4[%add3A_47, %dma_wait3A_49] : memref<819200x128xf32, #tpu.memory_space<hbm>> -> memref<512x64xf32, #tpu.memory_space<hbm>>
    tpu.wait_dma2 semaphore(%arg10 : memref<!tpu.dma_semaphore, #tpu.memory_space<semaphore_mem>>) src(%arg6 : memref<512x64xf32, #tpu.memory_space<vmem>>) dst(%dma_wait3A_50 : memref<512x64xf32, #tpu.memory_space<hbm>>)
    %add3A_51 = arith.constant 25088 : i32
    %add3A_52 = arith.addi %mul3A_2, %add3A_51 : i32
    %dma_wait3A_53 = arith.constant 0 : i32
    %dma_wait3A_54 = tpu.memref_slice %arg4[%add3A_52, %dma_wait3A_53] : memref<819200x128xf32, #tpu.memory_space<hbm>> -> memref<512x64xf32, #tpu.memory_space<hbm>>
    %dma_wait3A_55 = arith.constant 0 : i32
    %dma_wait3A_56 = tpu.memref_slice %arg4[%add3A_52, %dma_wait3A_55] : memref<819200x128xf32, #tpu.memory_space<hbm>> -> memref<512x64xf32, #tpu.memory_space<hbm>>
    tpu.wait_dma2 semaphore(%arg11 : memref<!tpu.dma_semaphore, #tpu.memory_space<semaphore_mem>>) src(%arg7 : memref<512x64xf32, #tpu.memory_space<vmem>>) dst(%dma_wait3A_56 : memref<512x64xf32, #tpu.memory_space<hbm>>)
    return
  }
}

</mosaic_0001>

<sc_bundles>
// kernel: kernel.4.cloned.1.call-start
scs
__scs_entry_jumppad:
0x0: {  	(pc) =	sbr.rel $0x88, $3  }
0x1: {  	(tag) =	ssettag $0x0;
	lr =	simm.s32 $0x1  }
0x2: {  	[smem:$0x3F9F] =	sst lr;
	_ =	strace $0xD0000000  }
0x3: {  	_ = 	snop  }
0x4: {  	_ = 	snop  }
0x5: {  	_ = 	snop  }
0x6: {  	_ = 	snop  }
0x7: {  	_ = 	snop  }
__scs_overlays_trampoline_lowered:
0x8: {  	[smem:$0x3FAE] =	sst s0  }
0x9: {  	[smem:$0x3FAF] =	sst s1  }
0xa: {  	[smem:$0x3FB0] =	sst s2  }
0xb: {  	[smem:$0x3FB1] =	sst s3  }
0xc: {  	[smem:$0x3FB2] =	sst s4  }
0xd: {  	[smem:$0x3FB3] =	sst s5  }
0xe: {  	[smem:$0x3FB4] =	sst s6  }
0xf: {  	[smem:$0x3FB5] =	sst s7  }
0x10: {  	[smem:$0x3FB6] =	sst s8  }
0x11: {  	[smem:$0x3FB7] =	sst s9;
	s0 =	simm.s32 @!p0 $0x0  }
0x12: {  	s1 =	sld [smem:$0x3F9D];
	s0 =	simm.s32 @p0 $0x1  }
0x13: {  	[smem:$0x3FB8] =	sst s0;
	s0 =	simm.s32 @!p1 $0x0  }
0x14: {  	s2 =	sld [smem:$0x3F9C];
	s0 =	simm.s32 @p1 $0x1  }
0x15: {  	[smem:$0x3FB9] =	sst s0;
	s0 =	simm.s32 @!p2 $0x0  }
0x16: {  	s3 =	sld [smem:$0x3FDB];
	s0 =	simm.s32 @p2 $0x1  }
0x17: {  	s4 =	simm.s32 $0x1BF5;
	[smem:$0x3FBB] =	sst s0  }
0x18: {  	s0 =	sld [smem:$0x3F9E];
	_ =	swait.ge [sflag:s4], $0x0  }
0x19: {  	s7 =	sld [smem:$0x3F9F]  }
0x1a: {  	s8 =	sadd.s32 $0xFFFFE003, lr  }
0x1b: {  	s9 =	sadd.s32 $0xFFFFFEF7, lr;
	s5 =	simm.s32 $0xFFFFFFFF;
	p2 =	slt.u32 s8, $0xFFFFF086  }
0x1c: {  	p1 =	slt.u32 s9, $0xF7A;
	s5 =	simm.s32 @!p2 $0x0  }
0x1d: {  	s5 =	simm.s32 @p1 $0x1;
	p0 =	seq.s32 s7, s2  }
0x1e: {  	s7 =	smul.u32 @!p0 $0xF7A, s2;
	p2 =	seq.s32 @!p0 s5, $0x0  }
0x1f: {  	s9 =	smul.u32 $0xF7A, s1;
	s8 =	simm.s32 @!p0 $0x1BF5;
	p2 =	por !p2, p0  }
0x20: {  	[sflag:s8] =	ssyncset.s32 @!p0 $0xFFFFF086;
	s6 =	sadd.s32 @!p0 s3, s7;
	s7 =	simm.s32 @!p0 $0x108  }
0x21: {  	s3 =	sadd.s32 s3, s9;
	s6 =	sadd.s32 @!p0 $0x88, s6;
	s7 =	simm.s32 @p2 $0x1082  }
0x22: {  	[simem:s7], [sflag:s8] =	dma.local @!p0 [hbm:s6], $0xF7A  }
0x23: {  	s9 =	sor.u32 $0xD0000000, s2;
	s6 =	simm.s32 $0x108;
	_ =	swait.ge @!p0 [sflag:s8], $0x0  }
0x24: {  	s3 =	sadd.s32 $0x88, s3;
	s6 =	simm.s32 @!p1 $0x1082;
	[sflag:s4] =	ssyncset.s32 $0xFFFFF086  }
0x25: {  	[simem:s6], [sflag:s4] =	dma.local [hbm:s3], $0xF7A  }
0x26: {  	[smem:$0x3F9F] =	sst s1;
	(tag) =	ssettag s2;
	_ =	strace s9  }
0x27: {  	s1 =	sld [smem:$0x3FAF]  }
0x28: {  	s2 =	sld [smem:$0x3FB0]  }
0x29: {  	s4 =	sld [smem:$0x3FB2]  }
0x2a: {  	p0 =	seq.s32 s5, $0x0;
	s5 =	sld [smem:$0x3FB3]  }
0x2b: {  	s6 =	sld [smem:$0x3FB4]  }
0x2c: {  	s7 =	sld [smem:$0x3FB5]  }
0x2d: {  	s3 =	simm.s32 $0x108;
	s8 =	sld [smem:$0x3FB6]  }
0x2e: {  	s3 =	simm.s32 @!p0 $0x1082;
	s9 =	sld [smem:$0x3FB7]  }
0x2f: {  	lr =	sadd.s32 s0, s3;
	s0 =	sld [smem:$0x3FAE]  }
0x30: {  	s3 =	sld [smem:$0x3FB1]  }
0x31: {  	[smem:$0x3FBA] =	sst s10  }
0x32: {  	s10 =	sld [smem:$0x3FB8];
	_ =	sdelay $0x3  }
0x33: {  	p0 =	seq.s32 s10, $0x1;
	s10 =	sld [smem:$0x3FBA];
	_ =	sdelay $0x3  }
0x34: {  	[smem:$0x3FBA] =	sst s10  }
0x35: {  	s10 =	sld [smem:$0x3FB9];
	_ =	sdelay $0x3  }
0x36: {  	p1 =	seq.s32 s10, $0x1;
	s10 =	sld [smem:$0x3FBA];
	_ =	sdelay $0x3  }
0x37: {  	[smem:$0x3FBA] =	sst s10  }
0x38: {  	s10 =	sld [smem:$0x3FBB]  }
0x39: {  	_ = 	snop;
	(pc) =	sbr.ind lr, $3  }
0x3a: {  	_ = 	snop  }
0x3b: {  	_ = 	snop  }
0x3c: {  	p2 =	seq.s32 s10, $0x1;
	s10 =	sld [smem:$0x3FBA]  }
0x3d: {  	_ =	shalt  }
0x3e: {  	_ =	shalt  }
0x3f: {  	_ =	shalt  }
0x40: {  	_ =	shalt  }
0x41: {  	_ =	shalt  }
0x42: {  	_ =	shalt  }
0x43: {  	_ =	shalt  }
0x44: {  	_ =	shalt  }
0x45: {  	_ =	shalt  }
0x46: {  	_ =	shalt  }
0x47: {  	_ =	shalt  }
0x48: {  	_ =	shalt  }
0x49: {  	_ =	shalt  }
0x4a: {  	_ =	shalt  }
0x4b: {  	_ =	shalt  }
0x4c: {  	_ =	shalt  }
0x4d: {  	_ =	shalt  }
0x4e: {  	_ =	shalt  }
0x4f: {  	_ =	shalt  }
0x50: {  	_ =	shalt  }
0x51: {  	_ =	shalt  }
0x52: {  	_ =	shalt  }
0x53: {  	_ =	shalt  }
0x54: {  	_ =	shalt  }
0x55: {  	_ =	shalt  }
0x56: {  	_ =	shalt  }
0x57: {  	_ =	shalt  }
0x58: {  	_ =	shalt  }
0x59: {  	_ =	shalt  }
0x5a: {  	_ =	shalt  }
0x5b: {  	_ =	shalt  }
0x5c: {  	_ =	shalt  }
0x5d: {  	_ =	shalt  }
0x5e: {  	_ =	shalt  }
0x5f: {  	_ =	shalt  }
0x60: {  	_ =	shalt  }
0x61: {  	_ =	shalt  }
0x62: {  	_ =	shalt  }
0x63: {  	_ =	shalt  }
0x64: {  	_ =	shalt  }
0x65: {  	_ =	shalt  }
0x66: {  	_ =	shalt  }
0x67: {  	_ =	shalt  }
0x68: {  	_ =	shalt  }
0x69: {  	_ =	shalt  }
0x6a: {  	_ =	shalt  }
0x6b: {  	_ =	shalt  }
0x6c: {  	_ =	shalt  }
0x6d: {  	_ =	shalt  }
0x6e: {  	_ =	shalt  }
0x6f: {  	_ =	shalt  }
0x70: {  	_ =	shalt  }
0x71: {  	_ =	shalt  }
0x72: {  	_ =	shalt  }
0x73: {  	_ =	shalt  }
0x74: {  	_ =	shalt  }
0x75: {  	_ =	shalt  }
0x76: {  	_ =	shalt  }
0x77: {  	_ =	shalt  }
0x78: {  	_ =	shalt  }
0x79: {  	_ =	shalt  }
0x7a: {  	_ =	shalt  }
0x7b: {  	_ =	shalt  }
0x7c: {  	_ =	shalt  }
0x7d: {  	_ =	shalt  }
0x7e: {  	_ =	shalt  }
0x7f: {  	_ =	shalt  }
0x80: {  	_ =	shalt  }
0x81: {  	_ =	shalt  }
0x82: {  	_ =	shalt  }
0x83: {  	_ =	shalt  }
0x84: {  	_ =	shalt  }
0x85: {  	_ =	shalt  }
0x86: {  	_ =	shalt  }
0x87: {  	_ =	shalt  }
.Lfunc_end0:
.L_simem_size_0:
called_computation.1_lowered:
.L_overlay_start_0:
0x88: {  	s2 =	sld [smem:$0x3FD9]  }
0x89: {  	s3 =	sld [smem:$0x3FFE];
	_ =	sdelay $0x1  }
0x8a: {  	s1 =	srdreg.scid  }
0x8b: {  	s0 =	sand.u32 $0x1, s1  }
0x8c: {  	s17 =	sshll.u32 s0, $0xA;
	s2 =	sadd.s32 s3, s2  }
0x8d: {  	s2 =	sadd.s32 s2, s17  }
0x8e: {  	[smem:$0x3FC6] =	sst s2  }
0x8f: {  	_ = 	snop  }
0x90: {  	s2 =	sld [smem:$0x3FC8];
	(tm) =	ssettm $0x1  }
0x91: {  	s18 =	sld [smem:$0x3FFB];
	_ =	sdelay $0x3  }
0x92: {  	_ =	strace s18  }
0x93: {  	s3 =	sld [smem:$0x3FFC];
	_ =	sdelay $0x3  }
0x94: {  	_ =	strace s3  }
0x95: {  	s3 =	sld [smem:$0x3FFD];
	_ =	sdelay $0x3  }
0x96: {  	_ =	strace s3  }
0x97: {  	_ =	strace $0x8FFFFFFF  }
0x98: {  	s19 =	sld [smem:$0x3FDB];
	_ =	sdelay $0x1  }
0x99: {  	s4 =	simm.s32 $_scs_section_size  }
0x9a: {  	s5 =	simm.s32 $_size__tile_overlayer_lowered;
	s6 =	simm.s32 $_tile_overlayer_lowered  }
0x9b: {  	s22 =	simm.s32 $0x1BFF;
	s21 =	sshll.u32 s6, $0x1;
	s3 =	sadd.s32 s4, s19  }
0x9c: {  	s7 =	simm.s32 $0x0;
	s20 =	sshll.u32 s5, $0x1;
	s5 =	sadd.s32 s21, s3  }
0x9d: {  	[timem:s7], [sflag:s22] =	dma.local [hbm:s5], s20  }
0x9e: {  	_ =	swait.ge [sflag:s22], s20  }
0x9f: {  	s4 =	ssub.s32 $0x0, s20;
	[sflag:s22] =	ssyncset.done $0x0  }
0xa0: {  	[sflag:s22] =	ssyncadd.s32 s4;
	_ =	sdelay $0x1  }
0xa1: {  	s23 =	simm.s32 $0x1B8B  }
0xa2: {  	_ =	swait.ge [sflag:s23], $0x1  }
0xa3: {  	[sflag:s23] =	ssyncset.done $0x0  }
0xa4: {  	s25 =	simm.s32 $0x1B8E;
	s24 =	sld [smem:$0x3FFE];
	[sflag:s23] =	ssyncadd.s32 $0xFFFFFFFF  }
0xa5: {  	s26 =	simm.s32 $execute0_lowered;
	[smem:$0x3FD2] =	sst s25  }
0xa6: {  	s5 =	sshll.u32 s26, $0x1;
	_ =	strace $0x80000046;
	[dreg:$0x1] =	wrdreg $0xFFFFFFFF  }
0xa7: {  	s28 =	simm.s32 $_size_execute0_lowered;
	s3 =	sadd.s32 s3, s5;
	[dreg:$0x0] =	wrdreg $0x0  }
0xa8: {  	s5 =	sshll.u32 s28, $0x1;
	[dreg:$0x2] =	wrdreg s3  }
0xa9: {  	[dreg:$0x3] =	wrdreg s5  }
0xaa: {  	[dreg:$0x4] =	wrdreg $0xC0  }
0xab: {  	_ =	task [dreg:s7], $0x5FFFF  }
0xac: {  	[dreg:$0x1] =	wrdreg $0xFFFFFFFF  }
0xad: {  	[dreg:$0x0] =	wrdreg $0x60  }
0xae: {  	[dreg:$0x2] =	wrdreg s2  }
0xaf: {  	[dreg:$0x3] =	wrdreg s24  }
0xb0: {  	[dreg:$0x4] =	wrdreg $0x9  }
0xb1: {  	_ =	task.clear_ibuf [dreg:s7], $0x5FFFF;
	_ =	strace $0x90000046  }
0xb2: {  	s29 =	simm.s32 $0x9;
	_ =	strace $0x80000048  }
0xb3: {  	_ =	swait.ge [sflag:s29], $0x1  }
0xb4: {  	[sflag:s29] =	ssyncadd.s32 $0xFFFFFFFF  }
0xb5: {  	_ =	strace $0x90000048  }
0xb6: {  	_ =	sfence  }
0xb7: {  	s30 =	sld [smem:$0x0];
	_ =	sdelay $0x2  }
0xb8: {  	s31 =	sshll.u32 s1, $0xD;
	s1 =	sshrl.u32 s1, $0x2  }
0xb9: {  	s3 =	sand.u32 $0x4000, s31;
	s1 =	sadd.s32 s1, s30  }
0xba: {  	s0 =	sor.u32 s3, s0;
	s1 =	sshll.u32 s1, $0x11  }
0xbb: {  	s0 =	sor.u32 s1, s0  }
0xbc: {  	s0 =	sadd.s32 $0x8F2B, s0  }
0xbd: {  	[sflag:s0] =	ssyncadd.remote.s32 $0x1  }
0xbe: {  	_ =	sfence.sel $0xFFFF  }
0xbf: {  	[dreg:$0x0] =	wrdreg $0xFFFFFFFF;
	(pc) =	sbr.abs _section_cstart, $3  }
0xc0: {  	[dreg:$0x1] =	wrdreg $0xFFFFFFFF  }
0xc1: {  	_ =	task.clear_ibuf [dreg:s7], $0x2FFFF;
	_ =	strace $0x9FFFFFFF  }
0xc2: {  	(tm) =	ssettm $0x7FFFFFFF  }
0xc3: {  	_ =	shalt  }
tec
execute0_lowered:
.L_overlay_start_1:
0x0: {  	(tag) =	ssettag $0x1  }
0x1: {  	v0 =	vlaneseq.u32  }
0x2: {  	v1 =	vmul.u32 $0x40, v0;
	v2 =	vor.u32 $0x10, v0  }
0x3: {  	s0 =	rddreg [dreg:$0x0];
	v4 =	vor.u32 $0x20, v0;
	v6 =	vor.u32 $0x30, v0;
	v8 =	vor.u32 $0x40, v0  }
0x4: {  	s9 =	rddreg [dreg:$0x1];
	v10 =	vor.u32 $0x50, v0;
	v12 =	vor.u32 $0x60, v0;
	v14 =	vor.u32 $0x70, v0  }
0x5: {  	s1 =	rddreg [dreg:$0x2];
	v16 =	vor.u32 $0x400, v0;
	v18 =	vor.u32 $0x410, v0;
	v20 =	vor.u32 $0x420, v0  }
0x6: {  	s4 =	srdreg.scid;
	s2 =	stileid.u32;
	v22 =	vor.u32 $0x430, v0;
	v24 =	vor.u32 $0x440, v0;
	v26 =	vor.u32 $0x450, v0  }
0x7: {  	s3 =	simm.s32 $0x0;
	s11 =	simm.s32 $0x4;
	s13 =	simm.s32 $0xC00;
	v28 =	vor.u32 $0x460, v0;
	v30 =	vor.u32 $0x470, v0;
	v32 =	vor.u32 $0x800, v0  }
0x8: {  	s14 =	simm.s32 $0x7A1400;
	s15 =	simm.s32 $0x2;
	s16 =	simm.s32 $0x6000;
	v34 =	vor.u32 $0x810, v0;
	v36 =	vor.u32 $0x820, v0;
	v38 =	vor.u32 $0x830, v0  }
0x9: {  	s17 =	simm.s32 $0x12000;
	s18 =	simm.s32 $0x1;
	s19 =	simm.s32 $0xC000;
	v40 =	vor.u32 $0x840, v0;
	v42 =	vor.u32 $0x850, v0;
	v44 =	vor.u32 $0x860, v0  }
0xa: {  	s20 =	simm.s32 $0x0;
	s5 =	sand.u32 $0x1, s4;
	s30 =	sshll.u32 s2, $0x1;
	v46 =	vor.u32 $0x870, v0;
	v3 =	vor.u32 $0x400, v1;
	v5 =	vor.u32 $0x800, v1  }
0xb: {  	[smem:$0x7FF] =	sst s3;
	s6 =	sadd.s32 $0x1000, s9;
	s4 =	sor.u32 s5, s30;
	v7 =	vor.u32 $0xC00, v1;
	v9 =	vor.u32 $0x1000, v1;
	v11 =	vor.u32 $0x1400, v1  }
0xc: {  	_ =	strace $0x80000047;
	s7 =	ssub.s32 $0x2, s5;
	v13 =	vor.u32 $0x1800, v1;
	v15 =	vor.u32 $0x1C00, v1;
	v17 =	vor.u32 $0x2000, v1;
	s8 =	smul.u32 $0x180, s4  }
.Ltmp0:
0xd: {  	s5 =	sadd.s32 $0xE00, s9;
	v19 =	vor.u32 $0x2400, v1;
	v21 =	vor.u32 $0x2800, v1;
	v23 =	vor.u32 $0x2C00, v1;
	s10 =	sshrl.u32 s7, $0x1;
	(pc) =	sbr.rel .LBB2_1-.Ltmp0, $4  }
0xe: {  	s9 =	sadd.s32 $0x7A2000, s9;
	v25 =	vor.u32 $0x3000, v1;
	s31 =	ssub.s32 $0xB, s4;
	v27 =	vor.u32 $0x3400, v1;
	v29 =	vor.u32 $0x3800, v1;
	s12 =	ssub.s32 s7, s10  }
0xf: {  	v31 =	vor.u32 $0x3C00, v1;
	v33 =	vor.u32 $0x4000, v1;
	v35 =	vor.u32 $0x4400, v1;
	s10 =	sand.u32 $0x20, s31;
	s7 =	sadd.s32 s0, s8;
	s8 =	sor.u32 $0x20, s4  }
0x10: {  	v37 =	vor.u32 $0x4800, v1;
	v39 =	vor.u32 $0x4C00, v1;
	v41 =	vor.u32 $0x5000, v1;
	p0 =	seq.s32 s10, $0x0;
	s10 =	simm.s32 $0x3;
	s12 =	smax.u32 s12, $0x1  }
0x11: {  	v43 =	vor.u32 $0x5400, v1;
	v45 =	vor.u32 $0x5800, v1;
	v47 =	vor.u32 $0x5C00, v1;
	s10 =	simm.s32 @!p0 $0x4;
	s11 =	simm.s32 @!p0 $0x3;
	p0 =	sne.s32 s4, $0x0  }
.LBB2_11:
0x12: {  	_ =	swait.ge [sflag:s10], $0x6000  }
0x13: {  	[sflag:s10] =	ssyncset.done $0x0  }
0x14: {  	[sflag:s10] =	ssyncadd.s32 $0xFFFFA000  }
0x15: {  	_ =	swait.ge [sflag:s11], $0x6000  }
0x16: {  	s21 =	simm.s32 @!p0 $0x0;
	[sflag:s11] =	ssyncset.done $0x0  }
0x17: {  	s22 =	simm.s32 @!p0 $0x18000;
	s23 =	simm.s32 @!p0 $0x5;
	[sflag:s11] =	ssyncadd.s32 $0xFFFFA000  }
0x18: {  	[tilespmem:s22], [sflag:$0x5] =	stream.linear.gather @!p0 [hbm4b:s5+s21], $0x1000, $0x38;
	[tilespmem:$0x19000] =	vst v63  }
0x19: {  	s20 =	sadd.s32 $0x1, s20;
	_ =	swait.ge @!p0 [sflag:s23], $0x1000  }
0x1a: {  	p1 =	sne.s32 s20, s12;
	[sflag:s23] =	ssyncset.done @!p0 $0x0  }
.Ltmp1:
0x1b: {  	[sflag:s23] =	ssyncadd.s32 @!p0 $0xFFFFF000;
	(pc) =	sbr.rel @!p1 .LBB2_12-.Ltmp1, $4  }
0x1c: {  	[hbm4b:s9+s21] =	stream.linear.scatter @!p0 [tilespmem:s22], [sflag:$0x5], $0x1000, $0x38;
	[tilespmem:$0x19000] =	vst v63  }
0x1d: {  	_ =	swait.ge @!p0 [sflag:s23], $0x1000  }
0x1e: {  	[sflag:s23] =	ssyncset.done @!p0 $0x0  }
0x1f: {  	[sflag:s23] =	ssyncadd.s32 @!p0 $0xFFFFF000  }
.LBB2_1:
.Ltmp2:
0x20: {  	(pc) =	sbr.rel .LBB2_2-.Ltmp2, $3  }
0x21: {  	_ =	sdelay $0x1  }
0x22: {  	[tilespmem:s3], [sflag:$0x1] =	stream.strided.gather [hbm4b:s7+s13], $0x6000, s14, s13, $0x38;
	[tilespmem:$0x19000] =	vst v63  }
0x23: {  	s21 =	simm.s32 $0x0  }
.LBB2_6:
0x24: {  	s22 =	smul.u32 $0xC00, s22;
	_ =	sdelay $0x1  }
0x25: {  	s22 =	sadd.s32 s6, s22  }
0x26: {  	[hbm4b:s22+s3] =	stream.linear.scatter [tilespmem:s19], [sflag:$0x3], $0x6000, $0x38;
	[tilespmem:$0x19000] =	vst v63  }
.LBB2_10:
0x27: {  	s21 =	sadd.s32 $0x1, s21  }
0x28: {  	p1 =	sne.s32 s21, $0x52  }
.Ltmp3:
0x29: {  	_ = 	snop;
	(pc) =	sbr.rel @!p1 .LBB2_11-.Ltmp3, $1  }
0x2a: {  	_ =	sdelay $0x3  }
.LBB2_2:
0x2b: {  	s23 =	sshll.u32 s21, $0x5  }
0x2c: {  	s22 =	sor.u32 s4, s23  }
0x2d: {  	p1 =	sgt.u32 s22, $0xA2B  }
.Ltmp4:
0x2e: {  	_ = 	snop;
	(pc) =	sbr.rel @p1 .LBB2_10-.Ltmp4, $1  }
0x2f: {  	_ =	sdelay $0x3  }
0x30: {  	s24 =	sand.u32 $0x1, s21  }
0x31: {  	p2 =	seq.s32 s24, $0x1  }
.Ltmp5:
0x32: {  	_ = 	snop;
	(pc) =	sbr.rel @!p2 .LBB2_4-.Ltmp5, $2  }
0x33: {  	_ =	sdelay $0x2  }
0x34: {  	p1 =	slt.u32 s21, $0x2  }
0x35: {  	_ =	swait.ge [sflag:s15], $0x6000  }
0x36: {  	s23 =	sadd.s32 s8, s23;
	[sflag:s15] =	ssyncset.done $0x0  }
0x37: {  	s24 =	simm.s32 @!p1 $0x4;
	p2 =	sgt.u32 s23, $0xA2B;
	[sflag:s15] =	ssyncadd.s32 $0xFFFFA000  }
0x38: {  	s23 =	smul.u32 @!p2 $0x180, s23;
	_ =	swait.ge @!p1 [sflag:s24], $0x6000  }
0x39: {  	s25 =	simm.s32 @!p2 $0x7A1400;
	s26 =	simm.s32 @!p2 $0x0;
	[sflag:s24] =	ssyncset.done @!p1 $0x0  }
0x3a: {  	s23 =	sadd.s32 @!p2 s0, s23;
	[sflag:s24] =	ssyncadd.s32 @!p1 $0xFFFFA000;
	s24 =	simm.s32 @!p2 $0xC00  }
0x3b: {  	[tilespmem:s26], [sflag:$0x1] =	stream.strided.gather @!p2 [hbm4b:s23+s24], $0x6000, s25, s24, $0x38;
	[tilespmem:$0x19000] =	vst v63  }
0x3c: {  	s23 =	simm.s32 $0x0  }
.LBB2_8:
0x3d: {  	v48 =	vadd.s32 s23, v0  }
0x3e: {  	v49 =	vand.u32 $0x3F, v48  }
0x3f: {  	v50 =	vshrl.u32 v49, $0x3  }
0x40: {  	v48 =	vshll.u32 v48, $0x7;
	v50 =	vmul.u32 $0xC00, v50  }
0x41: {  	v48 =	vand.u32 $0x380, v48  }
0x42: {  	v48 =	vor.u32 v48, v50  }
0x43: {  	v50 =	vor.u32 v0, v48;
	_ =	sdelay $0x4  }
0x44: {  	v51 =	vor.u32 v1, v49;
	v50 =	vld.idx.msk [tilespmem:v50+s16+$0x0], $0xffff  }
0x45: {  	v52 =	vor.u32 v2, v48;
	_ =	sdelay $0x3  }
0x46: {  	[tilespmem:v51+s17+$0x0] =	vst.idx.msk $0xffff, v50  }
0x47: {  	v60 =	vor.u32 v3, v49;
	v50 =	vld.idx.msk [tilespmem:v52+s16+$0x0], $0xffff  }
0x48: {  	v61 =	vor.u32 v4, v48;
	_ =	sdelay $0x3  }
0x49: {  	[tilespmem:v60+s17+$0x0] =	vst.idx.msk $0xffff, v50  }
0x4a: {  	v62 =	vor.u32 v5, v49;
	v50 =	vld.idx.msk [tilespmem:v61+s16+$0x0], $0xffff  }
0x4b: {  	v63 =	vor.u32 v6, v48;
	_ =	sdelay $0x3  }
0x4c: {  	[tilespmem:v62+s17+$0x0] =	vst.idx.msk $0xffff, v50  }
0x4d: {  	v56 =	vor.u32 v7, v49;
	v50 =	vld.idx.msk [tilespmem:v63+s16+$0x0], $0xffff  }
0x4e: {  	v57 =	vor.u32 v8, v48;
	_ =	sdelay $0x3  }
0x4f: {  	[tilespmem:v56+s17+$0x0] =	vst.idx.msk $0xffff, v50  }
0x50: {  	v58 =	vor.u32 v9, v49;
	v50 =	vld.idx.msk [tilespmem:v57+s16+$0x0], $0xffff  }
0x51: {  	v59 =	vor.u32 v10, v48;
	_ =	sdelay $0x3  }
0x52: {  	[tilespmem:v58+s17+$0x0] =	vst.idx.msk $0xffff, v50  }
0x53: {  	v60 =	vor.u32 v11, v49;
	v50 =	vld.idx.msk [tilespmem:v59+s16+$0x0], $0xffff  }
0x54: {  	v61 =	vor.u32 v12, v48;
	_ =	sdelay $0x3  }
0x55: {  	[tilespmem:v60+s17+$0x0] =	vst.idx.msk $0xffff, v50  }
0x56: {  	v62 =	vor.u32 v13, v49;
	v50 =	vld.idx.msk [tilespmem:v61+s16+$0x0], $0xffff  }
0x57: {  	v63 =	vor.u32 v14, v48;
	_ =	sdelay $0x3  }
0x58: {  	[tilespmem:v62+s17+$0x0] =	vst.idx.msk $0xffff, v50  }
0x59: {  	v56 =	vor.u32 v15, v49;
	v50 =	vld.idx.msk [tilespmem:v63+s16+$0x0], $0xffff  }
0x5a: {  	v57 =	vadd.s32 v16, v48;
	_ =	sdelay $0x3  }
0x5b: {  	[tilespmem:v56+s17+$0x0] =	vst.idx.msk $0xffff, v50  }
0x5c: {  	v58 =	vor.u32 v17, v49;
	v50 =	vld.idx.msk [tilespmem:v57+s16+$0x0], $0xffff  }
0x5d: {  	v59 =	vadd.s32 v18, v48;
	_ =	sdelay $0x3  }
0x5e: {  	[tilespmem:v58+s17+$0x0] =	vst.idx.msk $0xffff, v50  }
0x5f: {  	v60 =	vor.u32 v19, v49;
	v50 =	vld.idx.msk [tilespmem:v59+s16+$0x0], $0xffff  }
0x60: {  	v61 =	vadd.s32 v20, v48;
	_ =	sdelay $0x3  }
0x61: {  	[tilespmem:v60+s17+$0x0] =	vst.idx.msk $0xffff, v50  }
0x62: {  	v62 =	vor.u32 v21, v49;
	v50 =	vld.idx.msk [tilespmem:v61+s16+$0x0], $0xffff  }
0x63: {  	v63 =	vadd.s32 v22, v48;
	_ =	sdelay $0x3  }
0x64: {  	[tilespmem:v62+s17+$0x0] =	vst.idx.msk $0xffff, v50  }
0x65: {  	v56 =	vor.u32 v23, v49;
	v50 =	vld.idx.msk [tilespmem:v63+s16+$0x0], $0xffff  }
0x66: {  	v57 =	vadd.s32 v24, v48;
	_ =	sdelay $0x3  }
0x67: {  	[tilespmem:v56+s17+$0x0] =	vst.idx.msk $0xffff, v50  }
0x68: {  	v58 =	vor.u32 v25, v49;
	v50 =	vld.idx.msk [tilespmem:v57+s16+$0x0], $0xffff  }
0x69: {  	v59 =	vadd.s32 v26, v48;
	_ =	sdelay $0x3  }
0x6a: {  	[tilespmem:v58+s17+$0x0] =	vst.idx.msk $0xffff, v50  }
0x6b: {  	v60 =	vor.u32 v27, v49;
	v50 =	vld.idx.msk [tilespmem:v59+s16+$0x0], $0xffff  }
0x6c: {  	v61 =	vadd.s32 v28, v48;
	_ =	sdelay $0x3  }
0x6d: {  	[tilespmem:v60+s17+$0x0] =	vst.idx.msk $0xffff, v50  }
0x6e: {  	v62 =	vor.u32 v29, v49;
	v50 =	vld.idx.msk [tilespmem:v61+s16+$0x0], $0xffff  }
0x6f: {  	v63 =	vadd.s32 v30, v48;
	_ =	sdelay $0x3  }
0x70: {  	[tilespmem:v62+s17+$0x0] =	vst.idx.msk $0xffff, v50  }
0x71: {  	v56 =	vor.u32 v31, v49;
	v50 =	vld.idx.msk [tilespmem:v63+s16+$0x0], $0xffff  }
0x72: {  	v57 =	vadd.s32 v32, v48;
	_ =	sdelay $0x3  }
0x73: {  	[tilespmem:v56+s17+$0x0] =	vst.idx.msk $0xffff, v50  }
0x74: {  	v58 =	vor.u32 v33, v49;
	v50 =	vld.idx.msk [tilespmem:v57+s16+$0x0], $0xffff  }
0x75: {  	v59 =	vadd.s32 v34, v48;
	_ =	sdelay $0x3  }
0x76: {  	[tilespmem:v58+s17+$0x0] =	vst.idx.msk $0xffff, v50  }
0x77: {  	v60 =	vor.u32 v35, v49;
	v50 =	vld.idx.msk [tilespmem:v59+s16+$0x0], $0xffff  }
0x78: {  	v61 =	vadd.s32 v36, v48;
	_ =	sdelay $0x3  }
0x79: {  	[tilespmem:v60+s17+$0x0] =	vst.idx.msk $0xffff, v50  }
0x7a: {  	v62 =	vor.u32 v37, v49;
	v50 =	vld.idx.msk [tilespmem:v61+s16+$0x0], $0xffff  }
0x7b: {  	v63 =	vadd.s32 v38, v48;
	_ =	sdelay $0x3  }
0x7c: {  	[tilespmem:v62+s17+$0x0] =	vst.idx.msk $0xffff, v50  }
0x7d: {  	v56 =	vor.u32 v39, v49;
	v50 =	vld.idx.msk [tilespmem:v63+s16+$0x0], $0xffff  }
0x7e: {  	v57 =	vadd.s32 v40, v48;
	_ =	sdelay $0x3  }
0x7f: {  	[tilespmem:v56+s17+$0x0] =	vst.idx.msk $0xffff, v50  }
0x80: {  	v58 =	vor.u32 v41, v49;
	v50 =	vld.idx.msk [tilespmem:v57+s16+$0x0], $0xffff  }
0x81: {  	v59 =	vadd.s32 v42, v48;
	_ =	sdelay $0x3  }
0x82: {  	[tilespmem:v58+s17+$0x0] =	vst.idx.msk $0xffff, v50  }
0x83: {  	v60 =	vor.u32 v43, v49;
	v50 =	vld.idx.msk [tilespmem:v59+s16+$0x0], $0xffff  }
0x84: {  	v61 =	vadd.s32 v44, v48;
	_ =	sdelay $0x3  }
0x85: {  	[tilespmem:v60+s17+$0x0] =	vst.idx.msk $0xffff, v50  }
0x86: {  	s24 =	sadd.s32 $0x1, s23;
	v62 =	vor.u32 v45, v49;
	v50 =	vld.idx.msk [tilespmem:v61+s16+$0x0], $0xffff  }
0x87: {  	v48 =	vadd.s32 v46, v48;
	v63 =	vadd.s32 s24, v0  }
0x88: {  	v53 =	vand.u32 $0x3F, v63  }
0x89: {  	v54 =	vshrl.u32 v53, $0x3  }
0x8a: {  	v52 =	vshll.u32 v63, $0x7;
	v54 =	vmul.u32 $0xC00, v54  }
0x8b: {  	v52 =	vand.u32 $0x380, v52;
	[tilespmem:v62+s17+$0x0] =	vst.idx.msk $0xffff, v50  }
0x8c: {  	v49 =	vor.u32 v47, v49;
	v50 =	vor.u32 v52, v54;
	v48 =	vld.idx.msk [tilespmem:v48+s16+$0x0], $0xffff  }
0x8d: {  	v55 =	vor.u32 v0, v50;
	_ =	sdelay $0x3  }
0x8e: {  	[tilespmem:v49+s17+$0x0] =	vst.idx.msk $0xffff, v48  }
0x8f: {  	v56 =	vor.u32 v1, v53;
	v48 =	vld.idx.msk [tilespmem:v55+s16+$0x0], $0xffff  }
0x90: {  	v57 =	vor.u32 v2, v50;
	_ =	sdelay $0x3  }
0x91: {  	[tilespmem:v56+s17+$0x0] =	vst.idx.msk $0xffff, v48  }
0x92: {  	v58 =	vor.u32 v3, v53;
	v48 =	vld.idx.msk [tilespmem:v57+s16+$0x0], $0xffff  }
0x93: {  	v59 =	vor.u32 v4, v50;
	_ =	sdelay $0x3  }
0x94: {  	[tilespmem:v58+s17+$0x0] =	vst.idx.msk $0xffff, v48  }
0x95: {  	v60 =	vor.u32 v5, v53;
	v48 =	vld.idx.msk [tilespmem:v59+s16+$0x0], $0xffff  }
0x96: {  	v61 =	vor.u32 v6, v50;
	_ =	sdelay $0x3  }
0x97: {  	[tilespmem:v60+s17+$0x0] =	vst.idx.msk $0xffff, v48  }
0x98: {  	v62 =	vor.u32 v7, v53;
	v48 =	vld.idx.msk [tilespmem:v61+s16+$0x0], $0xffff  }
0x99: {  	v63 =	vor.u32 v8, v50;
	_ =	sdelay $0x3  }
0x9a: {  	[tilespmem:v62+s17+$0x0] =	vst.idx.msk $0xffff, v48  }
0x9b: {  	v54 =	vor.u32 v9, v53;
	v48 =	vld.idx.msk [tilespmem:v63+s16+$0x0], $0xffff  }
0x9c: {  	v55 =	vor.u32 v10, v50;
	_ =	sdelay $0x3  }
0x9d: {  	[tilespmem:v54+s17+$0x0] =	vst.idx.msk $0xffff, v48  }
0x9e: {  	v56 =	vor.u32 v11, v53;
	v48 =	vld.idx.msk [tilespmem:v55+s16+$0x0], $0xffff  }
0x9f: {  	v57 =	vor.u32 v12, v50;
	_ =	sdelay $0x3  }
0xa0: {  	[tilespmem:v56+s17+$0x0] =	vst.idx.msk $0xffff, v48  }
0xa1: {  	v58 =	vor.u32 v13, v53;
	v48 =	vld.idx.msk [tilespmem:v57+s16+$0x0], $0xffff  }
0xa2: {  	v59 =	vor.u32 v14, v50;
	_ =	sdelay $0x3  }
0xa3: {  	[tilespmem:v58+s17+$0x0] =	vst.idx.msk $0xffff, v48  }
0xa4: {  	v60 =	vor.u32 v15, v53;
	v48 =	vld.idx.msk [tilespmem:v59+s16+$0x0], $0xffff  }
0xa5: {  	v61 =	vadd.s32 v16, v50;
	_ =	sdelay $0x3  }
0xa6: {  	[tilespmem:v60+s17+$0x0] =	vst.idx.msk $0xffff, v48  }
0xa7: {  	v62 =	vor.u32 v17, v53;
	v48 =	vld.idx.msk [tilespmem:v61+s16+$0x0], $0xffff  }
0xa8: {  	v63 =	vadd.s32 v18, v50;
	_ =	sdelay $0x3  }
0xa9: {  	[tilespmem:v62+s17+$0x0] =	vst.idx.msk $0xffff, v48  }
0xaa: {  	v54 =	vor.u32 v19, v53;
	v48 =	vld.idx.msk [tilespmem:v63+s16+$0x0], $0xffff  }
0xab: {  	v55 =	vadd.s32 v20, v50;
	_ =	sdelay $0x3  }
0xac: {  	[tilespmem:v54+s17+$0x0] =	vst.idx.msk $0xffff, v48  }
0xad: {  	v56 =	vor.u32 v21, v53;
	v48 =	vld.idx.msk [tilespmem:v55+s16+$0x0], $0xffff  }
0xae: {  	v57 =	vadd.s32 v22, v50;
	_ =	sdelay $0x3  }
0xaf: {  	[tilespmem:v56+s17+$0x0] =	vst.idx.msk $0xffff, v48  }
0xb0: {  	v58 =	vor.u32 v23, v53;
	v48 =	vld.idx.msk [tilespmem:v57+s16+$0x0], $0xffff  }
0xb1: {  	v59 =	vadd.s32 v24, v50;
	_ =	sdelay $0x3  }
0xb2: {  	[tilespmem:v58+s17+$0x0] =	vst.idx.msk $0xffff, v48  }
0xb3: {  	v60 =	vor.u32 v25, v53;
	v48 =	vld.idx.msk [tilespmem:v59+s16+$0x0], $0xffff  }
0xb4: {  	v61 =	vadd.s32 v26, v50;
	_ =	sdelay $0x3  }
0xb5: {  	[tilespmem:v60+s17+$0x0] =	vst.idx.msk $0xffff, v48  }
0xb6: {  	v62 =	vor.u32 v27, v53;
	v48 =	vld.idx.msk [tilespmem:v61+s16+$0x0], $0xffff  }
0xb7: {  	v63 =	vadd.s32 v28, v50;
	_ =	sdelay $0x3  }
0xb8: {  	[tilespmem:v62+s17+$0x0] =	vst.idx.msk $0xffff, v48  }
0xb9: {  	v54 =	vor.u32 v29, v53;
	v48 =	vld.idx.msk [tilespmem:v63+s16+$0x0], $0xffff  }
0xba: {  	v55 =	vadd.s32 v30, v50;
	_ =	sdelay $0x3  }
0xbb: {  	[tilespmem:v54+s17+$0x0] =	vst.idx.msk $0xffff, v48  }
0xbc: {  	v56 =	vor.u32 v31, v53;
	v48 =	vld.idx.msk [tilespmem:v55+s16+$0x0], $0xffff  }
0xbd: {  	v57 =	vadd.s32 v32, v50;
	_ =	sdelay $0x3  }
0xbe: {  	[tilespmem:v56+s17+$0x0] =	vst.idx.msk $0xffff, v48  }
0xbf: {  	v58 =	vor.u32 v33, v53;
	v48 =	vld.idx.msk [tilespmem:v57+s16+$0x0], $0xffff  }
0xc0: {  	v59 =	vadd.s32 v34, v50;
	_ =	sdelay $0x3  }
0xc1: {  	[tilespmem:v58+s17+$0x0] =	vst.idx.msk $0xffff, v48  }
0xc2: {  	v60 =	vor.u32 v35, v53;
	v48 =	vld.idx.msk [tilespmem:v59+s16+$0x0], $0xffff  }
0xc3: {  	v61 =	vadd.s32 v36, v50;
	_ =	sdelay $0x3  }
0xc4: {  	[tilespmem:v60+s17+$0x0] =	vst.idx.msk $0xffff, v48  }
0xc5: {  	v62 =	vor.u32 v37, v53;
	v48 =	vld.idx.msk [tilespmem:v61+s16+$0x0], $0xffff  }
0xc6: {  	v63 =	vadd.s32 v38, v50;
	_ =	sdelay $0x3  }
0xc7: {  	[tilespmem:v62+s17+$0x0] =	vst.idx.msk $0xffff, v48  }
0xc8: {  	v54 =	vor.u32 v39, v53;
	v48 =	vld.idx.msk [tilespmem:v63+s16+$0x0], $0xffff  }
0xc9: {  	v55 =	vadd.s32 v40, v50;
	_ =	sdelay $0x3  }
0xca: {  	[tilespmem:v54+s17+$0x0] =	vst.idx.msk $0xffff, v48  }
0xcb: {  	v56 =	vor.u32 v41, v53;
	v48 =	vld.idx.msk [tilespmem:v55+s16+$0x0], $0xffff  }
0xcc: {  	v57 =	vadd.s32 v42, v50;
	_ =	sdelay $0x3  }
0xcd: {  	[tilespmem:v56+s17+$0x0] =	vst.idx.msk $0xffff, v48  }
0xce: {  	v58 =	vor.u32 v43, v53;
	v48 =	vld.idx.msk [tilespmem:v57+s16+$0x0], $0xffff  }
0xcf: {  	v59 =	vadd.s32 v44, v50;
	_ =	sdelay $0x3  }
0xd0: {  	[tilespmem:v58+s17+$0x0] =	vst.idx.msk $0xffff, v48  }
0xd1: {  	s30 =	sadd.s32 $0x2, s23;
	v60 =	vor.u32 v45, v53;
	v48 =	vld.idx.msk [tilespmem:v59+s16+$0x0], $0xffff  }
0xd2: {  	v50 =	vadd.s32 v46, v50;
	v61 =	vadd.s32 s30, v0  }
0xd3: {  	v52 =	vand.u32 $0x3F, v61  }
0xd4: {  	v62 =	vshrl.u32 v52, $0x3  }
0xd5: {  	v51 =	vshll.u32 v61, $0x7;
	v54 =	vmul.u32 $0xC00, v62  }
0xd6: {  	v63 =	vand.u32 $0x380, v51;
	[tilespmem:v60+s17+$0x0] =	vst.idx.msk $0xffff, v48  }
0xd7: {  	v55 =	vor.u32 v47, v53;
	v48 =	vor.u32 v63, v54;
	v49 =	vld.idx.msk [tilespmem:v50+s16+$0x0], $0xffff  }
0xd8: {  	v56 =	vor.u32 v0, v48;
	_ =	sdelay $0x3  }
0xd9: {  	[tilespmem:v55+s17+$0x0] =	vst.idx.msk $0xffff, v49  }
0xda: {  	v57 =	vor.u32 v1, v52;
	v49 =	vld.idx.msk [tilespmem:v56+s16+$0x0], $0xffff  }
0xdb: {  	v58 =	vor.u32 v2, v48;
	_ =	sdelay $0x3  }
0xdc: {  	[tilespmem:v57+s17+$0x0] =	vst.idx.msk $0xffff, v49  }
0xdd: {  	v59 =	vor.u32 v3, v52;
	v49 =	vld.idx.msk [tilespmem:v58+s16+$0x0], $0xffff  }
0xde: {  	v60 =	vor.u32 v4, v48;
	_ =	sdelay $0x3  }
0xdf: {  	[tilespmem:v59+s17+$0x0] =	vst.idx.msk $0xffff, v49  }
0xe0: {  	v61 =	vor.u32 v5, v52;
	v49 =	vld.idx.msk [tilespmem:v60+s16+$0x0], $0xffff  }
0xe1: {  	v62 =	vor.u32 v6, v48;
	_ =	sdelay $0x3  }
0xe2: {  	[tilespmem:v61+s17+$0x0] =	vst.idx.msk $0xffff, v49  }
0xe3: {  	v63 =	vor.u32 v7, v52;
	v49 =	vld.idx.msk [tilespmem:v62+s16+$0x0], $0xffff  }
0xe4: {  	v54 =	vor.u32 v8, v48;
	_ =	sdelay $0x3  }
0xe5: {  	[tilespmem:v63+s17+$0x0] =	vst.idx.msk $0xffff, v49  }
0xe6: {  	v55 =	vor.u32 v9, v52;
	v49 =	vld.idx.msk [tilespmem:v54+s16+$0x0], $0xffff  }
0xe7: {  	v56 =	vor.u32 v10, v48;
	_ =	sdelay $0x3  }
0xe8: {  	[tilespmem:v55+s17+$0x0] =	vst.idx.msk $0xffff, v49  }
0xe9: {  	v57 =	vor.u32 v11, v52;
	v49 =	vld.idx.msk [tilespmem:v56+s16+$0x0], $0xffff  }
0xea: {  	v58 =	vor.u32 v12, v48;
	_ =	sdelay $0x3  }
0xeb: {  	[tilespmem:v57+s17+$0x0] =	vst.idx.msk $0xffff, v49  }
0xec: {  	v59 =	vor.u32 v13, v52;
	v49 =	vld.idx.msk [tilespmem:v58+s16+$0x0], $0xffff  }
0xed: {  	v60 =	vor.u32 v14, v48;
	_ =	sdelay $0x3  }
0xee: {  	[tilespmem:v59+s17+$0x0] =	vst.idx.msk $0xffff, v49  }
0xef: {  	v61 =	vor.u32 v15, v52;
	v49 =	vld.idx.msk [tilespmem:v60+s16+$0x0], $0xffff  }
0xf0: {  	v62 =	vadd.s32 v16, v48;
	_ =	sdelay $0x3  }
0xf1: {  	[tilespmem:v61+s17+$0x0] =	vst.idx.msk $0xffff, v49  }
0xf2: {  	v63 =	vor.u32 v17, v52;
	v49 =	vld.idx.msk [tilespmem:v62+s16+$0x0], $0xffff  }
0xf3: {  	v54 =	vadd.s32 v18, v48;
	_ =	sdelay $0x3  }
0xf4: {  	[tilespmem:v63+s17+$0x0] =	vst.idx.msk $0xffff, v49  }
0xf5: {  	v55 =	vor.u32 v19, v52;
	v49 =	vld.idx.msk [tilespmem:v54+s16+$0x0], $0xffff  }
0xf6: {  	v56 =	vadd.s32 v20, v48;
	_ =	sdelay $0x3  }
0xf7: {  	[tilespmem:v55+s17+$0x0] =	vst.idx.msk $0xffff, v49  }
0xf8: {  	v57 =	vor.u32 v21, v52;
	v49 =	vld.idx.msk [tilespmem:v56+s16+$0x0], $0xffff  }
0xf9: {  	v58 =	vadd.s32 v22, v48;
	_ =	sdelay $0x3  }
0xfa: {  	[tilespmem:v57+s17+$0x0] =	vst.idx.msk $0xffff, v49  }
0xfb: {  	v59 =	vor.u32 v23, v52;
	v49 =	vld.idx.msk [tilespmem:v58+s16+$0x0], $0xffff  }
0xfc: {  	v60 =	vadd.s32 v24, v48;
	_ =	sdelay $0x3  }
0xfd: {  	[tilespmem:v59+s17+$0x0] =	vst.idx.msk $0xffff, v49  }
0xfe: {  	v61 =	vor.u32 v25, v52;
	v49 =	vld.idx.msk [tilespmem:v60+s16+$0x0], $0xffff  }
0xff: {  	v62 =	vadd.s32 v26, v48;
	_ =	sdelay $0x3  }
0x100: {  	[tilespmem:v61+s17+$0x0] =	vst.idx.msk $0xffff, v49  }
0x101: {  	v63 =	vor.u32 v27, v52;
	v49 =	vld.idx.msk [tilespmem:v62+s16+$0x0], $0xffff  }
0x102: {  	v54 =	vadd.s32 v28, v48;
	_ =	sdelay $0x3  }
0x103: {  	[tilespmem:v63+s17+$0x0] =	vst.idx.msk $0xffff, v49  }
0x104: {  	v55 =	vor.u32 v29, v52;
	v49 =	vld.idx.msk [tilespmem:v54+s16+$0x0], $0xffff  }
0x105: {  	v56 =	vadd.s32 v30, v48;
	_ =	sdelay $0x3  }
0x106: {  	[tilespmem:v55+s17+$0x0] =	vst.idx.msk $0xffff, v49  }
0x107: {  	v57 =	vor.u32 v31, v52;
	v49 =	vld.idx.msk [tilespmem:v56+s16+$0x0], $0xffff  }
0x108: {  	v58 =	vadd.s32 v32, v48;
	_ =	sdelay $0x3  }
0x109: {  	[tilespmem:v57+s17+$0x0] =	vst.idx.msk $0xffff, v49  }
0x10a: {  	v59 =	vor.u32 v33, v52;
	v49 =	vld.idx.msk [tilespmem:v58+s16+$0x0], $0xffff  }
0x10b: {  	v60 =	vadd.s32 v34, v48;
	_ =	sdelay $0x3  }
0x10c: {  	[tilespmem:v59+s17+$0x0] =	vst.idx.msk $0xffff, v49  }
0x10d: {  	v61 =	vor.u32 v35, v52;
	v49 =	vld.idx.msk [tilespmem:v60+s16+$0x0], $0xffff  }
0x10e: {  	v62 =	vadd.s32 v36, v48;
	_ =	sdelay $0x3  }
0x10f: {  	[tilespmem:v61+s17+$0x0] =	vst.idx.msk $0xffff, v49  }
0x110: {  	v63 =	vor.u32 v37, v52;
	v49 =	vld.idx.msk [tilespmem:v62+s16+$0x0], $0xffff  }
0x111: {  	v54 =	vadd.s32 v38, v48;
	_ =	sdelay $0x3  }
0x112: {  	[tilespmem:v63+s17+$0x0] =	vst.idx.msk $0xffff, v49  }
0x113: {  	v55 =	vor.u32 v39, v52;
	v49 =	vld.idx.msk [tilespmem:v54+s16+$0x0], $0xffff  }
0x114: {  	v56 =	vadd.s32 v40, v48;
	_ =	sdelay $0x3  }
0x115: {  	[tilespmem:v55+s17+$0x0] =	vst.idx.msk $0xffff, v49  }
0x116: {  	v57 =	vor.u32 v41, v52;
	v49 =	vld.idx.msk [tilespmem:v56+s16+$0x0], $0xffff  }
0x117: {  	v58 =	vadd.s32 v42, v48;
	_ =	sdelay $0x3  }
0x118: {  	[tilespmem:v57+s17+$0x0] =	vst.idx.msk $0xffff, v49  }
0x119: {  	v59 =	vor.u32 v43, v52;
	v49 =	vld.idx.msk [tilespmem:v58+s16+$0x0], $0xffff  }
0x11a: {  	v60 =	vadd.s32 v44, v48;
	_ =	sdelay $0x3  }
0x11b: {  	[tilespmem:v59+s17+$0x0] =	vst.idx.msk $0xffff, v49  }
0x11c: {  	s31 =	sadd.s32 $0x3, s23;
	v61 =	vor.u32 v45, v52;
	v49 =	vld.idx.msk [tilespmem:v60+s16+$0x0], $0xffff  }
0x11d: {  	v48 =	vadd.s32 v46, v48;
	v62 =	vadd.s32 s31, v0  }
0x11e: {  	v53 =	vand.u32 $0x3F, v62  }
0x11f: {  	v63 =	vshrl.u32 v53, $0x3  }
0x120: {  	v51 =	vshll.u32 v62, $0x7;
	v54 =	vmul.u32 $0xC00, v63  }
0x121: {  	v55 =	vand.u32 $0x380, v51;
	[tilespmem:v61+s17+$0x0] =	vst.idx.msk $0xffff, v49  }
0x122: {  	v56 =	vor.u32 v47, v52;
	v49 =	vor.u32 v55, v54;
	v48 =	vld.idx.msk [tilespmem:v48+s16+$0x0], $0xffff  }
0x123: {  	v57 =	vor.u32 v0, v49;
	_ =	sdelay $0x3  }
0x124: {  	[tilespmem:v56+s17+$0x0] =	vst.idx.msk $0xffff, v48  }
0x125: {  	v58 =	vor.u32 v1, v53;
	v48 =	vld.idx.msk [tilespmem:v57+s16+$0x0], $0xffff  }
0x126: {  	v59 =	vor.u32 v2, v49;
	_ =	sdelay $0x3  }
0x127: {  	[tilespmem:v58+s17+$0x0] =	vst.idx.msk $0xffff, v48  }
0x128: {  	v60 =	vor.u32 v3, v53;
	v48 =	vld.idx.msk [tilespmem:v59+s16+$0x0], $0xffff  }
0x129: {  	v61 =	vor.u32 v4, v49;
	_ =	sdelay $0x3  }
0x12a: {  	[tilespmem:v60+s17+$0x0] =	vst.idx.msk $0xffff, v48  }
0x12b: {  	v62 =	vor.u32 v5, v53;
	v48 =	vld.idx.msk [tilespmem:v61+s16+$0x0], $0xffff  }
0x12c: {  	v63 =	vor.u32 v6, v49;
	_ =	sdelay $0x3  }
0x12d: {  	[tilespmem:v62+s17+$0x0] =	vst.idx.msk $0xffff, v48  }
0x12e: {  	v54 =	vor.u32 v7, v53;
	v48 =	vld.idx.msk [tilespmem:v63+s16+$0x0], $0xffff  }
0x12f: {  	v55 =	vor.u32 v8, v49;
	_ =	sdelay $0x3  }
0x130: {  	[tilespmem:v54+s17+$0x0] =	vst.idx.msk $0xffff, v48  }
0x131: {  	v56 =	vor.u32 v9, v53;
	v48 =	vld.idx.msk [tilespmem:v55+s16+$0x0], $0xffff  }
0x132: {  	v57 =	vor.u32 v10, v49;
	_ =	sdelay $0x3  }
0x133: {  	[tilespmem:v56+s17+$0x0] =	vst.idx.msk $0xffff, v48  }
0x134: {  	v58 =	vor.u32 v11, v53;
	v48 =	vld.idx.msk [tilespmem:v57+s16+$0x0], $0xffff  }
0x135: {  	v59 =	vor.u32 v12, v49;
	_ =	sdelay $0x3  }
0x136: {  	[tilespmem:v58+s17+$0x0] =	vst.idx.msk $0xffff, v48  }
0x137: {  	v60 =	vor.u32 v13, v53;
	v48 =	vld.idx.msk [tilespmem:v59+s16+$0x0], $0xffff  }
0x138: {  	v61 =	vor.u32 v14, v49;
	_ =	sdelay $0x3  }
0x139: {  	[tilespmem:v60+s17+$0x0] =	vst.idx.msk $0xffff, v48  }
0x13a: {  	v62 =	vor.u32 v15, v53;
	v48 =	vld.idx.msk [tilespmem:v61+s16+$0x0], $0xffff  }
0x13b: {  	v63 =	vadd.s32 v16, v49;
	_ =	sdelay $0x3  }
0x13c: {  	[tilespmem:v62+s17+$0x0] =	vst.idx.msk $0xffff, v48  }
0x13d: {  	v54 =	vor.u32 v17, v53;
	v48 =	vld.idx.msk [tilespmem:v63+s16+$0x0], $0xffff  }
0x13e: {  	v55 =	vadd.s32 v18, v49;
	_ =	sdelay $0x3  }
0x13f: {  	[tilespmem:v54+s17+$0x0] =	vst.idx.msk $0xffff, v48  }
0x140: {  	v56 =	vor.u32 v19, v53;
	v48 =	vld.idx.msk [tilespmem:v55+s16+$0x0], $0xffff  }
0x141: {  	v57 =	vadd.s32 v20, v49;
	_ =	sdelay $0x3  }
0x142: {  	[tilespmem:v56+s17+$0x0] =	vst.idx.msk $0xffff, v48  }
0x143: {  	v58 =	vor.u32 v21, v53;
	v48 =	vld.idx.msk [tilespmem:v57+s16+$0x0], $0xffff  }
0x144: {  	v59 =	vadd.s32 v22, v49;
	_ =	sdelay $0x3  }
0x145: {  	[tilespmem:v58+s17+$0x0] =	vst.idx.msk $0xffff, v48  }
0x146: {  	v60 =	vor.u32 v23, v53;
	v48 =	vld.idx.msk [tilespmem:v59+s16+$0x0], $0xffff  }
0x147: {  	v61 =	vadd.s32 v24, v49;
	_ =	sdelay $0x3  }
0x148: {  	[tilespmem:v60+s17+$0x0] =	vst.idx.msk $0xffff, v48  }
0x149: {  	v62 =	vor.u32 v25, v53;
	v48 =	vld.idx.msk [tilespmem:v61+s16+$0x0], $0xffff  }
0x14a: {  	v63 =	vadd.s32 v26, v49;
	_ =	sdelay $0x3  }
0x14b: {  	[tilespmem:v62+s17+$0x0] =	vst.idx.msk $0xffff, v48  }
0x14c: {  	v54 =	vor.u32 v27, v53;
	v48 =	vld.idx.msk [tilespmem:v63+s16+$0x0], $0xffff  }
0x14d: {  	v55 =	vadd.s32 v28, v49;
	_ =	sdelay $0x3  }
0x14e: {  	[tilespmem:v54+s17+$0x0] =	vst.idx.msk $0xffff, v48  }
0x14f: {  	v56 =	vor.u32 v29, v53;
	v48 =	vld.idx.msk [tilespmem:v55+s16+$0x0], $0xffff  }
0x150: {  	v57 =	vadd.s32 v30, v49;
	_ =	sdelay $0x3  }
0x151: {  	[tilespmem:v56+s17+$0x0] =	vst.idx.msk $0xffff, v48  }
0x152: {  	v58 =	vor.u32 v31, v53;
	v48 =	vld.idx.msk [tilespmem:v57+s16+$0x0], $0xffff  }
0x153: {  	v59 =	vadd.s32 v32, v49;
	_ =	sdelay $0x3  }
0x154: {  	[tilespmem:v58+s17+$0x0] =	vst.idx.msk $0xffff, v48  }
0x155: {  	v60 =	vor.u32 v33, v53;
	v48 =	vld.idx.msk [tilespmem:v59+s16+$0x0], $0xffff  }
0x156: {  	v61 =	vadd.s32 v34, v49;
	_ =	sdelay $0x3  }
0x157: {  	[tilespmem:v60+s17+$0x0] =	vst.idx.msk $0xffff, v48  }
0x158: {  	v62 =	vor.u32 v35, v53;
	v48 =	vld.idx.msk [tilespmem:v61+s16+$0x0], $0xffff  }
0x159: {  	v63 =	vadd.s32 v36, v49;
	_ =	sdelay $0x3  }
0x15a: {  	[tilespmem:v62+s17+$0x0] =	vst.idx.msk $0xffff, v48  }
0x15b: {  	v54 =	vor.u32 v37, v53;
	v48 =	vld.idx.msk [tilespmem:v63+s16+$0x0], $0xffff  }
0x15c: {  	v55 =	vadd.s32 v38, v49;
	_ =	sdelay $0x3  }
0x15d: {  	[tilespmem:v54+s17+$0x0] =	vst.idx.msk $0xffff, v48  }
0x15e: {  	v56 =	vor.u32 v39, v53;
	v48 =	vld.idx.msk [tilespmem:v55+s16+$0x0], $0xffff  }
0x15f: {  	v57 =	vadd.s32 v40, v49;
	_ =	sdelay $0x3  }
0x160: {  	[tilespmem:v56+s17+$0x0] =	vst.idx.msk $0xffff, v48  }
0x161: {  	v58 =	vor.u32 v41, v53;
	v48 =	vld.idx.msk [tilespmem:v57+s16+$0x0], $0xffff  }
0x162: {  	v59 =	vadd.s32 v42, v49;
	_ =	sdelay $0x3  }
0x163: {  	[tilespmem:v58+s17+$0x0] =	vst.idx.msk $0xffff, v48  }
0x164: {  	v60 =	vor.u32 v43, v53;
	v48 =	vld.idx.msk [tilespmem:v59+s16+$0x0], $0xffff  }
0x165: {  	v61 =	vadd.s32 v44, v49;
	_ =	sdelay $0x3  }
0x166: {  	[tilespmem:v60+s17+$0x0] =	vst.idx.msk $0xffff, v48  }
0x167: {  	v62 =	vor.u32 v45, v53;
	v48 =	vld.idx.msk [tilespmem:v61+s16+$0x0], $0xffff  }
0x168: {  	v49 =	vadd.s32 v46, v49;
	_ =	sdelay $0x3  }
0x169: {  	[tilespmem:v62+s17+$0x0] =	vst.idx.msk $0xffff, v48  }
0x16a: {  	p1 =	sne.s32 s23, $0x3C;
	v63 =	vor.u32 v47, v53;
	v48 =	vld.idx.msk [tilespmem:v49+s16+$0x0], $0xffff  }
.Ltmp6:
0x16b: {  	_ = 	snop;
	(pc) =	sbr.rel @p1 .LBB2_8-.Ltmp6, $2  }
0x16c: {  	_ =	sdelay $0x2  }
0x16d: {  	s23 =	sadd.s32 $0x4, s23;
	[tilespmem:v63+s17+$0x0] =	vst.idx.msk $0xffff, v48  }
.Ltmp7:
0x16e: {  	(pc) =	sbr.rel .LBB2_10-.Ltmp7, $3  }
0x16f: {  	s22 =	smul.u32 $0xC00, s22;
	_ =	sdelay $0x1  }
0x170: {  	s22 =	sadd.s32 s6, s22  }
0x171: {  	[hbm4b:s22+s3] =	stream.linear.scatter [tilespmem:s17], [sflag:$0x4], $0x6000, $0x38;
	[tilespmem:$0x19000] =	vst v63  }
.LBB2_4:
0x172: {  	_ =	swait.ge [sflag:s18], $0x6000  }
0x173: {  	s23 =	sor.u32 $0x20, s22;
	[sflag:s18] =	ssyncset.done $0x0  }
0x174: {  	s24 =	simm.s32 @!p1 $0x3;
	p2 =	sgt.u32 s23, $0xA2B;
	[sflag:s18] =	ssyncadd.s32 $0xFFFFA000  }
0x175: {  	s23 =	smul.u32 @!p2 $0x180, s23;
	_ =	swait.ge @!p1 [sflag:s24], $0x6000  }
0x176: {  	s25 =	simm.s32 @!p2 $0x7A1400;
	s26 =	simm.s32 @!p2 $0x6000;
	[sflag:s24] =	ssyncset.done @!p1 $0x0  }
0x177: {  	s23 =	sadd.s32 @!p2 s0, s23;
	[sflag:s24] =	ssyncadd.s32 @!p1 $0xFFFFA000;
	s24 =	simm.s32 @!p2 $0xC00  }
0x178: {  	[tilespmem:s26], [sflag:$0x2] =	stream.strided.gather @!p2 [hbm4b:s23+s24], $0x6000, s25, s24, $0x38;
	[tilespmem:$0x19000] =	vst v63  }
0x179: {  	s23 =	simm.s32 $0x0  }
.LBB2_5:
0x17a: {  	v48 =	vadd.s32 s23, v0  }
0x17b: {  	v49 =	vand.u32 $0x3F, v48  }
0x17c: {  	v50 =	vshrl.u32 v49, $0x3  }
0x17d: {  	v48 =	vshll.u32 v48, $0x7;
	v50 =	vmul.u32 $0xC00, v50  }
0x17e: {  	v48 =	vand.u32 $0x380, v48  }
0x17f: {  	v48 =	vor.u32 v48, v50  }
0x180: {  	v50 =	vor.u32 v0, v48;
	_ =	sdelay $0x4  }
0x181: {  	v51 =	vor.u32 v1, v49;
	v50 =	vld.idx.msk [tilespmem:v50+s3+$0x0], $0xffff  }
0x182: {  	v52 =	vor.u32 v2, v48;
	_ =	sdelay $0x3  }
0x183: {  	[tilespmem:v51+s19+$0x0] =	vst.idx.msk $0xffff, v50  }
0x184: {  	v60 =	vor.u32 v3, v49;
	v50 =	vld.idx.msk [tilespmem:v52+s3+$0x0], $0xffff  }
0x185: {  	v61 =	vor.u32 v4, v48;
	_ =	sdelay $0x3  }
0x186: {  	[tilespmem:v60+s19+$0x0] =	vst.idx.msk $0xffff, v50  }
0x187: {  	v62 =	vor.u32 v5, v49;
	v50 =	vld.idx.msk [tilespmem:v61+s3+$0x0], $0xffff  }
0x188: {  	v63 =	vor.u32 v6, v48;
	_ =	sdelay $0x3  }
0x189: {  	[tilespmem:v62+s19+$0x0] =	vst.idx.msk $0xffff, v50  }
0x18a: {  	v56 =	vor.u32 v7, v49;
	v50 =	vld.idx.msk [tilespmem:v63+s3+$0x0], $0xffff  }
0x18b: {  	v57 =	vor.u32 v8, v48;
	_ =	sdelay $0x3  }
0x18c: {  	[tilespmem:v56+s19+$0x0] =	vst.idx.msk $0xffff, v50  }
0x18d: {  	v58 =	vor.u32 v9, v49;
	v50 =	vld.idx.msk [tilespmem:v57+s3+$0x0], $0xffff  }
0x18e: {  	v59 =	vor.u32 v10, v48;
	_ =	sdelay $0x3  }
0x18f: {  	[tilespmem:v58+s19+$0x0] =	vst.idx.msk $0xffff, v50  }
0x190: {  	v60 =	vor.u32 v11, v49;
	v50 =	vld.idx.msk [tilespmem:v59+s3+$0x0], $0xffff  }
0x191: {  	v61 =	vor.u32 v12, v48;
	_ =	sdelay $0x3  }
0x192: {  	[tilespmem:v60+s19+$0x0] =	vst.idx.msk $0xffff, v50  }
0x193: {  	v62 =	vor.u32 v13, v49;
	v50 =	vld.idx.msk [tilespmem:v61+s3+$0x0], $0xffff  }
0x194: {  	v63 =	vor.u32 v14, v48;
	_ =	sdelay $0x3  }
0x195: {  	[tilespmem:v62+s19+$0x0] =	vst.idx.msk $0xffff, v50  }
0x196: {  	v56 =	vor.u32 v15, v49;
	v50 =	vld.idx.msk [tilespmem:v63+s3+$0x0], $0xffff  }
0x197: {  	v57 =	vadd.s32 v16, v48;
	_ =	sdelay $0x3  }
0x198: {  	[tilespmem:v56+s19+$0x0] =	vst.idx.msk $0xffff, v50  }
0x199: {  	v58 =	vor.u32 v17, v49;
	v50 =	vld.idx.msk [tilespmem:v57+s3+$0x0], $0xffff  }
0x19a: {  	v59 =	vadd.s32 v18, v48;
	_ =	sdelay $0x3  }
0x19b: {  	[tilespmem:v58+s19+$0x0] =	vst.idx.msk $0xffff, v50  }
0x19c: {  	v60 =	vor.u32 v19, v49;
	v50 =	vld.idx.msk [tilespmem:v59+s3+$0x0], $0xffff  }
0x19d: {  	v61 =	vadd.s32 v20, v48;
	_ =	sdelay $0x3  }
0x19e: {  	[tilespmem:v60+s19+$0x0] =	vst.idx.msk $0xffff, v50  }
0x19f: {  	v62 =	vor.u32 v21, v49;
	v50 =	vld.idx.msk [tilespmem:v61+s3+$0x0], $0xffff  }
0x1a0: {  	v63 =	vadd.s32 v22, v48;
	_ =	sdelay $0x3  }
0x1a1: {  	[tilespmem:v62+s19+$0x0] =	vst.idx.msk $0xffff, v50  }
0x1a2: {  	v56 =	vor.u32 v23, v49;
	v50 =	vld.idx.msk [tilespmem:v63+s3+$0x0], $0xffff  }
0x1a3: {  	v57 =	vadd.s32 v24, v48;
	_ =	sdelay $0x3  }
0x1a4: {  	[tilespmem:v56+s19+$0x0] =	vst.idx.msk $0xffff, v50  }
0x1a5: {  	v58 =	vor.u32 v25, v49;
	v50 =	vld.idx.msk [tilespmem:v57+s3+$0x0], $0xffff  }
0x1a6: {  	v59 =	vadd.s32 v26, v48;
	_ =	sdelay $0x3  }
0x1a7: {  	[tilespmem:v58+s19+$0x0] =	vst.idx.msk $0xffff, v50  }
0x1a8: {  	v60 =	vor.u32 v27, v49;
	v50 =	vld.idx.msk [tilespmem:v59+s3+$0x0], $0xffff  }
0x1a9: {  	v61 =	vadd.s32 v28, v48;
	_ =	sdelay $0x3  }
0x1aa: {  	[tilespmem:v60+s19+$0x0] =	vst.idx.msk $0xffff, v50  }
0x1ab: {  	v62 =	vor.u32 v29, v49;
	v50 =	vld.idx.msk [tilespmem:v61+s3+$0x0], $0xffff  }
0x1ac: {  	v63 =	vadd.s32 v30, v48;
	_ =	sdelay $0x3  }
0x1ad: {  	[tilespmem:v62+s19+$0x0] =	vst.idx.msk $0xffff, v50  }
0x1ae: {  	v56 =	vor.u32 v31, v49;
	v50 =	vld.idx.msk [tilespmem:v63+s3+$0x0], $0xffff  }
0x1af: {  	v57 =	vadd.s32 v32, v48;
	_ =	sdelay $0x3  }
0x1b0: {  	[tilespmem:v56+s19+$0x0] =	vst.idx.msk $0xffff, v50  }
0x1b1: {  	v58 =	vor.u32 v33, v49;
	v50 =	vld.idx.msk [tilespmem:v57+s3+$0x0], $0xffff  }
0x1b2: {  	v59 =	vadd.s32 v34, v48;
	_ =	sdelay $0x3  }
0x1b3: {  	[tilespmem:v58+s19+$0x0] =	vst.idx.msk $0xffff, v50  }
0x1b4: {  	v60 =	vor.u32 v35, v49;
	v50 =	vld.idx.msk [tilespmem:v59+s3+$0x0], $0xffff  }
0x1b5: {  	v61 =	vadd.s32 v36, v48;
	_ =	sdelay $0x3  }
0x1b6: {  	[tilespmem:v60+s19+$0x0] =	vst.idx.msk $0xffff, v50  }
0x1b7: {  	v62 =	vor.u32 v37, v49;
	v50 =	vld.idx.msk [tilespmem:v61+s3+$0x0], $0xffff  }
0x1b8: {  	v63 =	vadd.s32 v38, v48;
	_ =	sdelay $0x3  }
0x1b9: {  	[tilespmem:v62+s19+$0x0] =	vst.idx.msk $0xffff, v50  }
0x1ba: {  	v56 =	vor.u32 v39, v49;
	v50 =	vld.idx.msk [tilespmem:v63+s3+$0x0], $0xffff  }
0x1bb: {  	v57 =	vadd.s32 v40, v48;
	_ =	sdelay $0x3  }
0x1bc: {  	[tilespmem:v56+s19+$0x0] =	vst.idx.msk $0xffff, v50  }
0x1bd: {  	v58 =	vor.u32 v41, v49;
	v50 =	vld.idx.msk [tilespmem:v57+s3+$0x0], $0xffff  }
0x1be: {  	v59 =	vadd.s32 v42, v48;
	_ =	sdelay $0x3  }
0x1bf: {  	[tilespmem:v58+s19+$0x0] =	vst.idx.msk $0xffff, v50  }
0x1c0: {  	v60 =	vor.u32 v43, v49;
	v50 =	vld.idx.msk [tilespmem:v59+s3+$0x0], $0xffff  }
0x1c1: {  	v61 =	vadd.s32 v44, v48;
	_ =	sdelay $0x3  }
0x1c2: {  	[tilespmem:v60+s19+$0x0] =	vst.idx.msk $0xffff, v50  }
0x1c3: {  	s24 =	sadd.s32 $0x1, s23;
	v62 =	vor.u32 v45, v49;
	v50 =	vld.idx.msk [tilespmem:v61+s3+$0x0], $0xffff  }
0x1c4: {  	v48 =	vadd.s32 v46, v48;
	v63 =	vadd.s32 s24, v0  }
0x1c5: {  	v53 =	vand.u32 $0x3F, v63  }
0x1c6: {  	v54 =	vshrl.u32 v53, $0x3  }
0x1c7: {  	v52 =	vshll.u32 v63, $0x7;
	v54 =	vmul.u32 $0xC00, v54  }
0x1c8: {  	v52 =	vand.u32 $0x380, v52;
	[tilespmem:v62+s19+$0x0] =	vst.idx.msk $0xffff, v50  }
0x1c9: {  	v49 =	vor.u32 v47, v49;
	v50 =	vor.u32 v52, v54;
	v48 =	vld.idx.msk [tilespmem:v48+s3+$0x0], $0xffff  }
0x1ca: {  	v55 =	vor.u32 v0, v50;
	_ =	sdelay $0x3  }
0x1cb: {  	[tilespmem:v49+s19+$0x0] =	vst.idx.msk $0xffff, v48  }
0x1cc: {  	v56 =	vor.u32 v1, v53;
	v48 =	vld.idx.msk [tilespmem:v55+s3+$0x0], $0xffff  }
0x1cd: {  	v57 =	vor.u32 v2, v50;
	_ =	sdelay $0x3  }
0x1ce: {  	[tilespmem:v56+s19+$0x0] =	vst.idx.msk $0xffff, v48  }
0x1cf: {  	v58 =	vor.u32 v3, v53;
	v48 =	vld.idx.msk [tilespmem:v57+s3+$0x0], $0xffff  }
0x1d0: {  	v59 =	vor.u32 v4, v50;
	_ =	sdelay $0x3  }
0x1d1: {  	[tilespmem:v58+s19+$0x0] =	vst.idx.msk $0xffff, v48  }
0x1d2: {  	v60 =	vor.u32 v5, v53;
	v48 =	vld.idx.msk [tilespmem:v59+s3+$0x0], $0xffff  }
0x1d3: {  	v61 =	vor.u32 v6, v50;
	_ =	sdelay $0x3  }
0x1d4: {  	[tilespmem:v60+s19+$0x0] =	vst.idx.msk $0xffff, v48  }
0x1d5: {  	v62 =	vor.u32 v7, v53;
	v48 =	vld.idx.msk [tilespmem:v61+s3+$0x0], $0xffff  }
0x1d6: {  	v63 =	vor.u32 v8, v50;
	_ =	sdelay $0x3  }
0x1d7: {  	[tilespmem:v62+s19+$0x0] =	vst.idx.msk $0xffff, v48  }
0x1d8: {  	v54 =	vor.u32 v9, v53;
	v48 =	vld.idx.msk [tilespmem:v63+s3+$0x0], $0xffff  }
0x1d9: {  	v55 =	vor.u32 v10, v50;
	_ =	sdelay $0x3  }
0x1da: {  	[tilespmem:v54+s19+$0x0] =	vst.idx.msk $0xffff, v48  }
0x1db: {  	v56 =	vor.u32 v11, v53;
	v48 =	vld.idx.msk [tilespmem:v55+s3+$0x0], $0xffff  }
0x1dc: {  	v57 =	vor.u32 v12, v50;
	_ =	sdelay $0x3  }
0x1dd: {  	[tilespmem:v56+s19+$0x0] =	vst.idx.msk $0xffff, v48  }
0x1de: {  	v58 =	vor.u32 v13, v53;
	v48 =	vld.idx.msk [tilespmem:v57+s3+$0x0], $0xffff  }
0x1df: {  	v59 =	vor.u32 v14, v50;
	_ =	sdelay $0x3  }
0x1e0: {  	[tilespmem:v58+s19+$0x0] =	vst.idx.msk $0xffff, v48  }
0x1e1: {  	v60 =	vor.u32 v15, v53;
	v48 =	vld.idx.msk [tilespmem:v59+s3+$0x0], $0xffff  }
0x1e2: {  	v61 =	vadd.s32 v16, v50;
	_ =	sdelay $0x3  }
0x1e3: {  	[tilespmem:v60+s19+$0x0] =	vst.idx.msk $0xffff, v48  }
0x1e4: {  	v62 =	vor.u32 v17, v53;
	v48 =	vld.idx.msk [tilespmem:v61+s3+$0x0], $0xffff  }
0x1e5: {  	v63 =	vadd.s32 v18, v50;
	_ =	sdelay $0x3  }
0x1e6: {  	[tilespmem:v62+s19+$0x0] =	vst.idx.msk $0xffff, v48  }
0x1e7: {  	v54 =	vor.u32 v19, v53;
	v48 =	vld.idx.msk [tilespmem:v63+s3+$0x0], $0xffff  }
0x1e8: {  	v55 =	vadd.s32 v20, v50;
	_ =	sdelay $0x3  }
0x1e9: {  	[tilespmem:v54+s19+$0x0] =	vst.idx.msk $0xffff, v48  }
0x1ea: {  	v56 =	vor.u32 v21, v53;
	v48 =	vld.idx.msk [tilespmem:v55+s3+$0x0], $0xffff  }
0x1eb: {  	v57 =	vadd.s32 v22, v50;
	_ =	sdelay $0x3  }
0x1ec: {  	[tilespmem:v56+s19+$0x0] =	vst.idx.msk $0xffff, v48  }
0x1ed: {  	v58 =	vor.u32 v23, v53;
	v48 =	vld.idx.msk [tilespmem:v57+s3+$0x0], $0xffff  }
0x1ee: {  	v59 =	vadd.s32 v24, v50;
	_ =	sdelay $0x3  }
0x1ef: {  	[tilespmem:v58+s19+$0x0] =	vst.idx.msk $0xffff, v48  }
0x1f0: {  	v60 =	vor.u32 v25, v53;
	v48 =	vld.idx.msk [tilespmem:v59+s3+$0x0], $0xffff  }
0x1f1: {  	v61 =	vadd.s32 v26, v50;
	_ =	sdelay $0x3  }
0x1f2: {  	[tilespmem:v60+s19+$0x0] =	vst.idx.msk $0xffff, v48  }
0x1f3: {  	v62 =	vor.u32 v27, v53;
	v48 =	vld.idx.msk [tilespmem:v61+s3+$0x0], $0xffff  }
0x1f4: {  	v63 =	vadd.s32 v28, v50;
	_ =	sdelay $0x3  }
0x1f5: {  	[tilespmem:v62+s19+$0x0] =	vst.idx.msk $0xffff, v48  }
0x1f6: {  	v54 =	vor.u32 v29, v53;
	v48 =	vld.idx.msk [tilespmem:v63+s3+$0x0], $0xffff  }
0x1f7: {  	v55 =	vadd.s32 v30, v50;
	_ =	sdelay $0x3  }
0x1f8: {  	[tilespmem:v54+s19+$0x0] =	vst.idx.msk $0xffff, v48  }
0x1f9: {  	v56 =	vor.u32 v31, v53;
	v48 =	vld.idx.msk [tilespmem:v55+s3+$0x0], $0xffff  }
0x1fa: {  	v57 =	vadd.s32 v32, v50;
	_ =	sdelay $0x3  }
0x1fb: {  	[tilespmem:v56+s19+$0x0] =	vst.idx.msk $0xffff, v48  }
0x1fc: {  	v58 =	vor.u32 v33, v53;
	v48 =	vld.idx.msk [tilespmem:v57+s3+$0x0], $0xffff  }
0x1fd: {  	v59 =	vadd.s32 v34, v50;
	_ =	sdelay $0x3  }
0x1fe: {  	[tilespmem:v58+s19+$0x0] =	vst.idx.msk $0xffff, v48  }
0x1ff: {  	v60 =	vor.u32 v35, v53;
	v48 =	vld.idx.msk [tilespmem:v59+s3+$0x0], $0xffff  }
0x200: {  	v61 =	vadd.s32 v36, v50;
	_ =	sdelay $0x3  }
0x201: {  	[tilespmem:v60+s19+$0x0] =	vst.idx.msk $0xffff, v48  }
0x202: {  	v62 =	vor.u32 v37, v53;
	v48 =	vld.idx.msk [tilespmem:v61+s3+$0x0], $0xffff  }
0x203: {  	v63 =	vadd.s32 v38, v50;
	_ =	sdelay $0x3  }
0x204: {  	[tilespmem:v62+s19+$0x0] =	vst.idx.msk $0xffff, v48  }
0x205: {  	v54 =	vor.u32 v39, v53;
	v48 =	vld.idx.msk [tilespmem:v63+s3+$0x0], $0xffff  }
0x206: {  	v55 =	vadd.s32 v40, v50;
	_ =	sdelay $0x3  }
0x207: {  	[tilespmem:v54+s19+$0x0] =	vst.idx.msk $0xffff, v48  }
0x208: {  	v56 =	vor.u32 v41, v53;
	v48 =	vld.idx.msk [tilespmem:v55+s3+$0x0], $0xffff  }
0x209: {  	v57 =	vadd.s32 v42, v50;
	_ =	sdelay $0x3  }
0x20a: {  	[tilespmem:v56+s19+$0x0] =	vst.idx.msk $0xffff, v48  }
0x20b: {  	v58 =	vor.u32 v43, v53;
	v48 =	vld.idx.msk [tilespmem:v57+s3+$0x0], $0xffff  }
0x20c: {  	v59 =	vadd.s32 v44, v50;
	_ =	sdelay $0x3  }
0x20d: {  	[tilespmem:v58+s19+$0x0] =	vst.idx.msk $0xffff, v48  }
0x20e: {  	s30 =	sadd.s32 $0x2, s23;
	v60 =	vor.u32 v45, v53;
	v48 =	vld.idx.msk [tilespmem:v59+s3+$0x0], $0xffff  }
0x20f: {  	v50 =	vadd.s32 v46, v50;
	v61 =	vadd.s32 s30, v0  }
0x210: {  	v52 =	vand.u32 $0x3F, v61  }
0x211: {  	v62 =	vshrl.u32 v52, $0x3  }
0x212: {  	v51 =	vshll.u32 v61, $0x7;
	v54 =	vmul.u32 $0xC00, v62  }
0x213: {  	v63 =	vand.u32 $0x380, v51;
	[tilespmem:v60+s19+$0x0] =	vst.idx.msk $0xffff, v48  }
0x214: {  	v55 =	vor.u32 v47, v53;
	v48 =	vor.u32 v63, v54;
	v49 =	vld.idx.msk [tilespmem:v50+s3+$0x0], $0xffff  }
0x215: {  	v56 =	vor.u32 v0, v48;
	_ =	sdelay $0x3  }
0x216: {  	[tilespmem:v55+s19+$0x0] =	vst.idx.msk $0xffff, v49  }
0x217: {  	v57 =	vor.u32 v1, v52;
	v49 =	vld.idx.msk [tilespmem:v56+s3+$0x0], $0xffff  }
0x218: {  	v58 =	vor.u32 v2, v48;
	_ =	sdelay $0x3  }
0x219: {  	[tilespmem:v57+s19+$0x0] =	vst.idx.msk $0xffff, v49  }
0x21a: {  	v59 =	vor.u32 v3, v52;
	v49 =	vld.idx.msk [tilespmem:v58+s3+$0x0], $0xffff  }
0x21b: {  	v60 =	vor.u32 v4, v48;
	_ =	sdelay $0x3  }
0x21c: {  	[tilespmem:v59+s19+$0x0] =	vst.idx.msk $0xffff, v49  }
0x21d: {  	v61 =	vor.u32 v5, v52;
	v49 =	vld.idx.msk [tilespmem:v60+s3+$0x0], $0xffff  }
0x21e: {  	v62 =	vor.u32 v6, v48;
	_ =	sdelay $0x3  }
0x21f: {  	[tilespmem:v61+s19+$0x0] =	vst.idx.msk $0xffff, v49  }
0x220: {  	v63 =	vor.u32 v7, v52;
	v49 =	vld.idx.msk [tilespmem:v62+s3+$0x0], $0xffff  }
0x221: {  	v54 =	vor.u32 v8, v48;
	_ =	sdelay $0x3  }
0x222: {  	[tilespmem:v63+s19+$0x0] =	vst.idx.msk $0xffff, v49  }
0x223: {  	v55 =	vor.u32 v9, v52;
	v49 =	vld.idx.msk [tilespmem:v54+s3+$0x0], $0xffff  }
0x224: {  	v56 =	vor.u32 v10, v48;
	_ =	sdelay $0x3  }
0x225: {  	[tilespmem:v55+s19+$0x0] =	vst.idx.msk $0xffff, v49  }
0x226: {  	v57 =	vor.u32 v11, v52;
	v49 =	vld.idx.msk [tilespmem:v56+s3+$0x0], $0xffff  }
0x227: {  	v58 =	vor.u32 v12, v48;
	_ =	sdelay $0x3  }
0x228: {  	[tilespmem:v57+s19+$0x0] =	vst.idx.msk $0xffff, v49  }
0x229: {  	v59 =	vor.u32 v13, v52;
	v49 =	vld.idx.msk [tilespmem:v58+s3+$0x0], $0xffff  }
0x22a: {  	v60 =	vor.u32 v14, v48;
	_ =	sdelay $0x3  }
0x22b: {  	[tilespmem:v59+s19+$0x0] =	vst.idx.msk $0xffff, v49  }
0x22c: {  	v61 =	vor.u32 v15, v52;
	v49 =	vld.idx.msk [tilespmem:v60+s3+$0x0], $0xffff  }
0x22d: {  	v62 =	vadd.s32 v16, v48;
	_ =	sdelay $0x3  }
0x22e: {  	[tilespmem:v61+s19+$0x0] =	vst.idx.msk $0xffff, v49  }
0x22f: {  	v63 =	vor.u32 v17, v52;
	v49 =	vld.idx.msk [tilespmem:v62+s3+$0x0], $0xffff  }
0x230: {  	v54 =	vadd.s32 v18, v48;
	_ =	sdelay $0x3  }
0x231: {  	[tilespmem:v63+s19+$0x0] =	vst.idx.msk $0xffff, v49  }
0x232: {  	v55 =	vor.u32 v19, v52;
	v49 =	vld.idx.msk [tilespmem:v54+s3+$0x0], $0xffff  }
0x233: {  	v56 =	vadd.s32 v20, v48;
	_ =	sdelay $0x3  }
0x234: {  	[tilespmem:v55+s19+$0x0] =	vst.idx.msk $0xffff, v49  }
0x235: {  	v57 =	vor.u32 v21, v52;
	v49 =	vld.idx.msk [tilespmem:v56+s3+$0x0], $0xffff  }
0x236: {  	v58 =	vadd.s32 v22, v48;
	_ =	sdelay $0x3  }
0x237: {  	[tilespmem:v57+s19+$0x0] =	vst.idx.msk $0xffff, v49  }
0x238: {  	v59 =	vor.u32 v23, v52;
	v49 =	vld.idx.msk [tilespmem:v58+s3+$0x0], $0xffff  }
0x239: {  	v60 =	vadd.s32 v24, v48;
	_ =	sdelay $0x3  }
0x23a: {  	[tilespmem:v59+s19+$0x0] =	vst.idx.msk $0xffff, v49  }
0x23b: {  	v61 =	vor.u32 v25, v52;
	v49 =	vld.idx.msk [tilespmem:v60+s3+$0x0], $0xffff  }
0x23c: {  	v62 =	vadd.s32 v26, v48;
	_ =	sdelay $0x3  }
0x23d: {  	[tilespmem:v61+s19+$0x0] =	vst.idx.msk $0xffff, v49  }
0x23e: {  	v63 =	vor.u32 v27, v52;
	v49 =	vld.idx.msk [tilespmem:v62+s3+$0x0], $0xffff  }
0x23f: {  	v54 =	vadd.s32 v28, v48;
	_ =	sdelay $0x3  }
0x240: {  	[tilespmem:v63+s19+$0x0] =	vst.idx.msk $0xffff, v49  }
0x241: {  	v55 =	vor.u32 v29, v52;
	v49 =	vld.idx.msk [tilespmem:v54+s3+$0x0], $0xffff  }
0x242: {  	v56 =	vadd.s32 v30, v48;
	_ =	sdelay $0x3  }
0x243: {  	[tilespmem:v55+s19+$0x0] =	vst.idx.msk $0xffff, v49  }
0x244: {  	v57 =	vor.u32 v31, v52;
	v49 =	vld.idx.msk [tilespmem:v56+s3+$0x0], $0xffff  }
0x245: {  	v58 =	vadd.s32 v32, v48;
	_ =	sdelay $0x3  }
0x246: {  	[tilespmem:v57+s19+$0x0] =	vst.idx.msk $0xffff, v49  }
0x247: {  	v59 =	vor.u32 v33, v52;
	v49 =	vld.idx.msk [tilespmem:v58+s3+$0x0], $0xffff  }
0x248: {  	v60 =	vadd.s32 v34, v48;
	_ =	sdelay $0x3  }
0x249: {  	[tilespmem:v59+s19+$0x0] =	vst.idx.msk $0xffff, v49  }
0x24a: {  	v61 =	vor.u32 v35, v52;
	v49 =	vld.idx.msk [tilespmem:v60+s3+$0x0], $0xffff  }
0x24b: {  	v62 =	vadd.s32 v36, v48;
	_ =	sdelay $0x3  }
0x24c: {  	[tilespmem:v61+s19+$0x0] =	vst.idx.msk $0xffff, v49  }
0x24d: {  	v63 =	vor.u32 v37, v52;
	v49 =	vld.idx.msk [tilespmem:v62+s3+$0x0], $0xffff  }
0x24e: {  	v54 =	vadd.s32 v38, v48;
	_ =	sdelay $0x3  }
0x24f: {  	[tilespmem:v63+s19+$0x0] =	vst.idx.msk $0xffff, v49  }
0x250: {  	v55 =	vor.u32 v39, v52;
	v49 =	vld.idx.msk [tilespmem:v54+s3+$0x0], $0xffff  }
0x251: {  	v56 =	vadd.s32 v40, v48;
	_ =	sdelay $0x3  }
0x252: {  	[tilespmem:v55+s19+$0x0] =	vst.idx.msk $0xffff, v49  }
0x253: {  	v57 =	vor.u32 v41, v52;
	v49 =	vld.idx.msk [tilespmem:v56+s3+$0x0], $0xffff  }
0x254: {  	v58 =	vadd.s32 v42, v48;
	_ =	sdelay $0x3  }
0x255: {  	[tilespmem:v57+s19+$0x0] =	vst.idx.msk $0xffff, v49  }
0x256: {  	v59 =	vor.u32 v43, v52;
	v49 =	vld.idx.msk [tilespmem:v58+s3+$0x0], $0xffff  }
0x257: {  	v60 =	vadd.s32 v44, v48;
	_ =	sdelay $0x3  }
0x258: {  	[tilespmem:v59+s19+$0x0] =	vst.idx.msk $0xffff, v49  }
0x259: {  	s31 =	sadd.s32 $0x3, s23;
	v61 =	vor.u32 v45, v52;
	v49 =	vld.idx.msk [tilespmem:v60+s3+$0x0], $0xffff  }
0x25a: {  	v48 =	vadd.s32 v46, v48;
	v62 =	vadd.s32 s31, v0  }
0x25b: {  	v53 =	vand.u32 $0x3F, v62  }
0x25c: {  	v63 =	vshrl.u32 v53, $0x3  }
0x25d: {  	v51 =	vshll.u32 v62, $0x7;
	v54 =	vmul.u32 $0xC00, v63  }
0x25e: {  	v55 =	vand.u32 $0x380, v51;
	[tilespmem:v61+s19+$0x0] =	vst.idx.msk $0xffff, v49  }
0x25f: {  	v56 =	vor.u32 v47, v52;
	v49 =	vor.u32 v55, v54;
	v48 =	vld.idx.msk [tilespmem:v48+s3+$0x0], $0xffff  }
0x260: {  	v57 =	vor.u32 v0, v49;
	_ =	sdelay $0x3  }
0x261: {  	[tilespmem:v56+s19+$0x0] =	vst.idx.msk $0xffff, v48  }
0x262: {  	v58 =	vor.u32 v1, v53;
	v48 =	vld.idx.msk [tilespmem:v57+s3+$0x0], $0xffff  }
0x263: {  	v59 =	vor.u32 v2, v49;
	_ =	sdelay $0x3  }
0x264: {  	[tilespmem:v58+s19+$0x0] =	vst.idx.msk $0xffff, v48  }
0x265: {  	v60 =	vor.u32 v3, v53;
	v48 =	vld.idx.msk [tilespmem:v59+s3+$0x0], $0xffff  }
0x266: {  	v61 =	vor.u32 v4, v49;
	_ =	sdelay $0x3  }
0x267: {  	[tilespmem:v60+s19+$0x0] =	vst.idx.msk $0xffff, v48  }
0x268: {  	v62 =	vor.u32 v5, v53;
	v48 =	vld.idx.msk [tilespmem:v61+s3+$0x0], $0xffff  }
0x269: {  	v63 =	vor.u32 v6, v49;
	_ =	sdelay $0x3  }
0x26a: {  	[tilespmem:v62+s19+$0x0] =	vst.idx.msk $0xffff, v48  }
0x26b: {  	v54 =	vor.u32 v7, v53;
	v48 =	vld.idx.msk [tilespmem:v63+s3+$0x0], $0xffff  }
0x26c: {  	v55 =	vor.u32 v8, v49;
	_ =	sdelay $0x3  }
0x26d: {  	[tilespmem:v54+s19+$0x0] =	vst.idx.msk $0xffff, v48  }
0x26e: {  	v56 =	vor.u32 v9, v53;
	v48 =	vld.idx.msk [tilespmem:v55+s3+$0x0], $0xffff  }
0x26f: {  	v57 =	vor.u32 v10, v49;
	_ =	sdelay $0x3  }
0x270: {  	[tilespmem:v56+s19+$0x0] =	vst.idx.msk $0xffff, v48  }
0x271: {  	v58 =	vor.u32 v11, v53;
	v48 =	vld.idx.msk [tilespmem:v57+s3+$0x0], $0xffff  }
0x272: {  	v59 =	vor.u32 v12, v49;
	_ =	sdelay $0x3  }
0x273: {  	[tilespmem:v58+s19+$0x0] =	vst.idx.msk $0xffff, v48  }
0x274: {  	v60 =	vor.u32 v13, v53;
	v48 =	vld.idx.msk [tilespmem:v59+s3+$0x0], $0xffff  }
0x275: {  	v61 =	vor.u32 v14, v49;
	_ =	sdelay $0x3  }
0x276: {  	[tilespmem:v60+s19+$0x0] =	vst.idx.msk $0xffff, v48  }
0x277: {  	v62 =	vor.u32 v15, v53;
	v48 =	vld.idx.msk [tilespmem:v61+s3+$0x0], $0xffff  }
0x278: {  	v63 =	vadd.s32 v16, v49;
	_ =	sdelay $0x3  }
0x279: {  	[tilespmem:v62+s19+$0x0] =	vst.idx.msk $0xffff, v48  }
0x27a: {  	v54 =	vor.u32 v17, v53;
	v48 =	vld.idx.msk [tilespmem:v63+s3+$0x0], $0xffff  }
0x27b: {  	v55 =	vadd.s32 v18, v49;
	_ =	sdelay $0x3  }
0x27c: {  	[tilespmem:v54+s19+$0x0] =	vst.idx.msk $0xffff, v48  }
0x27d: {  	v56 =	vor.u32 v19, v53;
	v48 =	vld.idx.msk [tilespmem:v55+s3+$0x0], $0xffff  }
0x27e: {  	v57 =	vadd.s32 v20, v49;
	_ =	sdelay $0x3  }
0x27f: {  	[tilespmem:v56+s19+$0x0] =	vst.idx.msk $0xffff, v48  }
0x280: {  	v58 =	vor.u32 v21, v53;
	v48 =	vld.idx.msk [tilespmem:v57+s3+$0x0], $0xffff  }
0x281: {  	v59 =	vadd.s32 v22, v49;
	_ =	sdelay $0x3  }
0x282: {  	[tilespmem:v58+s19+$0x0] =	vst.idx.msk $0xffff, v48  }
0x283: {  	v60 =	vor.u32 v23, v53;
	v48 =	vld.idx.msk [tilespmem:v59+s3+$0x0], $0xffff  }
0x284: {  	v61 =	vadd.s32 v24, v49;
	_ =	sdelay $0x3  }
0x285: {  	[tilespmem:v60+s19+$0x0] =	vst.idx.msk $0xffff, v48  }
0x286: {  	v62 =	vor.u32 v25, v53;
	v48 =	vld.idx.msk [tilespmem:v61+s3+$0x0], $0xffff  }
0x287: {  	v63 =	vadd.s32 v26, v49;
	_ =	sdelay $0x3  }
0x288: {  	[tilespmem:v62+s19+$0x0] =	vst.idx.msk $0xffff, v48  }
0x289: {  	v54 =	vor.u32 v27, v53;
	v48 =	vld.idx.msk [tilespmem:v63+s3+$0x0], $0xffff  }
0x28a: {  	v55 =	vadd.s32 v28, v49;
	_ =	sdelay $0x3  }
0x28b: {  	[tilespmem:v54+s19+$0x0] =	vst.idx.msk $0xffff, v48  }
0x28c: {  	v56 =	vor.u32 v29, v53;
	v48 =	vld.idx.msk [tilespmem:v55+s3+$0x0], $0xffff  }
0x28d: {  	v57 =	vadd.s32 v30, v49;
	_ =	sdelay $0x3  }
0x28e: {  	[tilespmem:v56+s19+$0x0] =	vst.idx.msk $0xffff, v48  }
0x28f: {  	v58 =	vor.u32 v31, v53;
	v48 =	vld.idx.msk [tilespmem:v57+s3+$0x0], $0xffff  }
0x290: {  	v59 =	vadd.s32 v32, v49;
	_ =	sdelay $0x3  }
0x291: {  	[tilespmem:v58+s19+$0x0] =	vst.idx.msk $0xffff, v48  }
0x292: {  	v60 =	vor.u32 v33, v53;
	v48 =	vld.idx.msk [tilespmem:v59+s3+$0x0], $0xffff  }
0x293: {  	v61 =	vadd.s32 v34, v49;
	_ =	sdelay $0x3  }
0x294: {  	[tilespmem:v60+s19+$0x0] =	vst.idx.msk $0xffff, v48  }
0x295: {  	v62 =	vor.u32 v35, v53;
	v48 =	vld.idx.msk [tilespmem:v61+s3+$0x0], $0xffff  }
0x296: {  	v63 =	vadd.s32 v36, v49;
	_ =	sdelay $0x3  }
0x297: {  	[tilespmem:v62+s19+$0x0] =	vst.idx.msk $0xffff, v48  }
0x298: {  	v54 =	vor.u32 v37, v53;
	v48 =	vld.idx.msk [tilespmem:v63+s3+$0x0], $0xffff  }
0x299: {  	v55 =	vadd.s32 v38, v49;
	_ =	sdelay $0x3  }
0x29a: {  	[tilespmem:v54+s19+$0x0] =	vst.idx.msk $0xffff, v48  }
0x29b: {  	v56 =	vor.u32 v39, v53;
	v48 =	vld.idx.msk [tilespmem:v55+s3+$0x0], $0xffff  }
0x29c: {  	v57 =	vadd.s32 v40, v49;
	_ =	sdelay $0x3  }
0x29d: {  	[tilespmem:v56+s19+$0x0] =	vst.idx.msk $0xffff, v48  }
0x29e: {  	v58 =	vor.u32 v41, v53;
	v48 =	vld.idx.msk [tilespmem:v57+s3+$0x0], $0xffff  }
0x29f: {  	v59 =	vadd.s32 v42, v49;
	_ =	sdelay $0x3  }
0x2a0: {  	[tilespmem:v58+s19+$0x0] =	vst.idx.msk $0xffff, v48  }
0x2a1: {  	v60 =	vor.u32 v43, v53;
	v48 =	vld.idx.msk [tilespmem:v59+s3+$0x0], $0xffff  }
0x2a2: {  	v61 =	vadd.s32 v44, v49;
	_ =	sdelay $0x3  }
0x2a3: {  	[tilespmem:v60+s19+$0x0] =	vst.idx.msk $0xffff, v48  }
0x2a4: {  	v62 =	vor.u32 v45, v53;
	v48 =	vld.idx.msk [tilespmem:v61+s3+$0x0], $0xffff  }
0x2a5: {  	v49 =	vadd.s32 v46, v49;
	_ =	sdelay $0x3  }
0x2a6: {  	[tilespmem:v62+s19+$0x0] =	vst.idx.msk $0xffff, v48  }
0x2a7: {  	p1 =	sne.s32 s23, $0x3C;
	v63 =	vor.u32 v47, v53;
	v48 =	vld.idx.msk [tilespmem:v49+s3+$0x0], $0xffff  }
.Ltmp8:
0x2a8: {  	_ = 	snop;
	(pc) =	sbr.rel @p1 .LBB2_5-.Ltmp8, $2  }
0x2a9: {  	_ =	sdelay $0x2  }
0x2aa: {  	s23 =	sadd.s32 $0x4, s23;
	[tilespmem:v63+s19+$0x0] =	vst.idx.msk $0xffff, v48  }
.Ltmp9:
0x2ab: {  	_ = 	snop;
	(pc) =	sbr.rel .LBB2_6-.Ltmp9, $1  }
0x2ac: {  	_ =	sdelay $0x3  }
.LBB2_12:
0x2ad: {  	_ =	sfence.sel $0x180000  }
0x2ae: {  	[bflag:$0x0] =	sbarrier.arrive $0xFFFF  }
0x2af: {  	p0 =	sne.s32 s2, $0x0;
	_ =	strace $0x90000047  }
0x2b0: {  	s0 =	sadd.s32 @!p0 $0x100000, s1;
	[bflag:$0x2] =	sbarrier.arrive $0xFFFF  }
0x2b1: {  	[sflag:s0] =	ssyncadd.tile.s32 @!p0 $0x1;
	_ =	shalt  }
.Lfunc_end2:
_tile_overlayer_lowered:
.L_overlay_start_2:
0x2b2: {  	(tag) =	ssettag $0x2  }
0x2b3: {  	s0 =	rddreg [dreg:$0x0];
	s2 =	stileid.u32  }
0x2b4: {  	s1 =	rddreg [dreg:$0x1];
	p0 =	sne.s32 s2, $0x0  }
0x2b5: {  	s3 =	rddreg [dreg:$0x2];
	[bflag:$0x3] =	sbarrier.arrive $0xFFFF;
	s2 =	simm.s32 @!p0 $0x1C05  }
0x2b6: {  	[timem:s3], [sflag:s2] =	dma.local @!p0 [hbm:s0], s1  }
0x2b7: {  	s0 =	simm.s32 @!p0 $0x5  }
0x2b8: {  	_ =	swait.ge @!p0 [sflag:s0], s1  }
0x2b9: {  	s1 =	ssub.s32 @!p0 $0x0, s1;
	[sflag:s0] =	ssyncset.done @!p0 $0x0  }
0x2ba: {  	[sflag:s0] =	ssyncadd.s32 @!p0 s1  }
0x2bb: {  	[bflag:$0x3] =	sbarrier.arrive $0xFFFF  }
0x2bc: {  	_ =	shalt  }

// kernel: kernel.7.cloned.1.call-start
scs
__scs_entry_jumppad:
0x0: {  	(pc) =	sbr.rel $0x88, $3  }
0x1: {  	(tag) =	ssettag $0x0;
	lr =	simm.s32 $0x1  }
0x2: {  	[smem:$0x3F9F] =	sst lr;
	_ =	strace $0xD0000000  }
0x3: {  	_ = 	snop  }
0x4: {  	_ = 	snop  }
0x5: {  	_ = 	snop  }
0x6: {  	_ = 	snop  }
0x7: {  	_ = 	snop  }
__scs_overlays_trampoline_lowered:
0x8: {  	[smem:$0x3FAE] =	sst s0  }
0x9: {  	[smem:$0x3FAF] =	sst s1  }
0xa: {  	[smem:$0x3FB0] =	sst s2  }
0xb: {  	[smem:$0x3FB1] =	sst s3  }
0xc: {  	[smem:$0x3FB2] =	sst s4  }
0xd: {  	[smem:$0x3FB3] =	sst s5  }
0xe: {  	[smem:$0x3FB4] =	sst s6  }
0xf: {  	[smem:$0x3FB5] =	sst s7  }
0x10: {  	[smem:$0x3FB6] =	sst s8  }
0x11: {  	[smem:$0x3FB7] =	sst s9;
	s0 =	simm.s32 @!p0 $0x0  }
0x12: {  	s1 =	sld [smem:$0x3F9D];
	s0 =	simm.s32 @p0 $0x1  }
0x13: {  	[smem:$0x3FB8] =	sst s0;
	s0 =	simm.s32 @!p1 $0x0  }
0x14: {  	s2 =	sld [smem:$0x3F9C];
	s0 =	simm.s32 @p1 $0x1  }
0x15: {  	[smem:$0x3FB9] =	sst s0;
	s0 =	simm.s32 @!p2 $0x0  }
0x16: {  	s3 =	sld [smem:$0x3FDB];
	s0 =	simm.s32 @p2 $0x1  }
0x17: {  	s4 =	simm.s32 $0x1BF5;
	[smem:$0x3FBB] =	sst s0  }
0x18: {  	s0 =	sld [smem:$0x3F9E];
	_ =	swait.ge [sflag:s4], $0x0  }
0x19: {  	s7 =	sld [smem:$0x3F9F]  }
0x1a: {  	s8 =	sadd.s32 $0xFFFFE003, lr  }
0x1b: {  	s9 =	sadd.s32 $0xFFFFFEF7, lr;
	s5 =	simm.s32 $0xFFFFFFFF;
	p2 =	slt.u32 s8, $0xFFFFF086  }
0x1c: {  	p1 =	slt.u32 s9, $0xF7A;
	s5 =	simm.s32 @!p2 $0x0  }
0x1d: {  	s5 =	simm.s32 @p1 $0x1;
	p0 =	seq.s32 s7, s2  }
0x1e: {  	s7 =	smul.u32 @!p0 $0xF7A, s2;
	p2 =	seq.s32 @!p0 s5, $0x0  }
0x1f: {  	s9 =	smul.u32 $0xF7A, s1;
	s8 =	simm.s32 @!p0 $0x1BF5;
	p2 =	por !p2, p0  }
0x20: {  	[sflag:s8] =	ssyncset.s32 @!p0 $0xFFFFF086;
	s6 =	sadd.s32 @!p0 s3, s7;
	s7 =	simm.s32 @!p0 $0x108  }
0x21: {  	s3 =	sadd.s32 s3, s9;
	s6 =	sadd.s32 @!p0 $0x88, s6;
	s7 =	simm.s32 @p2 $0x1082  }
0x22: {  	[simem:s7], [sflag:s8] =	dma.local @!p0 [hbm:s6], $0xF7A  }
0x23: {  	s9 =	sor.u32 $0xD0000000, s2;
	s6 =	simm.s32 $0x108;
	_ =	swait.ge @!p0 [sflag:s8], $0x0  }
0x24: {  	s3 =	sadd.s32 $0x88, s3;
	s6 =	simm.s32 @!p1 $0x1082;
	[sflag:s4] =	ssyncset.s32 $0xFFFFF086  }
0x25: {  	[simem:s6], [sflag:s4] =	dma.local [hbm:s3], $0xF7A  }
0x26: {  	[smem:$0x3F9F] =	sst s1;
	(tag) =	ssettag s2;
	_ =	strace s9  }
0x27: {  	s1 =	sld [smem:$0x3FAF]  }
0x28: {  	s2 =	sld [smem:$0x3FB0]  }
0x29: {  	s4 =	sld [smem:$0x3FB2]  }
0x2a: {  	p0 =	seq.s32 s5, $0x0;
	s5 =	sld [smem:$0x3FB3]  }
0x2b: {  	s6 =	sld [smem:$0x3FB4]  }
0x2c: {  	s7 =	sld [smem:$0x3FB5]  }
0x2d: {  	s3 =	simm.s32 $0x108;
	s8 =	sld [smem:$0x3FB6]  }
0x2e: {  	s3 =	simm.s32 @!p0 $0x1082;
	s9 =	sld [smem:$0x3FB7]  }
0x2f: {  	lr =	sadd.s32 s0, s3;
	s0 =	sld [smem:$0x3FAE]  }
0x30: {  	s3 =	sld [smem:$0x3FB1]  }
0x31: {  	[smem:$0x3FBA] =	sst s10  }
0x32: {  	s10 =	sld [smem:$0x3FB8];
	_ =	sdelay $0x3  }
0x33: {  	p0 =	seq.s32 s10, $0x1;
	s10 =	sld [smem:$0x3FBA];
	_ =	sdelay $0x3  }
0x34: {  	[smem:$0x3FBA] =	sst s10  }
0x35: {  	s10 =	sld [smem:$0x3FB9];
	_ =	sdelay $0x3  }
0x36: {  	p1 =	seq.s32 s10, $0x1;
	s10 =	sld [smem:$0x3FBA];
	_ =	sdelay $0x3  }
0x37: {  	[smem:$0x3FBA] =	sst s10  }
0x38: {  	s10 =	sld [smem:$0x3FBB]  }
0x39: {  	_ = 	snop;
	(pc) =	sbr.ind lr, $3  }
0x3a: {  	_ = 	snop  }
0x3b: {  	_ = 	snop  }
0x3c: {  	p2 =	seq.s32 s10, $0x1;
	s10 =	sld [smem:$0x3FBA]  }
0x3d: {  	_ =	shalt  }
0x3e: {  	_ =	shalt  }
0x3f: {  	_ =	shalt  }
0x40: {  	_ =	shalt  }
0x41: {  	_ =	shalt  }
0x42: {  	_ =	shalt  }
0x43: {  	_ =	shalt  }
0x44: {  	_ =	shalt  }
0x45: {  	_ =	shalt  }
0x46: {  	_ =	shalt  }
0x47: {  	_ =	shalt  }
0x48: {  	_ =	shalt  }
0x49: {  	_ =	shalt  }
0x4a: {  	_ =	shalt  }
0x4b: {  	_ =	shalt  }
0x4c: {  	_ =	shalt  }
0x4d: {  	_ =	shalt  }
0x4e: {  	_ =	shalt  }
0x4f: {  	_ =	shalt  }
0x50: {  	_ =	shalt  }
0x51: {  	_ =	shalt  }
0x52: {  	_ =	shalt  }
0x53: {  	_ =	shalt  }
0x54: {  	_ =	shalt  }
0x55: {  	_ =	shalt  }
0x56: {  	_ =	shalt  }
0x57: {  	_ =	shalt  }
0x58: {  	_ =	shalt  }
0x59: {  	_ =	shalt  }
0x5a: {  	_ =	shalt  }
0x5b: {  	_ =	shalt  }
0x5c: {  	_ =	shalt  }
0x5d: {  	_ =	shalt  }
0x5e: {  	_ =	shalt  }
0x5f: {  	_ =	shalt  }
0x60: {  	_ =	shalt  }
0x61: {  	_ =	shalt  }
0x62: {  	_ =	shalt  }
0x63: {  	_ =	shalt  }
0x64: {  	_ =	shalt  }
0x65: {  	_ =	shalt  }
0x66: {  	_ =	shalt  }
0x67: {  	_ =	shalt  }
0x68: {  	_ =	shalt  }
0x69: {  	_ =	shalt  }
0x6a: {  	_ =	shalt  }
0x6b: {  	_ =	shalt  }
0x6c: {  	_ =	shalt  }
0x6d: {  	_ =	shalt  }
0x6e: {  	_ =	shalt  }
0x6f: {  	_ =	shalt  }
0x70: {  	_ =	shalt  }
0x71: {  	_ =	shalt  }
0x72: {  	_ =	shalt  }
0x73: {  	_ =	shalt  }
0x74: {  	_ =	shalt  }
0x75: {  	_ =	shalt  }
0x76: {  	_ =	shalt  }
0x77: {  	_ =	shalt  }
0x78: {  	_ =	shalt  }
0x79: {  	_ =	shalt  }
0x7a: {  	_ =	shalt  }
0x7b: {  	_ =	shalt  }
0x7c: {  	_ =	shalt  }
0x7d: {  	_ =	shalt  }
0x7e: {  	_ =	shalt  }
0x7f: {  	_ =	shalt  }
0x80: {  	_ =	shalt  }
0x81: {  	_ =	shalt  }
0x82: {  	_ =	shalt  }
0x83: {  	_ =	shalt  }
0x84: {  	_ =	shalt  }
0x85: {  	_ =	shalt  }
0x86: {  	_ =	shalt  }
0x87: {  	_ =	shalt  }
.Lfunc_end0:
.L_simem_size_0:
called_computation.2_lowered:
.L_overlay_start_0:
0x88: {  	s2 =	sld [smem:$0x3FD9]  }
0x89: {  	s3 =	sld [smem:$0x3FFE];
	_ =	sdelay $0x1  }
0x8a: {  	s1 =	srdreg.scid  }
0x8b: {  	s0 =	sand.u32 $0x1, s1  }
0x8c: {  	s17 =	sshll.u32 s0, $0xA;
	s2 =	sadd.s32 s3, s2  }
0x8d: {  	s2 =	sadd.s32 s2, s17  }
0x8e: {  	[smem:$0x3FC6] =	sst s2  }
0x8f: {  	_ = 	snop  }
0x90: {  	s2 =	sld [smem:$0x3FD0];
	(tm) =	ssettm $0x1  }
0x91: {  	s18 =	sld [smem:$0x3FFB];
	_ =	sdelay $0x3  }
0x92: {  	_ =	strace s18  }
0x93: {  	s3 =	sld [smem:$0x3FFC];
	_ =	sdelay $0x3  }
0x94: {  	_ =	strace s3  }
0x95: {  	s3 =	sld [smem:$0x3FFD];
	_ =	sdelay $0x3  }
0x96: {  	_ =	strace s3  }
0x97: {  	_ =	strace $0x8FFFFFFF  }
0x98: {  	s19 =	sld [smem:$0x3FDB];
	_ =	sdelay $0x1  }
0x99: {  	s4 =	simm.s32 $_scs_section_size  }
0x9a: {  	s5 =	simm.s32 $_size__tile_overlayer_lowered;
	s6 =	simm.s32 $_tile_overlayer_lowered  }
0x9b: {  	s22 =	simm.s32 $0x1BFF;
	s21 =	sshll.u32 s6, $0x1;
	s3 =	sadd.s32 s4, s19  }
0x9c: {  	s7 =	simm.s32 $0x0;
	s20 =	sshll.u32 s5, $0x1;
	s5 =	sadd.s32 s21, s3  }
0x9d: {  	[timem:s7], [sflag:s22] =	dma.local [hbm:s5], s20  }
0x9e: {  	_ =	swait.ge [sflag:s22], s20  }
0x9f: {  	s4 =	ssub.s32 $0x0, s20;
	[sflag:s22] =	ssyncset.done $0x0  }
0xa0: {  	[sflag:s22] =	ssyncadd.s32 s4;
	_ =	sdelay $0x1  }
0xa1: {  	s23 =	simm.s32 $0x1B8B  }
0xa2: {  	_ =	swait.ge [sflag:s23], $0x1  }
0xa3: {  	[sflag:s23] =	ssyncset.done $0x0  }
0xa4: {  	s25 =	simm.s32 $0x1B8E;
	s24 =	sld [smem:$0x3FFE];
	[sflag:s23] =	ssyncadd.s32 $0xFFFFFFFF  }
0xa5: {  	s26 =	simm.s32 $execute0_lowered;
	[smem:$0x3FD2] =	sst s25  }
0xa6: {  	s5 =	sshll.u32 s26, $0x1;
	_ =	strace $0x80000049;
	[dreg:$0x1] =	wrdreg $0xFFFFFFFF  }
0xa7: {  	s28 =	simm.s32 $_size_execute0_lowered;
	s3 =	sadd.s32 s3, s5;
	[dreg:$0x0] =	wrdreg $0x0  }
0xa8: {  	s5 =	sshll.u32 s28, $0x1;
	[dreg:$0x2] =	wrdreg s3  }
0xa9: {  	[dreg:$0x3] =	wrdreg s5  }
0xaa: {  	[dreg:$0x4] =	wrdreg $0xC0  }
0xab: {  	_ =	task [dreg:s7], $0x5FFFF  }
0xac: {  	[dreg:$0x1] =	wrdreg $0xFFFFFFFF  }
0xad: {  	[dreg:$0x0] =	wrdreg $0x60  }
0xae: {  	[dreg:$0x2] =	wrdreg s2  }
0xaf: {  	[dreg:$0x3] =	wrdreg s24  }
0xb0: {  	[dreg:$0x4] =	wrdreg $0x9  }
0xb1: {  	_ =	task.clear_ibuf [dreg:s7], $0x5FFFF;
	_ =	strace $0x90000049  }
0xb2: {  	s29 =	simm.s32 $0x9;
	_ =	strace $0x8000004B  }
0xb3: {  	_ =	swait.ge [sflag:s29], $0x1  }
0xb4: {  	[sflag:s29] =	ssyncadd.s32 $0xFFFFFFFF  }
0xb5: {  	_ =	strace $0x9000004B  }
0xb6: {  	_ =	sfence  }
0xb7: {  	s30 =	sld [smem:$0x0];
	_ =	sdelay $0x2  }
0xb8: {  	s31 =	sshll.u32 s1, $0xD;
	s1 =	sshrl.u32 s1, $0x2  }
0xb9: {  	s3 =	sand.u32 $0x4000, s31;
	s1 =	sadd.s32 s1, s30  }
0xba: {  	s0 =	sor.u32 s3, s0;
	s1 =	sshll.u32 s1, $0x11  }
0xbb: {  	s0 =	sor.u32 s1, s0  }
0xbc: {  	s0 =	sadd.s32 $0x8F2B, s0  }
0xbd: {  	[sflag:s0] =	ssyncadd.remote.s32 $0x1  }
0xbe: {  	_ =	sfence.sel $0xFFFF  }
0xbf: {  	[dreg:$0x0] =	wrdreg $0xFFFFFFFF;
	(pc) =	sbr.abs _section_cstart, $3  }
0xc0: {  	[dreg:$0x1] =	wrdreg $0xFFFFFFFF  }
0xc1: {  	_ =	task.clear_ibuf [dreg:s7], $0x2FFFF;
	_ =	strace $0x9FFFFFFF  }
0xc2: {  	(tm) =	ssettm $0x7FFFFFFF  }
0xc3: {  	_ =	shalt  }
tec
execute0_lowered:
.L_overlay_start_1:
0x0: {  	(tag) =	ssettag $0x1  }
0x1: {  	s0 =	srdreg.scid;
	s2 =	rddreg [dreg:$0x0]  }
0x2: {  	s3 =	stileid.u32;
	s4 =	rddreg [dreg:$0x1]  }
0x3: {  	s6 =	simm.s32 $0x0;
	s13 =	simm.s32 $0x5;
	s14 =	simm.s32 $0x80  }
0x4: {  	s15 =	simm.s32 $0x6400;
	s16 =	simm.s32 $0x8400;
	s18 =	simm.s32 $0xA400  }
0x5: {  	s20 =	simm.s32 $0xC400;
	s21 =	simm.s32 $0x1;
	s23 =	simm.s32 $0xE400  }
0x6: {  	s28 =	simm.s32 $0x12400;
	s30 =	simm.s32 $0x14400;
	s31 =	simm.s32 $0x40  }
0x7: {  	s24 =	simm.s32 $0x0;
	s0 =	sand.u32 $0x1, s0;
	s1 =	sshll.u32 s3, $0x1  }
0x8: {  	[smem:$0x7FF] =	sst s6;
	s7 =	smul.u32 $0x640000, s3;
	s3 =	sadd.s32 $0x1000, s4  }
0x9: {  	s1 =	sor.u32 s0, s1;
	s25 =	ssub.s32 $0x2, s0;
	s0 =	smul.u32 $0x320000, s0  }
0xa: {  	s4 =	sadd.s32 $0x7A2200, s4;
	s5 =	smul.u32 $0xC80, s1;
	s8 =	sshrl.u32 s25, $0x1  }
0xb: {  	_ =	strace $0x8000004A;
	s1 =	smul.u32 $0x320000, s1;
	s6 =	ssub.s32 s25, s8  }
0xc: {  	s0 =	sadd.s32 s0, s7;
	s25 =	simm.s32 $0x10400;
	s2 =	sadd.s32 s2, s5  }
0xd: {  	s1 =	sshrl.u32 s1, $0x3;
	s26 =	smax.u32 s6, $0x1;
	s29 =	sadd.s32 $0x30000, s0  }
0xe: {  	s11 =	sadd.s32 $0x20000, s0;
	s0 =	simm.s32 $0x3;
	[dreg:$0x3] =	wrdreg s2  }
0xf: {  	[dreg:$0x4] =	wrdreg s26;
	s7 =	sadd.s32 s4, s1;
	s1 =	sshrl.u32 s29, $0x3  }
0x10: {  	s26 =	simm.s32 $0x4;
	s8 =	sadd.s32 $0x2000, s7;
	s9 =	sadd.s32 $0x60000, s7  }
0x11: {  	s10 =	sadd.s32 $0x62000, s7;
	s22 =	sadd.s32 s1, s4;
	s1 =	simm.s32 $0x2  }
.LBB2_1:
0x12: {  	s2 =	simm.s32 $0x0;
	s5 =	rddreg [dreg:$0x3]  }
0x13: {  	[tilespmem:s2], [sflag:$0x5] =	stream.linear.gather [hbm4b:s5+s2], $0x6400, $0x38;
	[tilespmem:$0x16400] =	vst v63  }
0x14: {  	_ =	swait.ge [sflag:s13], $0x6400  }
0x15: {  	[sflag:s13] =	ssyncset.done $0x0  }
0x16: {  	[sflag:s13] =	ssyncadd.s32 $0xFFFF9C00  }
0x17: {  	[tilespmem:s15], [sflag:$0x1] =	stream.indirect.gather [hbm4b:s3+s14], $0x40, s2, s14, $0xb8;
	[tilespmem:$0x16400] =	vst v63  }
0x18: {  	_ = 	snop  }
0x19: {  	[tilespmem:s16], [sflag:$0x1] =	stream.indirect.gather [hbm4b:s3+s14], $0x40, s14, s14, $0xb8;
	[tilespmem:$0x16400] =	vst v63  }
0x1a: {  	s6 =	simm.s32 $0x100  }
0x1b: {  	[tilespmem:s18], [sflag:$0x1] =	stream.indirect.gather [hbm4b:s3+s14], $0x40, s6, s14, $0xb8;
	[tilespmem:$0x16400] =	vst v63  }
0x1c: {  	s12 =	simm.s32 $0x180  }
0x1d: {  	[tilespmem:s20], [sflag:$0x1] =	stream.indirect.gather [hbm4b:s3+s14], $0x40, s12, s14, $0xb8;
	[tilespmem:$0x16400] =	vst v63  }
0x1e: {  	_ =	swait.ge [sflag:s21], $0x2000  }
0x1f: {  	[sflag:s21] =	ssyncset.done $0x0  }
0x20: {  	[sflag:s21] =	ssyncadd.s32 $0xFFFFE000  }
0x21: {  	_ =	swait.ge [sflag:s21], $0x2000  }
0x22: {  	[sflag:s21] =	ssyncset.done $0x0  }
0x23: {  	[sflag:s21] =	ssyncadd.s32 $0xFFFFE000  }
0x24: {  	_ =	swait.ge [sflag:s21], $0x2000  }
0x25: {  	[sflag:s21] =	ssyncset.done $0x0  }
0x26: {  	[sflag:s21] =	ssyncadd.s32 $0xFFFFE000  }
0x27: {  	_ =	swait.ge [sflag:s21], $0x2000  }
0x28: {  	[sflag:s21] =	ssyncset.done $0x0  }
0x29: {  	s17 =	simm.s32 $0x200;
	[sflag:s21] =	ssyncadd.s32 $0xFFFFE000  }
0x2a: {  	[tilespmem:s23], [sflag:$0x2] =	stream.indirect.gather [hbm4b:s3+s14], $0x40, s17, s14, $0xb8;
	[tilespmem:$0x16400] =	vst v63  }
0x2b: {  	s19 =	simm.s32 $0x280  }
0x2c: {  	[tilespmem:s25], [sflag:$0x2] =	stream.indirect.gather [hbm4b:s3+s14], $0x40, s19, s14, $0xb8;
	[tilespmem:$0x16400] =	vst v63  }
0x2d: {  	s5 =	simm.s32 $0x300  }
0x2e: {  	[tilespmem:s28], [sflag:$0x2] =	stream.indirect.gather [hbm4b:s3+s14], $0x40, s5, s14, $0xb8;
	[tilespmem:$0x16400] =	vst v63  }
0x2f: {  	s6 =	simm.s32 $0x380  }
0x30: {  	[tilespmem:s30], [sflag:$0x2] =	stream.indirect.gather [hbm4b:s3+s14], $0x40, s6, s14, $0xb8;
	[tilespmem:$0x16400] =	vst v63  }
0x31: {  	_ = 	snop  }
0x32: {  	[hbm4b:s7+s31] =	stream.strided.scatter [tilespmem:s15], [sflag:$0x3], $0x8000, s14, s31, $0x38;
	[tilespmem:$0x16400] =	vst v63  }
0x33: {  	_ =	swait.ge [sflag:s1], $0x2000  }
0x34: {  	[sflag:s1] =	ssyncset.done $0x0  }
0x35: {  	[sflag:s1] =	ssyncadd.s32 $0xFFFFE000  }
0x36: {  	_ =	swait.ge [sflag:s1], $0x2000  }
0x37: {  	[sflag:s1] =	ssyncset.done $0x0  }
0x38: {  	[sflag:s1] =	ssyncadd.s32 $0xFFFFE000  }
0x39: {  	_ =	swait.ge [sflag:s1], $0x2000  }
0x3a: {  	[sflag:s1] =	ssyncset.done $0x0  }
0x3b: {  	[sflag:s1] =	ssyncadd.s32 $0xFFFFE000  }
0x3c: {  	_ =	swait.ge [sflag:s1], $0x2000  }
0x3d: {  	[sflag:s1] =	ssyncset.done $0x0  }
0x3e: {  	[sflag:s1] =	ssyncadd.s32 $0xFFFFE000  }
0x3f: {  	_ =	swait.ge [sflag:s0], $0x8000  }
0x40: {  	[sflag:s0] =	ssyncset.done $0x0  }
0x41: {  	s12 =	simm.s32 $0x400;
	[sflag:s0] =	ssyncadd.s32 $0xFFFF8000  }
0x42: {  	[tilespmem:s15], [sflag:$0x1] =	stream.indirect.gather [hbm4b:s3+s14], $0x40, s12, s14, $0xb8;
	[tilespmem:$0x16400] =	vst v63  }
0x43: {  	s17 =	simm.s32 $0x480  }
0x44: {  	[tilespmem:s16], [sflag:$0x1] =	stream.indirect.gather [hbm4b:s3+s14], $0x40, s17, s14, $0xb8;
	[tilespmem:$0x16400] =	vst v63  }
0x45: {  	s19 =	simm.s32 $0x500  }
0x46: {  	[tilespmem:s18], [sflag:$0x1] =	stream.indirect.gather [hbm4b:s3+s14], $0x40, s19, s14, $0xb8;
	[tilespmem:$0x16400] =	vst v63  }
0x47: {  	s5 =	simm.s32 $0x580  }
0x48: {  	[tilespmem:s20], [sflag:$0x1] =	stream.indirect.gather [hbm4b:s3+s14], $0x40, s5, s14, $0xb8;
	[tilespmem:$0x16400] =	vst v63  }
0x49: {  	_ = 	snop  }
0x4a: {  	[hbm4b:s8+s31] =	stream.strided.scatter [tilespmem:s23], [sflag:$0x4], $0x8000, s14, s31, $0x38;
	[tilespmem:$0x16400] =	vst v63  }
0x4b: {  	_ =	swait.ge [sflag:s21], $0x2000  }
0x4c: {  	[sflag:s21] =	ssyncset.done $0x0  }
0x4d: {  	[sflag:s21] =	ssyncadd.s32 $0xFFFFE000  }
0x4e: {  	_ =	swait.ge [sflag:s21], $0x2000  }
0x4f: {  	[sflag:s21] =	ssyncset.done $0x0  }
0x50: {  	[sflag:s21] =	ssyncadd.s32 $0xFFFFE000  }
0x51: {  	_ =	swait.ge [sflag:s21], $0x2000  }
0x52: {  	[sflag:s21] =	ssyncset.done $0x0  }
0x53: {  	[sflag:s21] =	ssyncadd.s32 $0xFFFFE000  }
0x54: {  	_ =	swait.ge [sflag:s21], $0x2000  }
0x55: {  	[sflag:s21] =	ssyncset.done $0x0  }
0x56: {  	[sflag:s21] =	ssyncadd.s32 $0xFFFFE000  }
0x57: {  	_ =	swait.ge [sflag:s26], $0x8000  }
0x58: {  	[sflag:s26] =	ssyncset.done $0x0  }
0x59: {  	s6 =	simm.s32 $0x600;
	[sflag:s26] =	ssyncadd.s32 $0xFFFF8000  }
0x5a: {  	[tilespmem:s23], [sflag:$0x2] =	stream.indirect.gather [hbm4b:s3+s14], $0x40, s6, s14, $0xb8;
	[tilespmem:$0x16400] =	vst v63  }
0x5b: {  	s12 =	simm.s32 $0x680  }
0x5c: {  	[tilespmem:s25], [sflag:$0x2] =	stream.indirect.gather [hbm4b:s3+s14], $0x40, s12, s14, $0xb8;
	[tilespmem:$0x16400] =	vst v63  }
0x5d: {  	s17 =	simm.s32 $0x700  }
0x5e: {  	[tilespmem:s28], [sflag:$0x2] =	stream.indirect.gather [hbm4b:s3+s14], $0x40, s17, s14, $0xb8;
	[tilespmem:$0x16400] =	vst v63  }
0x5f: {  	s19 =	simm.s32 $0x780;
	s12 =	sshrl.u32 s11, $0x3  }
0x60: {  	[tilespmem:s30], [sflag:$0x2] =	stream.indirect.gather [hbm4b:s3+s14], $0x40, s19, s14, $0xb8;
	[tilespmem:$0x16400] =	vst v63  }
0x61: {  	s5 =	sadd.s32 s4, s12  }
0x62: {  	[hbm4b:s5+s31] =	stream.strided.scatter [tilespmem:s15], [sflag:$0x3], $0x8000, s14, s31, $0x38;
	[tilespmem:$0x16400] =	vst v63  }
0x63: {  	_ =	swait.ge [sflag:s1], $0x2000  }
0x64: {  	[sflag:s1] =	ssyncset.done $0x0  }
0x65: {  	[sflag:s1] =	ssyncadd.s32 $0xFFFFE000  }
0x66: {  	_ =	swait.ge [sflag:s1], $0x2000  }
0x67: {  	[sflag:s1] =	ssyncset.done $0x0  }
0x68: {  	[sflag:s1] =	ssyncadd.s32 $0xFFFFE000  }
0x69: {  	_ =	swait.ge [sflag:s1], $0x2000  }
0x6a: {  	[sflag:s1] =	ssyncset.done $0x0  }
0x6b: {  	[sflag:s1] =	ssyncadd.s32 $0xFFFFE000  }
0x6c: {  	_ =	swait.ge [sflag:s1], $0x2000  }
0x6d: {  	[sflag:s1] =	ssyncset.done $0x0  }
0x6e: {  	[sflag:s1] =	ssyncadd.s32 $0xFFFFE000  }
0x6f: {  	_ =	swait.ge [sflag:s0], $0x8000  }
0x70: {  	[sflag:s0] =	ssyncset.done $0x0  }
0x71: {  	s6 =	simm.s32 $0x800;
	[sflag:s0] =	ssyncadd.s32 $0xFFFF8000  }
0x72: {  	[tilespmem:s15], [sflag:$0x1] =	stream.indirect.gather [hbm4b:s3+s14], $0x40, s6, s14, $0xb8;
	[tilespmem:$0x16400] =	vst v63  }
0x73: {  	s12 =	simm.s32 $0x880  }
0x74: {  	[tilespmem:s16], [sflag:$0x1] =	stream.indirect.gather [hbm4b:s3+s14], $0x40, s12, s14, $0xb8;
	[tilespmem:$0x16400] =	vst v63  }
0x75: {  	s17 =	simm.s32 $0x900  }
0x76: {  	[tilespmem:s18], [sflag:$0x1] =	stream.indirect.gather [hbm4b:s3+s14], $0x40, s17, s14, $0xb8;
	[tilespmem:$0x16400] =	vst v63  }
0x77: {  	s29 =	simm.s32 $0x1000;
	s19 =	simm.s32 $0x980  }
0x78: {  	[tilespmem:s20], [sflag:$0x1] =	stream.indirect.gather [hbm4b:s3+s14], $0x40, s19, s14, $0xb8;
	[tilespmem:$0x16400] =	vst v63  }
0x79: {  	s12 =	smov.u32 s22;
	s17 =	sadd.s32 $0x20000, s11;
	s19 =	sadd.s32 $0x4000, s22  }
.LBB2_2:
0x7a: {  	[hbm4b:s12+s31] =	stream.strided.scatter [tilespmem:s23], [sflag:$0x4], $0x8000, s14, s31, $0x38;
	[tilespmem:$0x16400] =	vst v63  }
0x7b: {  	s2 =	smov.u32 s29;
	s12 =	smov.u32 s19  }
0x7c: {  	p0 =	sne.s32 s29, $0x16000;
	s29 =	sadd.s32 $0x1000, s29;
	_ =	swait.ge [sflag:s21], $0x2000  }
0x7d: {  	[sflag:s21] =	ssyncset.done $0x0  }
0x7e: {  	[sflag:s21] =	ssyncadd.s32 $0xFFFFE000  }
0x7f: {  	_ =	swait.ge [sflag:s21], $0x2000  }
0x80: {  	[sflag:s21] =	ssyncset.done $0x0  }
0x81: {  	[sflag:s21] =	ssyncadd.s32 $0xFFFFE000  }
0x82: {  	_ =	swait.ge [sflag:s21], $0x2000  }
0x83: {  	[sflag:s21] =	ssyncset.done $0x0  }
0x84: {  	[sflag:s21] =	ssyncadd.s32 $0xFFFFE000  }
0x85: {  	_ =	swait.ge [sflag:s21], $0x2000  }
0x86: {  	[sflag:s21] =	ssyncset.done $0x0  }
0x87: {  	[sflag:s21] =	ssyncadd.s32 $0xFFFFE000  }
0x88: {  	_ =	swait.ge [sflag:s26], $0x8000  }
0x89: {  	s2 =	sshra.s32 s2, $0x2;
	[sflag:s26] =	ssyncset.done $0x0  }
0x8a: {  	s5 =	sadd.s32 $0x600, s2;
	[sflag:s26] =	ssyncadd.s32 $0xFFFF8000  }
0x8b: {  	[tilespmem:s23], [sflag:$0x2] =	stream.indirect.gather [hbm4b:s3+s14], $0x40, s5, s14, $0xb8;
	[tilespmem:$0x16400] =	vst v63  }
0x8c: {  	s5 =	sadd.s32 $0x680, s2  }
0x8d: {  	[tilespmem:s25], [sflag:$0x2] =	stream.indirect.gather [hbm4b:s3+s14], $0x40, s5, s14, $0xb8;
	[tilespmem:$0x16400] =	vst v63  }
0x8e: {  	s5 =	sadd.s32 $0x700, s2  }
0x8f: {  	[tilespmem:s28], [sflag:$0x2] =	stream.indirect.gather [hbm4b:s3+s14], $0x40, s5, s14, $0xb8;
	[tilespmem:$0x16400] =	vst v63  }
0x90: {  	s6 =	sshrl.u32 s17, $0x3;
	s5 =	sadd.s32 $0x780, s2  }
0x91: {  	[tilespmem:s30], [sflag:$0x2] =	stream.indirect.gather [hbm4b:s3+s14], $0x40, s5, s14, $0xb8;
	[tilespmem:$0x16400] =	vst v63  }
0x92: {  	s5 =	sadd.s32 s4, s6  }
0x93: {  	[hbm4b:s5+s31] =	stream.strided.scatter [tilespmem:s15], [sflag:$0x3], $0x8000, s14, s31, $0x38;
	[tilespmem:$0x16400] =	vst v63  }
0x94: {  	_ =	swait.ge [sflag:s1], $0x2000  }
0x95: {  	[sflag:s1] =	ssyncset.done $0x0  }
0x96: {  	[sflag:s1] =	ssyncadd.s32 $0xFFFFE000  }
0x97: {  	_ =	swait.ge [sflag:s1], $0x2000  }
0x98: {  	[sflag:s1] =	ssyncset.done $0x0  }
0x99: {  	[sflag:s1] =	ssyncadd.s32 $0xFFFFE000  }
0x9a: {  	_ =	swait.ge [sflag:s1], $0x2000  }
0x9b: {  	[sflag:s1] =	ssyncset.done $0x0  }
0x9c: {  	[sflag:s1] =	ssyncadd.s32 $0xFFFFE000  }
0x9d: {  	_ =	swait.ge [sflag:s1], $0x2000  }
0x9e: {  	[sflag:s1] =	ssyncset.done $0x0  }
0x9f: {  	[sflag:s1] =	ssyncadd.s32 $0xFFFFE000  }
0xa0: {  	_ =	swait.ge [sflag:s0], $0x8000  }
0xa1: {  	[sflag:s0] =	ssyncset.done $0x0  }
0xa2: {  	s5 =	sadd.s32 $0x800, s2;
	[sflag:s0] =	ssyncadd.s32 $0xFFFF8000  }
0xa3: {  	[tilespmem:s15], [sflag:$0x1] =	stream.indirect.gather [hbm4b:s3+s14], $0x40, s5, s14, $0xb8;
	[tilespmem:$0x16400] =	vst v63  }
0xa4: {  	s5 =	sadd.s32 $0x880, s2  }
0xa5: {  	[tilespmem:s16], [sflag:$0x1] =	stream.indirect.gather [hbm4b:s3+s14], $0x40, s5, s14, $0xb8;
	[tilespmem:$0x16400] =	vst v63  }
.Ltmp0:
0xa6: {  	s5 =	sadd.s32 $0x900, s2;
	(pc) =	sbr.rel @p0 .LBB2_2-.Ltmp0, $4  }
0xa7: {  	[tilespmem:s18], [sflag:$0x1] =	stream.indirect.gather [hbm4b:s3+s14], $0x40, s5, s14, $0xb8;
	[tilespmem:$0x16400] =	vst v63  }
0xa8: {  	s2 =	sadd.s32 $0x980, s2  }
0xa9: {  	[tilespmem:s20], [sflag:$0x1] =	stream.indirect.gather [hbm4b:s3+s14], $0x40, s2, s14, $0xb8;
	[tilespmem:$0x16400] =	vst v63  }
0xaa: {  	s17 =	sadd.s32 $0x20000, s17;
	s19 =	sadd.s32 $0x4000, s19  }
0xab: {  	[hbm4b:s12+s31] =	stream.strided.scatter [tilespmem:s23], [sflag:$0x4], $0x8000, s14, s31, $0x38;
	[tilespmem:$0x16400] =	vst v63  }
0xac: {  	_ =	swait.ge [sflag:s21], $0x2000  }
0xad: {  	[sflag:s21] =	ssyncset.done $0x0  }
0xae: {  	[sflag:s21] =	ssyncadd.s32 $0xFFFFE000  }
0xaf: {  	_ =	swait.ge [sflag:s21], $0x2000  }
0xb0: {  	[sflag:s21] =	ssyncset.done $0x0  }
0xb1: {  	[sflag:s21] =	ssyncadd.s32 $0xFFFFE000  }
0xb2: {  	_ =	swait.ge [sflag:s21], $0x2000  }
0xb3: {  	[sflag:s21] =	ssyncset.done $0x0  }
0xb4: {  	[sflag:s21] =	ssyncadd.s32 $0xFFFFE000  }
0xb5: {  	_ =	swait.ge [sflag:s21], $0x2000  }
0xb6: {  	[sflag:s21] =	ssyncset.done $0x0  }
0xb7: {  	[sflag:s21] =	ssyncadd.s32 $0xFFFFE000  }
0xb8: {  	_ =	swait.ge [sflag:s26], $0x8000  }
0xb9: {  	[sflag:s26] =	ssyncset.done $0x0  }
0xba: {  	s2 =	simm.s32 $0x6200;
	[sflag:s26] =	ssyncadd.s32 $0xFFFF8000  }
0xbb: {  	[tilespmem:s23], [sflag:$0x2] =	stream.indirect.gather [hbm4b:s3+s14], $0x40, s2, s14, $0xb8;
	[tilespmem:$0x16400] =	vst v63  }
0xbc: {  	s12 =	simm.s32 $0x6280  }
0xbd: {  	[tilespmem:s25], [sflag:$0x2] =	stream.indirect.gather [hbm4b:s3+s14], $0x40, s12, s14, $0xb8;
	[tilespmem:$0x16400] =	vst v63  }
0xbe: {  	s17 =	simm.s32 $0x6300  }
0xbf: {  	[tilespmem:s28], [sflag:$0x2] =	stream.indirect.gather [hbm4b:s3+s14], $0x40, s17, s14, $0xb8;
	[tilespmem:$0x16400] =	vst v63  }
0xc0: {  	s19 =	simm.s32 $0x6380  }
0xc1: {  	[tilespmem:s30], [sflag:$0x2] =	stream.indirect.gather [hbm4b:s3+s14], $0x40, s19, s14, $0xb8;
	[tilespmem:$0x16400] =	vst v63  }
0xc2: {  	_ = 	snop  }
0xc3: {  	[hbm4b:s9+s31] =	stream.strided.scatter [tilespmem:s15], [sflag:$0x3], $0x8000, s14, s31, $0x38;
	[tilespmem:$0x16400] =	vst v63  }
0xc4: {  	_ =	swait.ge [sflag:s1], $0x2000  }
0xc5: {  	[sflag:s1] =	ssyncset.done $0x0  }
0xc6: {  	[sflag:s1] =	ssyncadd.s32 $0xFFFFE000  }
0xc7: {  	_ =	swait.ge [sflag:s1], $0x2000  }
0xc8: {  	[sflag:s1] =	ssyncset.done $0x0  }
0xc9: {  	[sflag:s1] =	ssyncadd.s32 $0xFFFFE000  }
0xca: {  	_ =	swait.ge [sflag:s1], $0x2000  }
0xcb: {  	[sflag:s1] =	ssyncset.done $0x0  }
0xcc: {  	[sflag:s1] =	ssyncadd.s32 $0xFFFFE000  }
0xcd: {  	_ =	swait.ge [sflag:s1], $0x2000  }
0xce: {  	[sflag:s1] =	ssyncset.done $0x0  }
0xcf: {  	[sflag:s1] =	ssyncadd.s32 $0xFFFFE000  }
0xd0: {  	[hbm4b:s10+s31] =	stream.strided.scatter [tilespmem:s23], [sflag:$0x4], $0x8000, s14, s31, $0x38;
	[tilespmem:$0x16400] =	vst v63  }
0xd1: {  	_ =	swait.ge [sflag:s0], $0x8000  }
0xd2: {  	[sflag:s0] =	ssyncset.done $0x0  }
0xd3: {  	[sflag:s0] =	ssyncadd.s32 $0xFFFF8000  }
0xd4: {  	_ =	swait.ge [sflag:s26], $0x8000  }
0xd5: {  	s24 =	sadd.s32 $0x1, s24;
	s29 =	rddreg [dreg:$0x4]  }
0xd6: {  	p0 =	sne.s32 s24, s29  }
.Ltmp1:
0xd7: {  	_ = 	snop;
	(pc) =	sbr.rel @p0 .LBB2_1-.Ltmp1, $3  }
0xd8: {  	_ =	sdelay $0x1  }
0xd9: {  	[sflag:s26] =	ssyncset.done $0x0  }
0xda: {  	[sflag:s26] =	ssyncadd.s32 $0xFFFF8000  }
0xdb: {  	_ =	sfence.sel $0x180000  }
0xdc: {  	[bflag:$0x0] =	sbarrier.arrive $0xFFFF  }
0xdd: {  	_ =	strace $0x9000004A  }
0xde: {  	s0 =	stileid.u32;
	[bflag:$0x2] =	sbarrier.arrive $0xFFFF  }
0xdf: {  	p0 =	sne.s32 s0, $0x0;
	s0 =	rddreg [dreg:$0x2]  }
0xe0: {  	s0 =	sadd.s32 @!p0 $0x100000, s0  }
0xe1: {  	[sflag:s0] =	ssyncadd.tile.s32 @!p0 $0x1;
	_ =	shalt  }
.Lfunc_end2:
_tile_overlayer_lowered:
.L_overlay_start_2:
0xe2: {  	(tag) =	ssettag $0x2  }
0xe3: {  	s0 =	rddreg [dreg:$0x0];
	s2 =	stileid.u32  }
0xe4: {  	s1 =	rddreg [dreg:$0x1];
	p0 =	sne.s32 s2, $0x0  }
0xe5: {  	s3 =	rddreg [dreg:$0x2];
	[bflag:$0x3] =	sbarrier.arrive $0xFFFF;
	s2 =	simm.s32 @!p0 $0x1C05  }
0xe6: {  	[timem:s3], [sflag:s2] =	dma.local @!p0 [hbm:s0], s1  }
0xe7: {  	s0 =	simm.s32 @!p0 $0x5  }
0xe8: {  	_ =	swait.ge @!p0 [sflag:s0], s1  }
0xe9: {  	s1 =	ssub.s32 @!p0 $0x0, s1;
	[sflag:s0] =	ssyncset.done @!p0 $0x0  }
0xea: {  	[sflag:s0] =	ssyncadd.s32 @!p0 s1  }
0xeb: {  	[bflag:$0x3] =	sbarrier.arrive $0xFFFF  }
0xec: {  	_ =	shalt  }

// kernel: sparse-core-data-format-call.cloned.1.call-start
scs
called_computation_lowered:
.L_overlay_start_0:
0x0: {  	s2 =	sld [smem:$0x3FD9]  }
0x1: {  	s3 =	sld [smem:$0x3FFE];
	_ =	sdelay $0x1  }
0x2: {  	s1 =	srdreg.scid  }
0x3: {  	s0 =	sand.u32 $0x1, s1  }
0x4: {  	s18 =	sshll.u32 s0, $0xA;
	s2 =	sadd.s32 s3, s2  }
0x5: {  	s2 =	sadd.s32 s2, s18  }
0x6: {  	[smem:$0x3FC6] =	sst s2  }
0x7: {  	_ = 	snop  }
0x8: {  	s2 =	sld [smem:$0x3FD0];
	(tm) =	ssettm $0x1  }
0x9: {  	s19 =	sld [smem:$0x3FFB];
	_ =	sdelay $0x3  }
0xa: {  	_ =	strace s19  }
0xb: {  	s3 =	sld [smem:$0x3FFC];
	_ =	sdelay $0x3  }
0xc: {  	_ =	strace s3  }
0xd: {  	s3 =	sld [smem:$0x3FFD];
	_ =	sdelay $0x3  }
0xe: {  	_ =	strace s3  }
0xf: {  	_ =	strace $0x8FFFFFFF  }
0x10: {  	s20 =	sld [smem:$0x3FDB];
	_ =	sdelay $0x1  }
0x11: {  	s4 =	simm.s32 $_scs_section_size  }
0x12: {  	s5 =	simm.s32 $_size__tile_overlayer_lowered;
	s6 =	simm.s32 $_tile_overlayer_lowered  }
0x13: {  	s23 =	simm.s32 $0x1BFF;
	s22 =	sshll.u32 s6, $0x1;
	s3 =	sadd.s32 s4, s20  }
0x14: {  	s7 =	simm.s32 $0x0;
	s21 =	sshll.u32 s5, $0x1;
	s5 =	sadd.s32 s22, s3  }
0x15: {  	[timem:s7], [sflag:s23] =	dma.local [hbm:s5], s21  }
0x16: {  	_ =	swait.ge [sflag:s23], s21  }
0x17: {  	s4 =	ssub.s32 $0x0, s21;
	[sflag:s23] =	ssyncset.done $0x0  }
0x18: {  	[sflag:s23] =	ssyncadd.s32 s4;
	_ =	sdelay $0x1  }
0x19: {  	s24 =	simm.s32 $0x1B8B  }
0x1a: {  	_ =	swait.ge [sflag:s24], $0x1  }
0x1b: {  	[sflag:s24] =	ssyncset.done $0x0  }
0x1c: {  	s26 =	simm.s32 $0x1B8E;
	s25 =	sld [smem:$0x3FFE];
	[sflag:s24] =	ssyncadd.s32 $0xFFFFFFFF  }
0x1d: {  	s27 =	simm.s32 $execute0_lowered;
	[smem:$0x3FD2] =	sst s26  }
0x1e: {  	s5 =	sshll.u32 s27, $0x1;
	_ =	strace $0x8000004C;
	[dreg:$0x1] =	wrdreg $0xFFFFFFFF  }
0x1f: {  	s28 =	simm.s32 $_size_execute0_lowered;
	s3 =	sadd.s32 s3, s5;
	[dreg:$0x0] =	wrdreg $0x0  }
0x20: {  	s5 =	sshll.u32 s28, $0x1;
	[dreg:$0x2] =	wrdreg s3  }
0x21: {  	[dreg:$0x3] =	wrdreg s5  }
0x22: {  	[dreg:$0x4] =	wrdreg $0xC0  }
0x23: {  	_ =	task [dreg:s7], $0x5FFFF  }
0x24: {  	[dreg:$0x1] =	wrdreg $0xFFFFFFFF  }
0x25: {  	[dreg:$0x0] =	wrdreg $0x60  }
0x26: {  	[dreg:$0x2] =	wrdreg s25  }
0x27: {  	[dreg:$0x3] =	wrdreg s2  }
0x28: {  	[dreg:$0x4] =	wrdreg $0x9  }
0x29: {  	_ =	task.clear_ibuf [dreg:s7], $0x5FFFF;
	_ =	strace $0x9000004C  }
0x2a: {  	s29 =	simm.s32 $0x9;
	_ =	strace $0x8000004E  }
0x2b: {  	_ =	swait.ge [sflag:s29], $0x1  }
0x2c: {  	[sflag:s29] =	ssyncadd.s32 $0xFFFFFFFF  }
0x2d: {  	_ =	strace $0x9000004E  }
0x2e: {  	_ =	sfence  }
0x2f: {  	s30 =	sld [smem:$0x0];
	_ =	sdelay $0x2  }
0x30: {  	s31 =	sshll.u32 s1, $0xD;
	s1 =	sshrl.u32 s1, $0x2  }
0x31: {  	s3 =	sand.u32 $0x4000, s31;
	s1 =	sadd.s32 s1, s30  }
0x32: {  	s0 =	sor.u32 s3, s0;
	s1 =	sshll.u32 s1, $0x11  }
0x33: {  	s0 =	sor.u32 s1, s0  }
0x34: {  	s0 =	sadd.s32 $0x8F2B, s0  }
0x35: {  	[sflag:s0] =	ssyncadd.remote.s32 $0x1  }
0x36: {  	_ =	sfence.sel $0xFFFF  }
0x37: {  	[dreg:$0x0] =	wrdreg $0xFFFFFFFF;
	(pc) =	sbr.abs _section_cstart, $3  }
0x38: {  	[dreg:$0x1] =	wrdreg $0xFFFFFFFF  }
0x39: {  	_ =	task.clear_ibuf [dreg:s7], $0x2FFFF;
	_ =	strace $0x9FFFFFFF  }
0x3a: {  	(tm) =	ssettm $0x7FFFFFFF  }
0x3b: {  	_ =	shalt  }
tec
execute0_lowered:
.L_overlay_start_1:
0x0: {  	(tag) =	ssettag $0x1  }
0x1: {  	s0 =	srdreg.scid  }
0x2: {  	s1 =	sshll.u32 s0, $0x4  }
0x3: {  	s0 =	stileid.u32;
	s1 =	sand.u32 $0x10, s1  }
0x4: {  	s1 =	sor.u32 s0, s1  }
0x5: {  	s6 =	rddreg [dreg:$0x0];
	s4 =	simm.s32 $0x1;
	s2 =	sshll.u32 s1, $0x7  }
0x6: {  	s7 =	simm.s32 $0x2;
	s12 =	simm.s32 $0x0;
	s1 =	ssub.s32 $0x1000, s2  }
0x7: {  	s8 =	simm.s32 $0x8000;
	s13 =	simm.s32 $0x0;
	s3 =	sand.u32 $0xF80, s1  }
0x8: {  	s9 =	simm.s32 $0x0;
	s5 =	sshrl.u32 s1, $0xC;
	p0 =	sne.s32 s3, $0x0  }
.Ltmp0:
0x9: {  	s1 =	rddreg [dreg:$0x2];
	s4 =	simm.s32 @!p0 $0x0;
	(pc) =	sbr.rel .LBB1_1-.Ltmp0, $4  }
0xa: {  	s11 =	simm.s32 $0x0;
	s3 =	rddreg [dreg:$0x1];
	s5 =	sadd.s32 s4, s5  }
0xb: {  	_ =	strace $0x8000004D;
	s4 =	simm.s32 $0x1;
	s5 =	smul.u32 $0xC8, s5  }
0xc: {  	s6 =	sadd.s32 $0x7A2200, s6;
	s10 =	smov.u32 s2;
	[sflag:s4] =	ssyncpa.u1 $0x0  }
0xd: {  	p0 =	por $0x0, $0x0;
	[sflag:s7] =	ssyncpa.u1 $0x0;
	s7 =	sor.u32 $0x1, s5  }
.LBB1_4:
0xe: {  	s16 =	sshll.u32 s13, $0x3;
	s17 =	sand.u32 $0x78, s13  }
0xf: {  	s30 =	sand.u32 $0x7E00, s13;
	s12 =	sshll.u32 s12, $0xF;
	s16 =	sand.u32 $0xC00, s16  }
0x10: {  	[tilespmem:s15+$0x810 ss:$0x81] =	vst.msk $0xffff, v2;
	s31 =	sand.u32 $0x7, s13;
	s16 =	sor.u32 s17, s16;
	s17 =	sadd.s32 s3, s30  }
0x11: {  	[tilespmem:s15+$0x1020 ss:$0x81] =	vst.msk $0xffff, v0;
	s13 =	sshll.u32 s31, $0x12;
	s12 =	sadd.s32 s12, s17;
	s16 =	sshrl.u32 s16, $0x3  }
0x12: {  	[tilespmem:s15+$0x0 ss:$0x81] =	vst.msk $0xffff, v1;
	s13 =	sor.u32 $0x400, s13;
	s12 =	sadd.s32 s16, s12  }
0x13: {  	[hbm4b:s12+s13] =	stream.strided.scatter [tilespmem:s14], [sflag:$0x2], $0x2000, s8, s13, $0x20;
	[tilespmem:$0x8080] =	vst v63  }
.LBB1_5:
0x14: {  	s14 =	sadd.s32 $0x1, s9  }
0x15: {  	s12 =	sadd.s32 $0x1000, s10;
	s16 =	smov.u32 s10;
	p2 =	sgt.s32 s14, $0xC7  }
0x16: {  	s16 =	smov.u32 @p2 s12  }
0x17: {  	s14 =	simm.s32 @p2 $0x0;
	p2 =	sgt.s32 s16, $0xFFF  }
0x18: {  	s16 =	smov.u32 @p2 s2;
	p2 =	sne.s32 s11, s7  }
.Ltmp1:
0x19: {  	p1 =	slt.u32 s11, $0x2;
	(pc) =	sbr.rel @!p2 .LBB1_6-.Ltmp1, $4  }
0x1a: {  	s15 =	simm.s32 @!p1 $0x2  }
0x1b: {  	s13 =	smov.u32 s10;
	p0 =	por !p0, !p0;
	_ =	swait.ge @!p1 [sflag:s15], $0x2000  }
0x1c: {  	s12 =	smov.u32 s9;
	[sflag:s15] =	ssyncset.done @!p1 $0x0;
	s9 =	smov.u32 s14  }
0x1d: {  	s11 =	sadd.s32 $0x1, s11;
	[sflag:s15] =	ssyncadd.s32 @!p1 $0xFFFFE000;
	s10 =	smov.u32 s16  }
.LBB1_1:
0x1e: {  	p1 =	sge.u32 s11, s5  }
0x1f: {  	s14 =	sand.u32 @!p1 $0x1FFFFFF, s9  }
0x20: {  	s15 =	smulhi.u32 @!p1 $0x147AE15, s14;
	_ =	sdelay $0x1  }
0x21: {  	s15 =	smul.u32 @!p1 $0xC8, s15  }
0x22: {  	s16 =	sxor.u32 @!p1 $0xFFFFFFFF, s11;
	s17 =	smul.u32 @!p1 $0xC80, s10  }
0x23: {  	s31 =	sadd.s32 $0xFFFFFFFF, s11;
	s16 =	sshll.u32 @!p1 s16, $0xD;
	s14 =	ssub.s32 @!p1 s14, s15  }
0x24: {  	s15 =	sand.u32 @!p1 $0x2000, s16;
	s16 =	sadd.s32 @!p1 s6, s17;
	s14 =	sshll.u32 @!p1 s14, $0x4  }
0x25: {  	s17 =	simm.s32 @!p1 $0x6400;
	s14 =	sadd.s32 @!p1 s14, s16;
	s16 =	simm.s32 @!p1 $0x40  }
0x26: {  	[tilespmem:s15], [sflag:$0x1] =	stream.strided.gather @!p1 [hbm4b:s14+s16], $0x2000, s17, s16, $0x38;
	[tilespmem:$0x8080] =	vst v63  }
0x27: {  	p1 =	sge.u32 s31, s5  }
.Ltmp2:
0x28: {  	_ = 	snop;
	(pc) =	sbr.rel @p1 .LBB1_5-.Ltmp2, $1  }
0x29: {  	_ =	sdelay $0x3  }
0x2a: {  	s14 =	simm.s32 $0x1  }
0x2b: {  	_ =	swait.ge [sflag:s4], $0x2000;
	s14 =	simm.s32 @!p0 $0x0  }
0x2c: {  	[sflag:s4] =	ssyncset.done $0x0;
	s15 =	sshll.u32 s14, $0xD  }
0x2d: {  	[sflag:s4] =	ssyncadd.s32 $0xFFFFE000;
	s18 =	sor.u32 $0x20, s15  }
0x2e: {  	s14 =	smul.u32 $0x8100, s14;
	v3 =	vld [tilespmem:s18+$0x10]  }
0x2f: {  	s30 =	sand.u32 $0x1, s11;
	v2 =	vld [tilespmem:s18+$0xFFFFFFF0]  }
0x30: {  	s15 =	smul.u32 $0x8100, s30;
	s14 =	sshrl.u32 s14, $0x2;
	v0 =	vld [tilespmem:s18+$0x0]  }
0x31: {  	v1 =	vld [tilespmem:s18+$0xFFFFFFE0];
	s16 =	sor.u32 $0x4000, s14  }
0x32: {  	s31 =	sshrl.u32 s15, $0x2;
	s15 =	sadd.s32 $0x0, s16  }
0x33: {  	s17 =	simm.s32 $0x4;
	s18 =	sadd.s32 $0x40, s18;
	s14 =	sor.u32 $0x4000, s31;
	[tilespmem:s15+$0x1830 ss:$0x81] =	vst.msk $0xffff, v3  }
.LBB1_3:
0x34: {  	v3 =	vld [tilespmem:s18+$0x10];
	p1 =	sne.s32 s17, $0x1FC;
	[tilespmem:s15+$0x810 ss:$0x81] =	vst.msk $0xffff, v2;
	s19 =	smov.u32 s17;
	s17 =	sadd.s32 $0x4, s17  }
.Ltmp3:
0x35: {  	v2 =	vld [tilespmem:s18+$0xFFFFFFF0];
	[tilespmem:s15+$0x1020 ss:$0x81] =	vst.msk $0xffff, v0;
	(pc) =	sbr.rel @p1 .LBB1_3-.Ltmp3, $4  }
0x36: {  	v0 =	vld [tilespmem:s18+$0x0];
	[tilespmem:s15+$0x0 ss:$0x81] =	vst.msk $0xffff, v1  }
0x37: {  	s15 =	sshra.s32 s19, $0x2;
	v1 =	vld [tilespmem:s18+$0xFFFFFFE0]  }
0x38: {  	s15 =	sadd.s32 s15, s16  }
0x39: {  	s18 =	sadd.s32 $0x40, s18;
	[tilespmem:s15+$0x1830 ss:$0x81] =	vst.msk $0xffff, v3  }
.Ltmp4:
0x3a: {  	_ = 	snop;
	(pc) =	sbr.rel .LBB1_4-.Ltmp4, $1  }
0x3b: {  	_ =	sdelay $0x3  }
.LBB1_6:
0x3c: {  	_ =	sfence.sel $0x180000  }
0x3d: {  	s2 =	simm.s32 $0x1;
	[bflag:$0x0] =	sbarrier.arrive $0xFFFF  }
0x3e: {  	s31 =	simm.s32 $0x2;
	[sflag:s2] =	ssyncpa.u1 $0x1  }
0x3f: {  	[sflag:s31] =	ssyncpa.u1 $0x1  }
0x40: {  	p0 =	sne.s32 s0, $0x0;
	_ =	strace $0x9000004D  }
0x41: {  	s0 =	sadd.s32 @!p0 $0x100000, s1;
	[bflag:$0x2] =	sbarrier.arrive $0xFFFF  }
0x42: {  	[sflag:s0] =	ssyncadd.tile.s32 @!p0 $0x1;
	_ =	shalt  }
.Lfunc_end1:
_tile_overlayer_lowered:
.L_overlay_start_2:
0x43: {  	(tag) =	ssettag $0x2  }
0x44: {  	s0 =	rddreg [dreg:$0x0];
	s2 =	stileid.u32  }
0x45: {  	s1 =	rddreg [dreg:$0x1];
	p0 =	sne.s32 s2, $0x0  }
0x46: {  	s3 =	rddreg [dreg:$0x2];
	[bflag:$0x3] =	sbarrier.arrive $0xFFFF;
	s2 =	simm.s32 @!p0 $0x1C01  }
0x47: {  	[timem:s3], [sflag:s2] =	dma.local @!p0 [hbm:s0], s1  }
0x48: {  	s0 =	simm.s32 @!p0 $0x1  }
0x49: {  	_ =	swait.ge @!p0 [sflag:s0], s1  }
0x4a: {  	s1 =	ssub.s32 @!p0 $0x0, s1;
	[sflag:s0] =	ssyncset.done @!p0 $0x0  }
0x4b: {  	[sflag:s0] =	ssyncadd.s32 @!p0 s1  }
0x4c: {  	[bflag:$0x3] =	sbarrier.arrive $0xFFFF  }
0x4d: {  	_ =	shalt  }

</sc_bundles>
